<compile_context>
chip_gen: v7x
topology: tpu7x:2x2x1
jax: 0.10.2.dev20260603
libtpu: 0.0.44.dev20260713+nightly
codegen_flags: <defaults>
</compile_context>

<pallas_src>
import functools

import jax
import jax.numpy as jnp
from jax import lax
from jax.experimental import pallas as pl
from jax.experimental.pallas import tpu as pltpu
from jax.experimental.pallas import tpu_sc as plsc

SEQ = 50
VOCAB = 1000
EMB = 64
HID = 128
OUT = 1000
BATCH = 16384

NC = 2
NS = 16
NW = NC * NS
HALVES = 2
BH = BATCH // HALVES
BPW = BH // NW
CW = 128
T = BPW * SEQ // CW
NBUF = 4
RB = BPW // CW


def _precompute_tables(emb, W1):
    SB = 10

    def body(emb_ref, w1_ref, p_ref):
        for i in range(SB):
            p_ref[i] = jnp.dot(emb_ref[...], w1_ref[i],
                               preferred_element_type=jnp.float32)

    return pl.pallas_call(
        body,
        grid=(SEQ // SB,),
        in_specs=[
            pl.BlockSpec((VOCAB, EMB), lambda s: (0, 0)),
            pl.BlockSpec((SB, EMB, HID), lambda s: (s, 0, 0)),
        ],
        out_specs=pl.BlockSpec((SB, VOCAB, HID), lambda s: (s, 0, 0)),
        out_shape=jax.ShapeDtypeStruct((SEQ, VOCAB, HID), jnp.float32),
    )(emb, W1.reshape(SEQ, EMB, HID))


def _sc_bag_sum(p_flat, idx, didx):
    mesh = plsc.VectorSubcoreMesh(core_axis_name="c", subcore_axis_name="s")

    @functools.partial(
        pl.kernel,
        mesh=mesh,
        out_type=jax.ShapeDtypeStruct((BH, HID), jnp.float32),
        scratch_types=[
            pltpu.VMEM((T, CW), jnp.int32),
            pltpu.VMEM((T, CW), jnp.int32),
            pltpu.VMEM((NBUF, CW, HID), jnp.float32),
            pltpu.VMEM_SHARED((BH // NC, HID), jnp.float32),
        ] + [pltpu.SemaphoreType.DMA] * (2 * NBUF),
    )
    def k(p_hbm, idx_hbm, didx_hbm, g_hbm, idx_v, didx_v, stage_v, acc_sh,
          *sems):
        cid = lax.axis_index("c")
        sid = lax.axis_index("s")
        w = cid * NS + sid
        base = w * BPW
        gsems = sems[:NBUF]
        ssems = sems[NBUF:]

        pltpu.sync_copy(idx_hbm.at[w], idx_v)
        pltpu.sync_copy(didx_hbm.at[sid], didx_v)

        def zbody(r, carry):
            for kk in range(HID // 16):
                stage_v[0, r, pl.ds(kk * 16, 16)] = jnp.zeros((16,),
                                                              jnp.float32)
            return carry

        lax.fori_loop(0, CW, zbody, 0)
        for c in range(RB):
            pltpu.sync_copy(stage_v.at[0],
                            acc_sh.at[pl.ds(sid * BPW + c * CW, CW)])

        def fire_gather(t, h):
            pltpu.async_copy(p_hbm.at[idx_v.at[t]], stage_v.at[h], gsems[h])

        def wait_gather(h):
            pltpu.make_async_copy(p_hbm.at[pl.ds(0, CW)], stage_v.at[h],
                                  gsems[h]).wait()

        def fire_scatter(t, h):
            pltpu.async_copy(stage_v.at[h], acc_sh.at[didx_v.at[t]],
                             ssems[h], add=True)

        def wait_scatter(h):
            pltpu.make_async_copy(stage_v.at[h], acc_sh.at[pl.ds(0, CW)],
                                  ssems[h]).wait()

        for h in range(NBUF):
            fire_gather(h, h)

        def body(g, carry):
            t0 = NBUF * g
            for h in range(NBUF):
                wait_gather(h)
                fire_scatter(t0 + h, h)
            for h in range(NBUF):
                wait_scatter(h)

                @pl.when(t0 + h + NBUF < T)
                def _():
                    fire_gather(t0 + h + NBUF, h)

            return carry

        lax.fori_loop(0, T // NBUF, body, 0)

        for c in range(RB):
            pltpu.sync_copy(acc_sh.at[pl.ds(sid * BPW + c * CW, CW)],
                            stage_v.at[0])
            pltpu.sync_copy(stage_v.at[0], g_hbm.at[pl.ds(base + c * CW, CW)])

    return k(p_flat, idx, didx)


def _mlp_out_half(g, W2, b1, b2, hf, out_prev=None):
    BM = 1024
    blk0 = hf * (BH // BM)

    def body(g_ref, w2_ref, b1_ref, b2_ref, *rest):
        o_ref = rest[-1]
        h = jnp.maximum(g_ref[...] + b1_ref[...], 0.0)
        ot = lax.dot_general(w2_ref[...], h, (((0,), (1,)), ((), ())),
                             preferred_element_type=jnp.float32)
        o_ref[...] = ot + b2_ref[...]

    in_specs = [
        pl.BlockSpec((BM, HID), lambda i: (i, 0)),
        pl.BlockSpec((HID, OUT), lambda i: (0, 0)),
        pl.BlockSpec((1, HID), lambda i: (0, 0)),
        pl.BlockSpec((OUT, 1), lambda i: (0, 0)),
    ]
    args = [g, W2, b1.reshape(1, HID), b2.reshape(OUT, 1)]
    kwargs = {}
    if out_prev is not None:
        in_specs.append(pl.BlockSpec(memory_space=pltpu.HBM))
        args.append(out_prev)
        kwargs["input_output_aliases"] = {4: 0}
    return pl.pallas_call(
        body,
        grid=(BH // BM,),
        in_specs=in_specs,
        out_specs=pl.BlockSpec((OUT, BM), lambda i: (0, i + blk0)),
        out_shape=jax.ShapeDtypeStruct((OUT, BATCH), jnp.float32),
        **kwargs,
    )(*args)


def kernel(x, emb, W1, b1, W2, b2):
    p = _precompute_tables(emb, W1)
    p_flat = p.reshape(SEQ * VOCAB, HID)

    flat = x.astype(jnp.int32) + (jnp.arange(SEQ, dtype=jnp.int32) * VOCAB)[None, :]

    didx = (
        (jnp.arange(NS, dtype=jnp.int32) * BPW)[:, None, None]
        + (jnp.arange(T * CW, dtype=jnp.int32) // SEQ).reshape(T, CW)[None]
    )

    halves = []
    for hf in range(HALVES):
        idx_h = flat[hf * BH:(hf + 1) * BH].reshape(NW, T, CW)
        halves.append(_sc_bag_sum(p_flat, idx_h, didx))

    out_t = _mlp_out_half(halves[0], W2, b1, b2, 0)
    out_t = _mlp_out_half(halves[1], W2, b1, b2, 1, out_prev=out_t)
    return out_t.T

# --- scband reference (transcript-rebuilt; emitter-appended) ---
"""Pipeline reference for scband-custom-model-74354473828613 (READ-ONLY COPY).

The authoritative reference and input builder live on the scoring server;
editing this copy changes nothing except your own understanding.
"""

import jax, jax.numpy as jnp
import numpy as np

SEQ_LEN = 50
VOCAB = 1000
EMB = 64
HID = 128
OUT = 1000
BATCH = 16384

def setup_inputs(seed: int = 0) -> dict:
    key = jax.random.key(seed)
    k1, k2, k3, k4, k5, k6 = jax.random.split(key, 6)
    x = jax.random.randint(k1, (BATCH, SEQ_LEN), 0, VOCAB, dtype=jnp.int64 if jax.config.jax_enable_x64 else jnp.int32)
    emb = jax.random.normal(k2, (VOCAB, EMB), dtype=jnp.float32)
    fan_in1 = SEQ_LEN * EMB
    W1 = jax.random.uniform(k3, (fan_in1, HID), dtype=jnp.float32, minval=-1.0, maxval=1.0) / np.sqrt(fan_in1)
    b1 = jax.random.uniform(k4, (HID,), dtype=jnp.float32, minval=-1.0, maxval=1.0) / np.sqrt(fan_in1)
    W2 = jax.random.uniform(k5, (HID, OUT), dtype=jnp.float32, minval=-1.0, maxval=1.0) / np.sqrt(HID)
    b2 = jax.random.uniform(k6, (OUT,), dtype=jnp.float32, minval=-1.0, maxval=1.0) / np.sqrt(HID)
    return {"x": x, "emb": emb, "W1": W1, "b1": b1, "W2": W2, "b2": b2}

def reference(x, emb, W1, b1, W2, b2):
    h = jnp.take(emb, x, axis=0)                 # [B, SEQ_LEN, EMB] embedding gather
    h = h.reshape(x.shape[0], -1)                # [B, SEQ_LEN*EMB]
    h = jnp.maximum(h @ W1 + b1, 0.0)            # Linear + ReLU
    out = h @ W2 + b2                            # Linear
    return out

if __name__ == "__main__":
    import jax
    _d = setup_inputs()
    print(jax.jit(kernel)(*tuple(_d.values())))

</pallas_src>

<mosaic_0001>
#map = affine_map<(d0, d1) -> (0, 0)>
#map1 = affine_map<(d0, d1) -> (0, 0, 0)>
module attributes {stable_mosaic.version = 14 : i64} {
  func.func @k(%arg0: i32, %arg1: i32, %arg2: memref<50000x128xf32, #tpu.memory_space<hbm>>, %arg3: memref<32x100x128xi32, #tpu.memory_space<hbm>>, %arg4: memref<16x100x128xi32, #tpu.memory_space<hbm>>, %arg5: memref<8192x128xf32, #tpu.memory_space<hbm>>, %arg6: memref<100x128xi32, #tpu.memory_space<vmem>>, %arg7: memref<100x128xi32, #tpu.memory_space<vmem>>, %arg8: memref<4x128x128xf32, #tpu.memory_space<vmem>>, %arg9: memref<4096x128xf32, #tpu.memory_space<vmem_shared>>, %arg10: memref<!tpu.dma_semaphore, #tpu.memory_space<semaphore_mem>>, %arg11: memref<!tpu.dma_semaphore, #tpu.memory_space<semaphore_mem>>, %arg12: memref<!tpu.dma_semaphore, #tpu.memory_space<semaphore_mem>>, %arg13: memref<!tpu.dma_semaphore, #tpu.memory_space<semaphore_mem>>, %arg14: memref<!tpu.dma_semaphore, #tpu.memory_space<semaphore_mem>>, %arg15: memref<!tpu.dma_semaphore, #tpu.memory_space<semaphore_mem>>, %arg16: memref<!tpu.dma_semaphore, #tpu.memory_space<semaphore_mem>>, %arg17: memref<!tpu.dma_semaphore, #tpu.memory_space<semaphore_mem>>) attributes {dimension_semantics = [#tpu.dimension_semantics<core_parallel>, #tpu.dimension_semantics<subcore_parallel>], iteration_bounds = array<i64: 2, 16>, scalar_prefetch = 0 : i64, scratch_operands = 12 : i64, tpu.core_type = #tpu.core_type<sc_vector_subcore>, window_params = [{transform_indices = #map}, {transform_indices = #map1}, {transform_indices = #map1}, {transform_indices = #map}]} {
    %mul3A = arith.constant 16 : i32
    %mul3A_0 = arith.muli %arg0, %mul3A : i32
    %add3A = arith.addi %mul3A_0, %arg1 : i32
    %mul3A_1 = arith.constant 256 : i32
    %mul3A_2 = arith.muli %add3A, %mul3A_1 : i32
    "tpu.region"() ({
      %run_scoped3A_86 = tpu.sem_alloc : memref<!tpu.dma_semaphore, #tpu.memory_space<semaphore_mem>>
      %dma_start3A_87 = arith.constant 0 : i32
      %dma_start3A_88 = arith.constant 0 : i32
      %dma_start3A_89 = tpu.memref_slice %arg3[%add3A, %dma_start3A_87, %dma_start3A_88] : memref<32x100x128xi32, #tpu.memory_space<hbm>> -> memref<1x100x128xi32, #tpu.memory_space<hbm>>
      %dma_start3A_90 = tpu.memref_squeeze %dma_start3A_89 : memref<1x100x128xi32, #tpu.memory_space<hbm>> -> memref<100x128xi32, #tpu.memory_space<hbm>>
      %dma_start3A_91 = arith.constant 0 : i32
      %dma_start3A_92 = arith.constant 0 : i32
      %dma_start3A_93 = tpu.memref_slice %arg3[%add3A, %dma_start3A_91, %dma_start3A_92] : memref<32x100x128xi32, #tpu.memory_space<hbm>> -> memref<1x100x128xi32, #tpu.memory_space<hbm>>
      %dma_start3A_94 = tpu.memref_squeeze %dma_start3A_93 : memref<1x100x128xi32, #tpu.memory_space<hbm>> -> memref<100x128xi32, #tpu.memory_space<hbm>>
      tpu.enqueue_dma source(%dma_start3A_94 : memref<100x128xi32, #tpu.memory_space<hbm>>) target(%arg6 : memref<100x128xi32, #tpu.memory_space<vmem>>) target_semaphore(%run_scoped3A_86 : memref<!tpu.dma_semaphore, #tpu.memory_space<semaphore_mem>>)
      %dma_wait3A = arith.constant 0 : i32
      %dma_wait3A_95 = arith.constant 0 : i32
      %dma_wait3A_96 = tpu.memref_slice %arg3[%add3A, %dma_wait3A, %dma_wait3A_95] : memref<32x100x128xi32, #tpu.memory_space<hbm>> -> memref<1x100x128xi32, #tpu.memory_space<hbm>>
      %dma_wait3A_97 = tpu.memref_squeeze %dma_wait3A_96 : memref<1x100x128xi32, #tpu.memory_space<hbm>> -> memref<100x128xi32, #tpu.memory_space<hbm>>
      %dma_wait3A_98 = arith.constant 0 : i32
      %dma_wait3A_99 = arith.constant 0 : i32
      %dma_wait3A_100 = tpu.memref_slice %arg3[%add3A, %dma_wait3A_98, %dma_wait3A_99] : memref<32x100x128xi32, #tpu.memory_space<hbm>> -> memref<1x100x128xi32, #tpu.memory_space<hbm>>
      %dma_wait3A_101 = tpu.memref_squeeze %dma_wait3A_100 : memref<1x100x128xi32, #tpu.memory_space<hbm>> -> memref<100x128xi32, #tpu.memory_space<hbm>>
      tpu.wait_dma2 semaphore(%run_scoped3A_86 : memref<!tpu.dma_semaphore, #tpu.memory_space<semaphore_mem>>) src(%dma_wait3A_101 : memref<100x128xi32, #tpu.memory_space<hbm>>) dst(%arg6 : memref<100x128xi32, #tpu.memory_space<vmem>>)
      tpu.yield
    }) : () -> ()
    "tpu.region"() ({
      %run_scoped3A_86 = tpu.sem_alloc : memref<!tpu.dma_semaphore, #tpu.memory_space<semaphore_mem>>
      %dma_start3A_87 = arith.constant 0 : i32
      %dma_start3A_88 = arith.constant 0 : i32
      %dma_start3A_89 = tpu.memref_slice %arg4[%arg1, %dma_start3A_87, %dma_start3A_88] : memref<16x100x128xi32, #tpu.memory_space<hbm>> -> memref<1x100x128xi32, #tpu.memory_space<hbm>>
      %dma_start3A_90 = tpu.memref_squeeze %dma_start3A_89 : memref<1x100x128xi32, #tpu.memory_space<hbm>> -> memref<100x128xi32, #tpu.memory_space<hbm>>
      %dma_start3A_91 = arith.constant 0 : i32
      %dma_start3A_92 = arith.constant 0 : i32
      %dma_start3A_93 = tpu.memref_slice %arg4[%arg1, %dma_start3A_91, %dma_start3A_92] : memref<16x100x128xi32, #tpu.memory_space<hbm>> -> memref<1x100x128xi32, #tpu.memory_space<hbm>>
      %dma_start3A_94 = tpu.memref_squeeze %dma_start3A_93 : memref<1x100x128xi32, #tpu.memory_space<hbm>> -> memref<100x128xi32, #tpu.memory_space<hbm>>
      tpu.enqueue_dma source(%dma_start3A_94 : memref<100x128xi32, #tpu.memory_space<hbm>>) target(%arg7 : memref<100x128xi32, #tpu.memory_space<vmem>>) target_semaphore(%run_scoped3A_86 : memref<!tpu.dma_semaphore, #tpu.memory_space<semaphore_mem>>)
      %dma_wait3A = arith.constant 0 : i32
      %dma_wait3A_95 = arith.constant 0 : i32
      %dma_wait3A_96 = tpu.memref_slice %arg4[%arg1, %dma_wait3A, %dma_wait3A_95] : memref<16x100x128xi32, #tpu.memory_space<hbm>> -> memref<1x100x128xi32, #tpu.memory_space<hbm>>
      %dma_wait3A_97 = tpu.memref_squeeze %dma_wait3A_96 : memref<1x100x128xi32, #tpu.memory_space<hbm>> -> memref<100x128xi32, #tpu.memory_space<hbm>>
      %dma_wait3A_98 = arith.constant 0 : i32
      %dma_wait3A_99 = arith.constant 0 : i32
      %dma_wait3A_100 = tpu.memref_slice %arg4[%arg1, %dma_wait3A_98, %dma_wait3A_99] : memref<16x100x128xi32, #tpu.memory_space<hbm>> -> memref<1x100x128xi32, #tpu.memory_space<hbm>>
      %dma_wait3A_101 = tpu.memref_squeeze %dma_wait3A_100 : memref<1x100x128xi32, #tpu.memory_space<hbm>> -> memref<100x128xi32, #tpu.memory_space<hbm>>
      tpu.wait_dma2 semaphore(%run_scoped3A_86 : memref<!tpu.dma_semaphore, #tpu.memory_space<semaphore_mem>>) src(%dma_wait3A_101 : memref<100x128xi32, #tpu.memory_space<hbm>>) dst(%arg7 : memref<100x128xi32, #tpu.memory_space<vmem>>)
      tpu.yield
    }) : () -> ()
    %scan3A = arith.constant 0 : i32
    %scan3A_3 = arith.constant 0 : i32
    %scan3A_4 = arith.constant 128 : i32
    %scan3A_5 = arith.addi %scan3A_3, %scan3A_4 : i32
    %scan3A_6 = arith.constant 1 : i32
    scf.for %scan3A_86 = %scan3A_3 to %scan3A_5 step %scan3A_6  : i32 {
      %broadcast_in_dim3A = arith.constant 0.000000e+00 : f32
      %broadcast_in_dim3A_87 = vector.broadcast %broadcast_in_dim3A : f32 to vector<16xf32>
      %swap3A = arith.constant 0 : i32
      %swap3A_88 = arith.index_cast %swap3A : i32 to index
      %swap3A_89 = arith.index_cast %scan3A_86 : i32 to index
      %swap3A_90 = arith.constant 0 : index
      %swap3A_91 = tpu.vector_load %arg8[%swap3A_88, %swap3A_89, %swap3A_90] {strides = array<i32>} : memref<4x128x128xf32, #tpu.memory_space<vmem>>, vector<1x1x16xf32>,
      %swap3A_92 = vector.shape_cast %swap3A_91 : vector<1x1x16xf32> to vector<16xf32>
      %swap3A_93 = vector.shape_cast %broadcast_in_dim3A_87 : vector<16xf32> to vector<1x1x16xf32>
      tpu.vector_store %arg8[%swap3A_88, %swap3A_89, %swap3A_90], %swap3A_93 {strides = array<i32>} : memref<4x128x128xf32, #tpu.memory_space<vmem>>, vector<1x1x16xf32>,
      %broadcast_in_dim3A_94 = arith.constant 0.000000e+00 : f32
      %broadcast_in_dim3A_95 = vector.broadcast %broadcast_in_dim3A_94 : f32 to vector<16xf32>
      %swap3A_96 = arith.constant 0 : i32
      %swap3A_97 = arith.index_cast %swap3A_96 : i32 to index
      %swap3A_98 = arith.index_cast %scan3A_86 : i32 to index
      %swap3A_99 = arith.constant 16 : index
      %swap3A_100 = tpu.vector_load %arg8[%swap3A_97, %swap3A_98, %swap3A_99] {strides = array<i32>} : memref<4x128x128xf32, #tpu.memory_space<vmem>>, vector<1x1x16xf32>,
      %swap3A_101 = vector.shape_cast %swap3A_100 : vector<1x1x16xf32> to vector<16xf32>
      %swap3A_102 = vector.shape_cast %broadcast_in_dim3A_95 : vector<16xf32> to vector<1x1x16xf32>
      tpu.vector_store %arg8[%swap3A_97, %swap3A_98, %swap3A_99], %swap3A_102 {strides = array<i32>} : memref<4x128x128xf32, #tpu.memory_space<vmem>>, vector<1x1x16xf32>,
      %broadcast_in_dim3A_103 = arith.constant 0.000000e+00 : f32
      %broadcast_in_dim3A_104 = vector.broadcast %broadcast_in_dim3A_103 : f32 to vector<16xf32>
      %swap3A_105 = arith.constant 0 : i32
      %swap3A_106 = arith.index_cast %swap3A_105 : i32 to index
      %swap3A_107 = arith.index_cast %scan3A_86 : i32 to index
      %swap3A_108 = arith.constant 32 : index
      %swap3A_109 = tpu.vector_load %arg8[%swap3A_106, %swap3A_107, %swap3A_108] {strides = array<i32>} : memref<4x128x128xf32, #tpu.memory_space<vmem>>, vector<1x1x16xf32>,
      %swap3A_110 = vector.shape_cast %swap3A_109 : vector<1x1x16xf32> to vector<16xf32>
      %swap3A_111 = vector.shape_cast %broadcast_in_dim3A_104 : vector<16xf32> to vector<1x1x16xf32>
      tpu.vector_store %arg8[%swap3A_106, %swap3A_107, %swap3A_108], %swap3A_111 {strides = array<i32>} : memref<4x128x128xf32, #tpu.memory_space<vmem>>, vector<1x1x16xf32>,
      %broadcast_in_dim3A_112 = arith.constant 0.000000e+00 : f32
      %broadcast_in_dim3A_113 = vector.broadcast %broadcast_in_dim3A_112 : f32 to vector<16xf32>
      %swap3A_114 = arith.constant 0 : i32
      %swap3A_115 = arith.index_cast %swap3A_114 : i32 to index
      %swap3A_116 = arith.index_cast %scan3A_86 : i32 to index
      %swap3A_117 = arith.constant 48 : index
      %swap3A_118 = tpu.vector_load %arg8[%swap3A_115, %swap3A_116, %swap3A_117] {strides = array<i32>} : memref<4x128x128xf32, #tpu.memory_space<vmem>>, vector<1x1x16xf32>,
      %swap3A_119 = vector.shape_cast %swap3A_118 : vector<1x1x16xf32> to vector<16xf32>
      %swap3A_120 = vector.shape_cast %broadcast_in_dim3A_113 : vector<16xf32> to vector<1x1x16xf32>
      tpu.vector_store %arg8[%swap3A_115, %swap3A_116, %swap3A_117], %swap3A_120 {strides = array<i32>} : memref<4x128x128xf32, #tpu.memory_space<vmem>>, vector<1x1x16xf32>,
      %broadcast_in_dim3A_121 = arith.constant 0.000000e+00 : f32
      %broadcast_in_dim3A_122 = vector.broadcast %broadcast_in_dim3A_121 : f32 to vector<16xf32>
      %swap3A_123 = arith.constant 0 : i32
      %swap3A_124 = arith.index_cast %swap3A_123 : i32 to index
      %swap3A_125 = arith.index_cast %scan3A_86 : i32 to index
      %swap3A_126 = arith.constant 64 : index
      %swap3A_127 = tpu.vector_load %arg8[%swap3A_124, %swap3A_125, %swap3A_126] {strides = array<i32>} : memref<4x128x128xf32, #tpu.memory_space<vmem>>, vector<1x1x16xf32>,
      %swap3A_128 = vector.shape_cast %swap3A_127 : vector<1x1x16xf32> to vector<16xf32>
      %swap3A_129 = vector.shape_cast %broadcast_in_dim3A_122 : vector<16xf32> to vector<1x1x16xf32>
      tpu.vector_store %arg8[%swap3A_124, %swap3A_125, %swap3A_126], %swap3A_129 {strides = array<i32>} : memref<4x128x128xf32, #tpu.memory_space<vmem>>, vector<1x1x16xf32>,
      %broadcast_in_dim3A_130 = arith.constant 0.000000e+00 : f32
      %broadcast_in_dim3A_131 = vector.broadcast %broadcast_in_dim3A_130 : f32 to vector<16xf32>
      %swap3A_132 = arith.constant 0 : i32
      %swap3A_133 = arith.index_cast %swap3A_132 : i32 to index
      %swap3A_134 = arith.index_cast %scan3A_86 : i32 to index
      %swap3A_135 = arith.constant 80 : index
      %swap3A_136 = tpu.vector_load %arg8[%swap3A_133, %swap3A_134, %swap3A_135] {strides = array<i32>} : memref<4x128x128xf32, #tpu.memory_space<vmem>>, vector<1x1x16xf32>,
      %swap3A_137 = vector.shape_cast %swap3A_136 : vector<1x1x16xf32> to vector<16xf32>
      %swap3A_138 = vector.shape_cast %broadcast_in_dim3A_131 : vector<16xf32> to vector<1x1x16xf32>
      tpu.vector_store %arg8[%swap3A_133, %swap3A_134, %swap3A_135], %swap3A_138 {strides = array<i32>} : memref<4x128x128xf32, #tpu.memory_space<vmem>>, vector<1x1x16xf32>,
      %broadcast_in_dim3A_139 = arith.constant 0.000000e+00 : f32
      %broadcast_in_dim3A_140 = vector.broadcast %broadcast_in_dim3A_139 : f32 to vector<16xf32>
      %swap3A_141 = arith.constant 0 : i32
      %swap3A_142 = arith.index_cast %swap3A_141 : i32 to index
      %swap3A_143 = arith.index_cast %scan3A_86 : i32 to index
      %swap3A_144 = arith.constant 96 : index
      %swap3A_145 = tpu.vector_load %arg8[%swap3A_142, %swap3A_143, %swap3A_144] {strides = array<i32>} : memref<4x128x128xf32, #tpu.memory_space<vmem>>, vector<1x1x16xf32>,
      %swap3A_146 = vector.shape_cast %swap3A_145 : vector<1x1x16xf32> to vector<16xf32>
      %swap3A_147 = vector.shape_cast %broadcast_in_dim3A_140 : vector<16xf32> to vector<1x1x16xf32>
      tpu.vector_store %arg8[%swap3A_142, %swap3A_143, %swap3A_144], %swap3A_147 {strides = array<i32>} : memref<4x128x128xf32, #tpu.memory_space<vmem>>, vector<1x1x16xf32>,
      %broadcast_in_dim3A_148 = arith.constant 0.000000e+00 : f32
      %broadcast_in_dim3A_149 = vector.broadcast %broadcast_in_dim3A_148 : f32 to vector<16xf32>
      %swap3A_150 = arith.constant 0 : i32
      %swap3A_151 = arith.index_cast %swap3A_150 : i32 to index
      %swap3A_152 = arith.index_cast %scan3A_86 : i32 to index
      %swap3A_153 = arith.constant 112 : index
      %swap3A_154 = tpu.vector_load %arg8[%swap3A_151, %swap3A_152, %swap3A_153] {strides = array<i32>} : memref<4x128x128xf32, #tpu.memory_space<vmem>>, vector<1x1x16xf32>,
      %swap3A_155 = vector.shape_cast %swap3A_154 : vector<1x1x16xf32> to vector<16xf32>
      %swap3A_156 = vector.shape_cast %broadcast_in_dim3A_149 : vector<16xf32> to vector<1x1x16xf32>
      tpu.vector_store %arg8[%swap3A_151, %swap3A_152, %swap3A_153], %swap3A_156 {strides = array<i32>} : memref<4x128x128xf32, #tpu.memory_space<vmem>>, vector<1x1x16xf32>,
    }
    %scan3A_7 = arith.constant 128 : i32
    %mul3A_8 = arith.constant 256 : i32
    %mul3A_9 = arith.muli %arg1, %mul3A_8 : i32
    %add3A_10 = arith.constant 0 : i32
    %add3A_11 = arith.addi %mul3A_9, %add3A_10 : i32
    %run_scoped3A = arith.constant 0 : i32
    "tpu.region"() ({
      %run_scoped3A_86 = tpu.sem_alloc : memref<!tpu.dma_semaphore, #tpu.memory_space<semaphore_mem>>
      %dma_start3A_87 = arith.constant 0 : i32
      %dma_start3A_88 = arith.constant 0 : i32
      %dma_start3A_89 = tpu.memref_slice %arg8[%run_scoped3A, %dma_start3A_87, %dma_start3A_88] : memref<4x128x128xf32, #tpu.memory_space<vmem>> -> memref<1x128x128xf32, #tpu.memory_space<vmem>>
      %dma_start3A_90 = tpu.memref_squeeze %dma_start3A_89 : memref<1x128x128xf32, #tpu.memory_space<vmem>> -> memref<128x128xf32, #tpu.memory_space<vmem>>
      %dma_start3A_91 = arith.constant 0 : i32
      %dma_start3A_92 = tpu.memref_slice %arg9[%add3A_11, %dma_start3A_91] : memref<4096x128xf32, #tpu.memory_space<vmem_shared>> -> memref<128x128xf32, #tpu.memory_space<vmem_shared>>
      %dma_start3A_93 = arith.constant 0 : i32
      %dma_start3A_94 = tpu.memref_slice %arg9[%add3A_11, %dma_start3A_93] : memref<4096x128xf32, #tpu.memory_space<vmem_shared>> -> memref<128x128xf32, #tpu.memory_space<vmem_shared>>
      %dma_start3A_95 = arith.constant 0 : i32
      %dma_start3A_96 = arith.constant 0 : i32
      %dma_start3A_97 = tpu.memref_slice %arg8[%run_scoped3A, %dma_start3A_95, %dma_start3A_96] : memref<4x128x128xf32, #tpu.memory_space<vmem>> -> memref<1x128x128xf32, #tpu.memory_space<vmem>>
      %dma_start3A_98 = tpu.memref_squeeze %dma_start3A_97 : memref<1x128x128xf32, #tpu.memory_space<vmem>> -> memref<128x128xf32, #tpu.memory_space<vmem>>
      tpu.enqueue_dma source(%dma_start3A_98 : memref<128x128xf32, #tpu.memory_space<vmem>>) target(%dma_start3A_94 : memref<128x128xf32, #tpu.memory_space<vmem_shared>>) target_semaphore(%run_scoped3A_86 : memref<!tpu.dma_semaphore, #tpu.memory_space<semaphore_mem>>)
      %dma_wait3A = arith.constant 0 : i32
      %dma_wait3A_99 = arith.constant 0 : i32
      %dma_wait3A_100 = tpu.memref_slice %arg8[%run_scoped3A, %dma_wait3A, %dma_wait3A_99] : memref<4x128x128xf32, #tpu.memory_space<vmem>> -> memref<1x128x128xf32, #tpu.memory_space<vmem>>
      %dma_wait3A_101 = tpu.memref_squeeze %dma_wait3A_100 : memref<1x128x128xf32, #tpu.memory_space<vmem>> -> memref<128x128xf32, #tpu.memory_space<vmem>>
      %dma_wait3A_102 = arith.constant 0 : i32
      %dma_wait3A_103 = tpu.memref_slice %arg9[%add3A_11, %dma_wait3A_102] : memref<4096x128xf32, #tpu.memory_space<vmem_shared>> -> memref<128x128xf32, #tpu.memory_space<vmem_shared>>
      %dma_wait3A_104 = arith.constant 0 : i32
      %dma_wait3A_105 = tpu.memref_slice %arg9[%add3A_11, %dma_wait3A_104] : memref<4096x128xf32, #tpu.memory_space<vmem_shared>> -> memref<128x128xf32, #tpu.memory_space<vmem_shared>>
      %dma_wait3A_106 = arith.constant 0 : i32
      %dma_wait3A_107 = arith.constant 0 : i32
      %dma_wait3A_108 = tpu.memref_slice %arg8[%run_scoped3A, %dma_wait3A_106, %dma_wait3A_107] : memref<4x128x128xf32, #tpu.memory_space<vmem>> -> memref<1x128x128xf32, #tpu.memory_space<vmem>>
      %dma_wait3A_109 = tpu.memref_squeeze %dma_wait3A_108 : memref<1x128x128xf32, #tpu.memory_space<vmem>> -> memref<128x128xf32, #tpu.memory_space<vmem>>
      tpu.wait_dma2 semaphore(%run_scoped3A_86 : memref<!tpu.dma_semaphore, #tpu.memory_space<semaphore_mem>>) src(%dma_wait3A_109 : memref<128x128xf32, #tpu.memory_space<vmem>>) dst(%dma_wait3A_105 : memref<128x128xf32, #tpu.memory_space<vmem_shared>>)
      tpu.yield
    }) : () -> ()
    %mul3A_12 = arith.constant 256 : i32
    %mul3A_13 = arith.muli %arg1, %mul3A_12 : i32
    %add3A_14 = arith.constant 128 : i32
    %add3A_15 = arith.addi %mul3A_13, %add3A_14 : i32
    %run_scoped3A_16 = arith.constant 0 : i32
    "tpu.region"() ({
      %run_scoped3A_86 = tpu.sem_alloc : memref<!tpu.dma_semaphore, #tpu.memory_space<semaphore_mem>>
      %dma_start3A_87 = arith.constant 0 : i32
      %dma_start3A_88 = arith.constant 0 : i32
      %dma_start3A_89 = tpu.memref_slice %arg8[%run_scoped3A_16, %dma_start3A_87, %dma_start3A_88] : memref<4x128x128xf32, #tpu.memory_space<vmem>> -> memref<1x128x128xf32, #tpu.memory_space<vmem>>
      %dma_start3A_90 = tpu.memref_squeeze %dma_start3A_89 : memref<1x128x128xf32, #tpu.memory_space<vmem>> -> memref<128x128xf32, #tpu.memory_space<vmem>>
      %dma_start3A_91 = arith.constant 0 : i32
      %dma_start3A_92 = tpu.memref_slice %arg9[%add3A_15, %dma_start3A_91] : memref<4096x128xf32, #tpu.memory_space<vmem_shared>> -> memref<128x128xf32, #tpu.memory_space<vmem_shared>>
      %dma_start3A_93 = arith.constant 0 : i32
      %dma_start3A_94 = tpu.memref_slice %arg9[%add3A_15, %dma_start3A_93] : memref<4096x128xf32, #tpu.memory_space<vmem_shared>> -> memref<128x128xf32, #tpu.memory_space<vmem_shared>>
      %dma_start3A_95 = arith.constant 0 : i32
      %dma_start3A_96 = arith.constant 0 : i32
      %dma_start3A_97 = tpu.memref_slice %arg8[%run_scoped3A_16, %dma_start3A_95, %dma_start3A_96] : memref<4x128x128xf32, #tpu.memory_space<vmem>> -> memref<1x128x128xf32, #tpu.memory_space<vmem>>
      %dma_start3A_98 = tpu.memref_squeeze %dma_start3A_97 : memref<1x128x128xf32, #tpu.memory_space<vmem>> -> memref<128x128xf32, #tpu.memory_space<vmem>>
      tpu.enqueue_dma source(%dma_start3A_98 : memref<128x128xf32, #tpu.memory_space<vmem>>) target(%dma_start3A_94 : memref<128x128xf32, #tpu.memory_space<vmem_shared>>) target_semaphore(%run_scoped3A_86 : memref<!tpu.dma_semaphore, #tpu.memory_space<semaphore_mem>>)
      %dma_wait3A = arith.constant 0 : i32
      %dma_wait3A_99 = arith.constant 0 : i32
      %dma_wait3A_100 = tpu.memref_slice %arg8[%run_scoped3A_16, %dma_wait3A, %dma_wait3A_99] : memref<4x128x128xf32, #tpu.memory_space<vmem>> -> memref<1x128x128xf32, #tpu.memory_space<vmem>>
      %dma_wait3A_101 = tpu.memref_squeeze %dma_wait3A_100 : memref<1x128x128xf32, #tpu.memory_space<vmem>> -> memref<128x128xf32, #tpu.memory_space<vmem>>
      %dma_wait3A_102 = arith.constant 0 : i32
      %dma_wait3A_103 = tpu.memref_slice %arg9[%add3A_15, %dma_wait3A_102] : memref<4096x128xf32, #tpu.memory_space<vmem_shared>> -> memref<128x128xf32, #tpu.memory_space<vmem_shared>>
      %dma_wait3A_104 = arith.constant 0 : i32
      %dma_wait3A_105 = tpu.memref_slice %arg9[%add3A_15, %dma_wait3A_104] : memref<4096x128xf32, #tpu.memory_space<vmem_shared>> -> memref<128x128xf32, #tpu.memory_space<vmem_shared>>
      %dma_wait3A_106 = arith.constant 0 : i32
      %dma_wait3A_107 = arith.constant 0 : i32
      %dma_wait3A_108 = tpu.memref_slice %arg8[%run_scoped3A_16, %dma_wait3A_106, %dma_wait3A_107] : memref<4x128x128xf32, #tpu.memory_space<vmem>> -> memref<1x128x128xf32, #tpu.memory_space<vmem>>
      %dma_wait3A_109 = tpu.memref_squeeze %dma_wait3A_108 : memref<1x128x128xf32, #tpu.memory_space<vmem>> -> memref<128x128xf32, #tpu.memory_space<vmem>>
      tpu.wait_dma2 semaphore(%run_scoped3A_86 : memref<!tpu.dma_semaphore, #tpu.memory_space<semaphore_mem>>) src(%dma_wait3A_109 : memref<128x128xf32, #tpu.memory_space<vmem>>) dst(%dma_wait3A_105 : memref<128x128xf32, #tpu.memory_space<vmem_shared>>)
      tpu.yield
    }) : () -> ()
    %dma_start3A = arith.constant 0 : i32
    %dma_start3A_17 = arith.constant 0 : i32
    %dma_start3A_18 = arith.constant 0 : i32
    %dma_start3A_19 = arith.constant 0 : i32
    %dma_start3A_20 = tpu.memref_slice %arg8[%dma_start3A_17, %dma_start3A_18, %dma_start3A_19] : memref<4x128x128xf32, #tpu.memory_space<vmem>> -> memref<1x128x128xf32, #tpu.memory_space<vmem>>
    %dma_start3A_21 = tpu.memref_squeeze %dma_start3A_20 : memref<1x128x128xf32, #tpu.memory_space<vmem>> -> memref<128x128xf32, #tpu.memory_space<vmem>>
    %dma_start3A_22 = arith.constant 0 : i32
    %dma_start3A_23 = tpu.memref_slice %arg6[%dma_start3A, %dma_start3A_22] : memref<100x128xi32, #tpu.memory_space<vmem>> -> memref<1x128xi32, #tpu.memory_space<vmem>>
    %dma_start3A_24 = tpu.memref_squeeze %dma_start3A_23 : memref<1x128xi32, #tpu.memory_space<vmem>> -> memref<128xi32, #tpu.memory_space<vmem>>
    %dma_start3A_25 = arith.constant 0 : i32
    %dma_start3A_26 = arith.constant 0 : i32
    %dma_start3A_27 = tpu.memref_slice %arg2[%dma_start3A_25, %dma_start3A_26] : memref<50000x128xf32, #tpu.memory_space<hbm>> -> memref<50000x128xf32, #tpu.memory_space<hbm>>
    tpu.enqueue_indirect_dma source(%dma_start3A_27 : memref<50000x128xf32, #tpu.memory_space<hbm>>) target(%dma_start3A_21 : memref<128x128xf32, #tpu.memory_space<vmem>>) offsets(%dma_start3A_24 : memref<128xi32, #tpu.memory_space<vmem>>) semaphore(%arg10 : memref<!tpu.dma_semaphore, #tpu.memory_space<semaphore_mem>>)
    %dma_start3A_28 = arith.constant 1 : i32
    %dma_start3A_29 = arith.constant 1 : i32
    %dma_start3A_30 = arith.constant 0 : i32
    %dma_start3A_31 = arith.constant 0 : i32
    %dma_start3A_32 = tpu.memref_slice %arg8[%dma_start3A_29, %dma_start3A_30, %dma_start3A_31] : memref<4x128x128xf32, #tpu.memory_space<vmem>> -> memref<1x128x128xf32, #tpu.memory_space<vmem>>
    %dma_start3A_33 = tpu.memref_squeeze %dma_start3A_32 : memref<1x128x128xf32, #tpu.memory_space<vmem>> -> memref<128x128xf32, #tpu.memory_space<vmem>>
    %dma_start3A_34 = arith.constant 0 : i32
    %dma_start3A_35 = tpu.memref_slice %arg6[%dma_start3A_28, %dma_start3A_34] : memref<100x128xi32, #tpu.memory_space<vmem>> -> memref<1x128xi32, #tpu.memory_space<vmem>>
    %dma_start3A_36 = tpu.memref_squeeze %dma_start3A_35 : memref<1x128xi32, #tpu.memory_space<vmem>> -> memref<128xi32, #tpu.memory_space<vmem>>
    %dma_start3A_37 = arith.constant 0 : i32
    %dma_start3A_38 = arith.constant 0 : i32
    %dma_start3A_39 = tpu.memref_slice %arg2[%dma_start3A_37, %dma_start3A_38] : memref<50000x128xf32, #tpu.memory_space<hbm>> -> memref<50000x128xf32, #tpu.memory_space<hbm>>
    tpu.enqueue_indirect_dma source(%dma_start3A_39 : memref<50000x128xf32, #tpu.memory_space<hbm>>) target(%dma_start3A_33 : memref<128x128xf32, #tpu.memory_space<vmem>>) offsets(%dma_start3A_36 : memref<128xi32, #tpu.memory_space<vmem>>) semaphore(%arg11 : memref<!tpu.dma_semaphore, #tpu.memory_space<semaphore_mem>>)
    %dma_start3A_40 = arith.constant 2 : i32
    %dma_start3A_41 = arith.constant 2 : i32
    %dma_start3A_42 = arith.constant 0 : i32
    %dma_start3A_43 = arith.constant 0 : i32
    %dma_start3A_44 = tpu.memref_slice %arg8[%dma_start3A_41, %dma_start3A_42, %dma_start3A_43] : memref<4x128x128xf32, #tpu.memory_space<vmem>> -> memref<1x128x128xf32, #tpu.memory_space<vmem>>
    %dma_start3A_45 = tpu.memref_squeeze %dma_start3A_44 : memref<1x128x128xf32, #tpu.memory_space<vmem>> -> memref<128x128xf32, #tpu.memory_space<vmem>>
    %dma_start3A_46 = arith.constant 0 : i32
    %dma_start3A_47 = tpu.memref_slice %arg6[%dma_start3A_40, %dma_start3A_46] : memref<100x128xi32, #tpu.memory_space<vmem>> -> memref<1x128xi32, #tpu.memory_space<vmem>>
    %dma_start3A_48 = tpu.memref_squeeze %dma_start3A_47 : memref<1x128xi32, #tpu.memory_space<vmem>> -> memref<128xi32, #tpu.memory_space<vmem>>
    %dma_start3A_49 = arith.constant 0 : i32
    %dma_start3A_50 = arith.constant 0 : i32
    %dma_start3A_51 = tpu.memref_slice %arg2[%dma_start3A_49, %dma_start3A_50] : memref<50000x128xf32, #tpu.memory_space<hbm>> -> memref<50000x128xf32, #tpu.memory_space<hbm>>
    tpu.enqueue_indirect_dma source(%dma_start3A_51 : memref<50000x128xf32, #tpu.memory_space<hbm>>) target(%dma_start3A_45 : memref<128x128xf32, #tpu.memory_space<vmem>>) offsets(%dma_start3A_48 : memref<128xi32, #tpu.memory_space<vmem>>) semaphore(%arg12 : memref<!tpu.dma_semaphore, #tpu.memory_space<semaphore_mem>>)
    %dma_start3A_52 = arith.constant 3 : i32
    %dma_start3A_53 = arith.constant 3 : i32
    %dma_start3A_54 = arith.constant 0 : i32
    %dma_start3A_55 = arith.constant 0 : i32
    %dma_start3A_56 = tpu.memref_slice %arg8[%dma_start3A_53, %dma_start3A_54, %dma_start3A_55] : memref<4x128x128xf32, #tpu.memory_space<vmem>> -> memref<1x128x128xf32, #tpu.memory_space<vmem>>
    %dma_start3A_57 = tpu.memref_squeeze %dma_start3A_56 : memref<1x128x128xf32, #tpu.memory_space<vmem>> -> memref<128x128xf32, #tpu.memory_space<vmem>>
    %dma_start3A_58 = arith.constant 0 : i32
    %dma_start3A_59 = tpu.memref_slice %arg6[%dma_start3A_52, %dma_start3A_58] : memref<100x128xi32, #tpu.memory_space<vmem>> -> memref<1x128xi32, #tpu.memory_space<vmem>>
    %dma_start3A_60 = tpu.memref_squeeze %dma_start3A_59 : memref<1x128xi32, #tpu.memory_space<vmem>> -> memref<128xi32, #tpu.memory_space<vmem>>
    %dma_start3A_61 = arith.constant 0 : i32
    %dma_start3A_62 = arith.constant 0 : i32
    %dma_start3A_63 = tpu.memref_slice %arg2[%dma_start3A_61, %dma_start3A_62] : memref<50000x128xf32, #tpu.memory_space<hbm>> -> memref<50000x128xf32, #tpu.memory_space<hbm>>
    tpu.enqueue_indirect_dma source(%dma_start3A_63 : memref<50000x128xf32, #tpu.memory_space<hbm>>) target(%dma_start3A_57 : memref<128x128xf32, #tpu.memory_space<vmem>>) offsets(%dma_start3A_60 : memref<128xi32, #tpu.memory_space<vmem>>) semaphore(%arg13 : memref<!tpu.dma_semaphore, #tpu.memory_space<semaphore_mem>>)
    %scan3A_64 = arith.constant 0 : i32
    %scan3A_65 = arith.constant 0 : i32
    %scan3A_66 = arith.constant 25 : i32
    %scan3A_67 = arith.addi %scan3A_65, %scan3A_66 : i32
    %scan3A_68 = arith.constant 1 : i32
    scf.for %scan3A_86 = %scan3A_65 to %scan3A_67 step %scan3A_68  : i32 {
      %mul3A_87 = arith.constant 4 : i32
      %mul3A_88 = arith.muli %mul3A_87, %scan3A_86 : i32
      %dma_wait3A = arith.constant 0 : i32
      %dma_wait3A_89 = arith.constant 0 : i32
      %dma_wait3A_90 = arith.constant 0 : i32
      %dma_wait3A_91 = tpu.memref_slice %arg8[%dma_wait3A, %dma_wait3A_89, %dma_wait3A_90] : memref<4x128x128xf32, #tpu.memory_space<vmem>> -> memref<1x128x128xf32, #tpu.memory_space<vmem>>
      %dma_wait3A_92 = tpu.memref_squeeze %dma_wait3A_91 : memref<1x128x128xf32, #tpu.memory_space<vmem>> -> memref<128x128xf32, #tpu.memory_space<vmem>>
      %dma_wait3A_93 = arith.constant 0 : i32
      %dma_wait3A_94 = arith.constant 0 : i32
      %dma_wait3A_95 = tpu.memref_slice %arg2[%dma_wait3A_93, %dma_wait3A_94] : memref<50000x128xf32, #tpu.memory_space<hbm>> -> memref<128x128xf32, #tpu.memory_space<hbm>>
      %dma_wait3A_96 = arith.constant 0 : i32
      %dma_wait3A_97 = arith.constant 0 : i32
      %dma_wait3A_98 = tpu.memref_slice %arg8[%dma_wait3A, %dma_wait3A_96, %dma_wait3A_97] : memref<4x128x128xf32, #tpu.memory_space<vmem>> -> memref<1x128x128xf32, #tpu.memory_space<vmem>>
      %dma_wait3A_99 = tpu.memref_squeeze %dma_wait3A_98 : memref<1x128x128xf32, #tpu.memory_space<vmem>> -> memref<128x128xf32, #tpu.memory_space<vmem>>
      %dma_wait3A_100 = arith.constant 0 : i32
      %dma_wait3A_101 = arith.constant 0 : i32
      %dma_wait3A_102 = tpu.memref_slice %arg2[%dma_wait3A_100, %dma_wait3A_101] : memref<50000x128xf32, #tpu.memory_space<hbm>> -> memref<128x128xf32, #tpu.memory_space<hbm>>
      tpu.wait_dma2 semaphore(%arg10 : memref<!tpu.dma_semaphore, #tpu.memory_space<semaphore_mem>>) src(%dma_wait3A_102 : memref<128x128xf32, #tpu.memory_space<hbm>>) dst(%dma_wait3A_99 : memref<128x128xf32, #tpu.memory_space<vmem>>)
      %add3A_103 = arith.constant 0 : i32
      %add3A_104 = arith.addi %mul3A_88, %add3A_103 : i32
      %dma_start3A_105 = arith.constant 0 : i32
      %dma_start3A_106 = arith.constant 0 : i32
      %dma_start3A_107 = arith.constant 0 : i32
      %dma_start3A_108 = tpu.memref_slice %arg8[%dma_start3A_105, %dma_start3A_106, %dma_start3A_107] : memref<4x128x128xf32, #tpu.memory_space<vmem>> -> memref<1x128x128xf32, #tpu.memory_space<vmem>>
      %dma_start3A_109 = tpu.memref_squeeze %dma_start3A_108 : memref<1x128x128xf32, #tpu.memory_space<vmem>> -> memref<128x128xf32, #tpu.memory_space<vmem>>
      %dma_start3A_110 = arith.constant 0 : i32
      %dma_start3A_111 = tpu.memref_slice %arg7[%add3A_104, %dma_start3A_110] : memref<100x128xi32, #tpu.memory_space<vmem>> -> memref<1x128xi32, #tpu.memory_space<vmem>>
      %dma_start3A_112 = tpu.memref_squeeze %dma_start3A_111 : memref<1x128xi32, #tpu.memory_space<vmem>> -> memref<128xi32, #tpu.memory_space<vmem>>
      %dma_start3A_113 = arith.constant 0 : i32
      %dma_start3A_114 = arith.constant 0 : i32
      %dma_start3A_115 = tpu.memref_slice %arg9[%dma_start3A_113, %dma_start3A_114] : memref<4096x128xf32, #tpu.memory_space<vmem_shared>> -> memref<4096x128xf32, #tpu.memory_space<vmem_shared>>
      tpu.enqueue_indirect_dma source(%dma_start3A_109 : memref<128x128xf32, #tpu.memory_space<vmem>>) target(%dma_start3A_115 : memref<4096x128xf32, #tpu.memory_space<vmem_shared>>) offsets(%dma_start3A_112 : memref<128xi32, #tpu.memory_space<vmem>>) semaphore(%arg14 : memref<!tpu.dma_semaphore, #tpu.memory_space<semaphore_mem>>) {add = true}
      %dma_wait3A_116 = arith.constant 1 : i32
      %dma_wait3A_117 = arith.constant 0 : i32
      %dma_wait3A_118 = arith.constant 0 : i32
      %dma_wait3A_119 = tpu.memref_slice %arg8[%dma_wait3A_116, %dma_wait3A_117, %dma_wait3A_118] : memref<4x128x128xf32, #tpu.memory_space<vmem>> -> memref<1x128x128xf32, #tpu.memory_space<vmem>>
      %dma_wait3A_120 = tpu.memref_squeeze %dma_wait3A_119 : memref<1x128x128xf32, #tpu.memory_space<vmem>> -> memref<128x128xf32, #tpu.memory_space<vmem>>
      %dma_wait3A_121 = arith.constant 0 : i32
      %dma_wait3A_122 = arith.constant 0 : i32
      %dma_wait3A_123 = tpu.memref_slice %arg2[%dma_wait3A_121, %dma_wait3A_122] : memref<50000x128xf32, #tpu.memory_space<hbm>> -> memref<128x128xf32, #tpu.memory_space<hbm>>
      %dma_wait3A_124 = arith.constant 0 : i32
      %dma_wait3A_125 = arith.constant 0 : i32
      %dma_wait3A_126 = tpu.memref_slice %arg8[%dma_wait3A_116, %dma_wait3A_124, %dma_wait3A_125] : memref<4x128x128xf32, #tpu.memory_space<vmem>> -> memref<1x128x128xf32, #tpu.memory_space<vmem>>
      %dma_wait3A_127 = tpu.memref_squeeze %dma_wait3A_126 : memref<1x128x128xf32, #tpu.memory_space<vmem>> -> memref<128x128xf32, #tpu.memory_space<vmem>>
      %dma_wait3A_128 = arith.constant 0 : i32
      %dma_wait3A_129 = arith.constant 0 : i32
      %dma_wait3A_130 = tpu.memref_slice %arg2[%dma_wait3A_128, %dma_wait3A_129] : memref<50000x128xf32, #tpu.memory_space<hbm>> -> memref<128x128xf32, #tpu.memory_space<hbm>>
      tpu.wait_dma2 semaphore(%arg11 : memref<!tpu.dma_semaphore, #tpu.memory_space<semaphore_mem>>) src(%dma_wait3A_130 : memref<128x128xf32, #tpu.memory_space<hbm>>) dst(%dma_wait3A_127 : memref<128x128xf32, #tpu.memory_space<vmem>>)
      %add3A_131 = arith.constant 1 : i32
      %add3A_132 = arith.addi %mul3A_88, %add3A_131 : i32
      %dma_start3A_133 = arith.constant 1 : i32
      %dma_start3A_134 = arith.constant 0 : i32
      %dma_start3A_135 = arith.constant 0 : i32
      %dma_start3A_136 = tpu.memref_slice %arg8[%dma_start3A_133, %dma_start3A_134, %dma_start3A_135] : memref<4x128x128xf32, #tpu.memory_space<vmem>> -> memref<1x128x128xf32, #tpu.memory_space<vmem>>
      %dma_start3A_137 = tpu.memref_squeeze %dma_start3A_136 : memref<1x128x128xf32, #tpu.memory_space<vmem>> -> memref<128x128xf32, #tpu.memory_space<vmem>>
      %dma_start3A_138 = arith.constant 0 : i32
      %dma_start3A_139 = tpu.memref_slice %arg7[%add3A_132, %dma_start3A_138] : memref<100x128xi32, #tpu.memory_space<vmem>> -> memref<1x128xi32, #tpu.memory_space<vmem>>
      %dma_start3A_140 = tpu.memref_squeeze %dma_start3A_139 : memref<1x128xi32, #tpu.memory_space<vmem>> -> memref<128xi32, #tpu.memory_space<vmem>>
      %dma_start3A_141 = arith.constant 0 : i32
      %dma_start3A_142 = arith.constant 0 : i32
      %dma_start3A_143 = tpu.memref_slice %arg9[%dma_start3A_141, %dma_start3A_142] : memref<4096x128xf32, #tpu.memory_space<vmem_shared>> -> memref<4096x128xf32, #tpu.memory_space<vmem_shared>>
      tpu.enqueue_indirect_dma source(%dma_start3A_137 : memref<128x128xf32, #tpu.memory_space<vmem>>) target(%dma_start3A_143 : memref<4096x128xf32, #tpu.memory_space<vmem_shared>>) offsets(%dma_start3A_140 : memref<128xi32, #tpu.memory_space<vmem>>) semaphore(%arg15 : memref<!tpu.dma_semaphore, #tpu.memory_space<semaphore_mem>>) {add = true}
      %dma_wait3A_144 = arith.constant 2 : i32
      %dma_wait3A_145 = arith.constant 0 : i32
      %dma_wait3A_146 = arith.constant 0 : i32
      %dma_wait3A_147 = tpu.memref_slice %arg8[%dma_wait3A_144, %dma_wait3A_145, %dma_wait3A_146] : memref<4x128x128xf32, #tpu.memory_space<vmem>> -> memref<1x128x128xf32, #tpu.memory_space<vmem>>
      %dma_wait3A_148 = tpu.memref_squeeze %dma_wait3A_147 : memref<1x128x128xf32, #tpu.memory_space<vmem>> -> memref<128x128xf32, #tpu.memory_space<vmem>>
      %dma_wait3A_149 = arith.constant 0 : i32
      %dma_wait3A_150 = arith.constant 0 : i32
      %dma_wait3A_151 = tpu.memref_slice %arg2[%dma_wait3A_149, %dma_wait3A_150] : memref<50000x128xf32, #tpu.memory_space<hbm>> -> memref<128x128xf32, #tpu.memory_space<hbm>>
      %dma_wait3A_152 = arith.constant 0 : i32
      %dma_wait3A_153 = arith.constant 0 : i32
      %dma_wait3A_154 = tpu.memref_slice %arg8[%dma_wait3A_144, %dma_wait3A_152, %dma_wait3A_153] : memref<4x128x128xf32, #tpu.memory_space<vmem>> -> memref<1x128x128xf32, #tpu.memory_space<vmem>>
      %dma_wait3A_155 = tpu.memref_squeeze %dma_wait3A_154 : memref<1x128x128xf32, #tpu.memory_space<vmem>> -> memref<128x128xf32, #tpu.memory_space<vmem>>
      %dma_wait3A_156 = arith.constant 0 : i32
      %dma_wait3A_157 = arith.constant 0 : i32
      %dma_wait3A_158 = tpu.memref_slice %arg2[%dma_wait3A_156, %dma_wait3A_157] : memref<50000x128xf32, #tpu.memory_space<hbm>> -> memref<128x128xf32, #tpu.memory_space<hbm>>
      tpu.wait_dma2 semaphore(%arg12 : memref<!tpu.dma_semaphore, #tpu.memory_space<semaphore_mem>>) src(%dma_wait3A_158 : memref<128x128xf32, #tpu.memory_space<hbm>>) dst(%dma_wait3A_155 : memref<128x128xf32, #tpu.memory_space<vmem>>)
      %add3A_159 = arith.constant 2 : i32
      %add3A_160 = arith.addi %mul3A_88, %add3A_159 : i32
      %dma_start3A_161 = arith.constant 2 : i32
      %dma_start3A_162 = arith.constant 0 : i32
      %dma_start3A_163 = arith.constant 0 : i32
      %dma_start3A_164 = tpu.memref_slice %arg8[%dma_start3A_161, %dma_start3A_162, %dma_start3A_163] : memref<4x128x128xf32, #tpu.memory_space<vmem>> -> memref<1x128x128xf32, #tpu.memory_space<vmem>>
      %dma_start3A_165 = tpu.memref_squeeze %dma_start3A_164 : memref<1x128x128xf32, #tpu.memory_space<vmem>> -> memref<128x128xf32, #tpu.memory_space<vmem>>
      %dma_start3A_166 = arith.constant 0 : i32
      %dma_start3A_167 = tpu.memref_slice %arg7[%add3A_160, %dma_start3A_166] : memref<100x128xi32, #tpu.memory_space<vmem>> -> memref<1x128xi32, #tpu.memory_space<vmem>>
      %dma_start3A_168 = tpu.memref_squeeze %dma_start3A_167 : memref<1x128xi32, #tpu.memory_space<vmem>> -> memref<128xi32, #tpu.memory_space<vmem>>
      %dma_start3A_169 = arith.constant 0 : i32
      %dma_start3A_170 = arith.constant 0 : i32
      %dma_start3A_171 = tpu.memref_slice %arg9[%dma_start3A_169, %dma_start3A_170] : memref<4096x128xf32, #tpu.memory_space<vmem_shared>> -> memref<4096x128xf32, #tpu.memory_space<vmem_shared>>
      tpu.enqueue_indirect_dma source(%dma_start3A_165 : memref<128x128xf32, #tpu.memory_space<vmem>>) target(%dma_start3A_171 : memref<4096x128xf32, #tpu.memory_space<vmem_shared>>) offsets(%dma_start3A_168 : memref<128xi32, #tpu.memory_space<vmem>>) semaphore(%arg16 : memref<!tpu.dma_semaphore, #tpu.memory_space<semaphore_mem>>) {add = true}
      %dma_wait3A_172 = arith.constant 3 : i32
      %dma_wait3A_173 = arith.constant 0 : i32
      %dma_wait3A_174 = arith.constant 0 : i32
      %dma_wait3A_175 = tpu.memref_slice %arg8[%dma_wait3A_172, %dma_wait3A_173, %dma_wait3A_174] : memref<4x128x128xf32, #tpu.memory_space<vmem>> -> memref<1x128x128xf32, #tpu.memory_space<vmem>>
      %dma_wait3A_176 = tpu.memref_squeeze %dma_wait3A_175 : memref<1x128x128xf32, #tpu.memory_space<vmem>> -> memref<128x128xf32, #tpu.memory_space<vmem>>
      %dma_wait3A_177 = arith.constant 0 : i32
      %dma_wait3A_178 = arith.constant 0 : i32
      %dma_wait3A_179 = tpu.memref_slice %arg2[%dma_wait3A_177, %dma_wait3A_178] : memref<50000x128xf32, #tpu.memory_space<hbm>> -> memref<128x128xf32, #tpu.memory_space<hbm>>
      %dma_wait3A_180 = arith.constant 0 : i32
      %dma_wait3A_181 = arith.constant 0 : i32
      %dma_wait3A_182 = tpu.memref_slice %arg8[%dma_wait3A_172, %dma_wait3A_180, %dma_wait3A_181] : memref<4x128x128xf32, #tpu.memory_space<vmem>> -> memref<1x128x128xf32, #tpu.memory_space<vmem>>
      %dma_wait3A_183 = tpu.memref_squeeze %dma_wait3A_182 : memref<1x128x128xf32, #tpu.memory_space<vmem>> -> memref<128x128xf32, #tpu.memory_space<vmem>>
      %dma_wait3A_184 = arith.constant 0 : i32
      %dma_wait3A_185 = arith.constant 0 : i32
      %dma_wait3A_186 = tpu.memref_slice %arg2[%dma_wait3A_184, %dma_wait3A_185] : memref<50000x128xf32, #tpu.memory_space<hbm>> -> memref<128x128xf32, #tpu.memory_space<hbm>>
      tpu.wait_dma2 semaphore(%arg13 : memref<!tpu.dma_semaphore, #tpu.memory_space<semaphore_mem>>) src(%dma_wait3A_186 : memref<128x128xf32, #tpu.memory_space<hbm>>) dst(%dma_wait3A_183 : memref<128x128xf32, #tpu.memory_space<vmem>>)
      %add3A_187 = arith.constant 3 : i32
      %add3A_188 = arith.addi %mul3A_88, %add3A_187 : i32
      %dma_start3A_189 = arith.constant 3 : i32
      %dma_start3A_190 = arith.constant 0 : i32
      %dma_start3A_191 = arith.constant 0 : i32
      %dma_start3A_192 = tpu.memref_slice %arg8[%dma_start3A_189, %dma_start3A_190, %dma_start3A_191] : memref<4x128x128xf32, #tpu.memory_space<vmem>> -> memref<1x128x128xf32, #tpu.memory_space<vmem>>
      %dma_start3A_193 = tpu.memref_squeeze %dma_start3A_192 : memref<1x128x128xf32, #tpu.memory_space<vmem>> -> memref<128x128xf32, #tpu.memory_space<vmem>>
      %dma_start3A_194 = arith.constant 0 : i32
      %dma_start3A_195 = tpu.memref_slice %arg7[%add3A_188, %dma_start3A_194] : memref<100x128xi32, #tpu.memory_space<vmem>> -> memref<1x128xi32, #tpu.memory_space<vmem>>
      %dma_start3A_196 = tpu.memref_squeeze %dma_start3A_195 : memref<1x128xi32, #tpu.memory_space<vmem>> -> memref<128xi32, #tpu.memory_space<vmem>>
      %dma_start3A_197 = arith.constant 0 : i32
      %dma_start3A_198 = arith.constant 0 : i32
      %dma_start3A_199 = tpu.memref_slice %arg9[%dma_start3A_197, %dma_start3A_198] : memref<4096x128xf32, #tpu.memory_space<vmem_shared>> -> memref<4096x128xf32, #tpu.memory_space<vmem_shared>>
      tpu.enqueue_indirect_dma source(%dma_start3A_193 : memref<128x128xf32, #tpu.memory_space<vmem>>) target(%dma_start3A_199 : memref<4096x128xf32, #tpu.memory_space<vmem_shared>>) offsets(%dma_start3A_196 : memref<128xi32, #tpu.memory_space<vmem>>) semaphore(%arg17 : memref<!tpu.dma_semaphore, #tpu.memory_space<semaphore_mem>>) {add = true}
      %dma_wait3A_200 = arith.constant 0 : i32
      %dma_wait3A_201 = arith.constant 0 : i32
      %dma_wait3A_202 = arith.constant 0 : i32
      %dma_wait3A_203 = tpu.memref_slice %arg8[%dma_wait3A_200, %dma_wait3A_201, %dma_wait3A_202] : memref<4x128x128xf32, #tpu.memory_space<vmem>> -> memref<1x128x128xf32, #tpu.memory_space<vmem>>
      %dma_wait3A_204 = tpu.memref_squeeze %dma_wait3A_203 : memref<1x128x128xf32, #tpu.memory_space<vmem>> -> memref<128x128xf32, #tpu.memory_space<vmem>>
      %dma_wait3A_205 = arith.constant 0 : i32
      %dma_wait3A_206 = arith.constant 0 : i32
      %dma_wait3A_207 = tpu.memref_slice %arg9[%dma_wait3A_205, %dma_wait3A_206] : memref<4096x128xf32, #tpu.memory_space<vmem_shared>> -> memref<128x128xf32, #tpu.memory_space<vmem_shared>>
      %dma_wait3A_208 = arith.constant 0 : i32
      %dma_wait3A_209 = arith.constant 0 : i32
      %dma_wait3A_210 = tpu.memref_slice %arg9[%dma_wait3A_208, %dma_wait3A_209] : memref<4096x128xf32, #tpu.memory_space<vmem_shared>> -> memref<128x128xf32, #tpu.memory_space<vmem_shared>>
      %dma_wait3A_211 = arith.constant 0 : i32
      %dma_wait3A_212 = arith.constant 0 : i32
      %dma_wait3A_213 = tpu.memref_slice %arg8[%dma_wait3A_200, %dma_wait3A_211, %dma_wait3A_212] : memref<4x128x128xf32, #tpu.memory_space<vmem>> -> memref<1x128x128xf32, #tpu.memory_space<vmem>>
      %dma_wait3A_214 = tpu.memref_squeeze %dma_wait3A_213 : memref<1x128x128xf32, #tpu.memory_space<vmem>> -> memref<128x128xf32, #tpu.memory_space<vmem>>
      tpu.wait_dma2 semaphore(%arg14 : memref<!tpu.dma_semaphore, #tpu.memory_space<semaphore_mem>>) src(%dma_wait3A_214 : memref<128x128xf32, #tpu.memory_space<vmem>>) dst(%dma_wait3A_210 : memref<128x128xf32, #tpu.memory_space<vmem_shared>>)
      %add3A_215 = arith.constant 0 : i32
      %add3A_216 = arith.addi %mul3A_88, %add3A_215 : i32
      %add3A_217 = arith.constant 4 : i32
      %add3A_218 = arith.addi %add3A_216, %add3A_217 : i32
      %lt3A = arith.constant 100 : i32
      %lt3A_219 = arith.cmpi slt, %add3A_218, %lt3A : i32
      %convert_element_type3A = arith.extui %lt3A_219 : i1 to i32
      %cond3A = arith.constant 0 : i32
      %cond3A_220 = arith.cmpi ne, %convert_element_type3A, %cond3A : i32
      scf.if %cond3A_220 {
        %add3A_293 = arith.constant 0 : i32
        %add3A_294 = arith.addi %mul3A_88, %add3A_293 : i32
        %add3A_295 = arith.constant 4 : i32
        %add3A_296 = arith.addi %add3A_294, %add3A_295 : i32
        %dma_start3A_297 = arith.constant 0 : i32
        %dma_start3A_298 = arith.constant 0 : i32
        %dma_start3A_299 = arith.constant 0 : i32
        %dma_start3A_300 = tpu.memref_slice %arg8[%dma_start3A_297, %dma_start3A_298, %dma_start3A_299] : memref<4x128x128xf32, #tpu.memory_space<vmem>> -> memref<1x128x128xf32, #tpu.memory_space<vmem>>
        %dma_start3A_301 = tpu.memref_squeeze %dma_start3A_300 : memref<1x128x128xf32, #tpu.memory_space<vmem>> -> memref<128x128xf32, #tpu.memory_space<vmem>>
        %dma_start3A_302 = arith.constant 0 : i32
        %dma_start3A_303 = tpu.memref_slice %arg6[%add3A_296, %dma_start3A_302] : memref<100x128xi32, #tpu.memory_space<vmem>> -> memref<1x128xi32, #tpu.memory_space<vmem>>
        %dma_start3A_304 = tpu.memref_squeeze %dma_start3A_303 : memref<1x128xi32, #tpu.memory_space<vmem>> -> memref<128xi32, #tpu.memory_space<vmem>>
        %dma_start3A_305 = arith.constant 0 : i32
        %dma_start3A_306 = arith.constant 0 : i32
        %dma_start3A_307 = tpu.memref_slice %arg2[%dma_start3A_305, %dma_start3A_306] : memref<50000x128xf32, #tpu.memory_space<hbm>> -> memref<50000x128xf32, #tpu.memory_space<hbm>>
        tpu.enqueue_indirect_dma source(%dma_start3A_307 : memref<50000x128xf32, #tpu.memory_space<hbm>>) target(%dma_start3A_301 : memref<128x128xf32, #tpu.memory_space<vmem>>) offsets(%dma_start3A_304 : memref<128xi32, #tpu.memory_space<vmem>>) semaphore(%arg10 : memref<!tpu.dma_semaphore, #tpu.memory_space<semaphore_mem>>)
      } else {
      }
      %dma_wait3A_221 = arith.constant 1 : i32
      %dma_wait3A_222 = arith.constant 0 : i32
      %dma_wait3A_223 = arith.constant 0 : i32
      %dma_wait3A_224 = tpu.memref_slice %arg8[%dma_wait3A_221, %dma_wait3A_222, %dma_wait3A_223] : memref<4x128x128xf32, #tpu.memory_space<vmem>> -> memref<1x128x128xf32, #tpu.memory_space<vmem>>
      %dma_wait3A_225 = tpu.memref_squeeze %dma_wait3A_224 : memref<1x128x128xf32, #tpu.memory_space<vmem>> -> memref<128x128xf32, #tpu.memory_space<vmem>>
      %dma_wait3A_226 = arith.constant 0 : i32
      %dma_wait3A_227 = arith.constant 0 : i32
      %dma_wait3A_228 = tpu.memref_slice %arg9[%dma_wait3A_226, %dma_wait3A_227] : memref<4096x128xf32, #tpu.memory_space<vmem_shared>> -> memref<128x128xf32, #tpu.memory_space<vmem_shared>>
      %dma_wait3A_229 = arith.constant 0 : i32
      %dma_wait3A_230 = arith.constant 0 : i32
      %dma_wait3A_231 = tpu.memref_slice %arg9[%dma_wait3A_229, %dma_wait3A_230] : memref<4096x128xf32, #tpu.memory_space<vmem_shared>> -> memref<128x128xf32, #tpu.memory_space<vmem_shared>>
      %dma_wait3A_232 = arith.constant 0 : i32
      %dma_wait3A_233 = arith.constant 0 : i32
      %dma_wait3A_234 = tpu.memref_slice %arg8[%dma_wait3A_221, %dma_wait3A_232, %dma_wait3A_233] : memref<4x128x128xf32, #tpu.memory_space<vmem>> -> memref<1x128x128xf32, #tpu.memory_space<vmem>>
      %dma_wait3A_235 = tpu.memref_squeeze %dma_wait3A_234 : memref<1x128x128xf32, #tpu.memory_space<vmem>> -> memref<128x128xf32, #tpu.memory_space<vmem>>
      tpu.wait_dma2 semaphore(%arg15 : memref<!tpu.dma_semaphore, #tpu.memory_space<semaphore_mem>>) src(%dma_wait3A_235 : memref<128x128xf32, #tpu.memory_space<vmem>>) dst(%dma_wait3A_231 : memref<128x128xf32, #tpu.memory_space<vmem_shared>>)
      %add3A_236 = arith.constant 1 : i32
      %add3A_237 = arith.addi %mul3A_88, %add3A_236 : i32
      %add3A_238 = arith.constant 4 : i32
      %add3A_239 = arith.addi %add3A_237, %add3A_238 : i32
      %lt3A_240 = arith.constant 100 : i32
      %lt3A_241 = arith.cmpi slt, %add3A_239, %lt3A_240 : i32
      %convert_element_type3A_242 = arith.extui %lt3A_241 : i1 to i32
      %cond3A_243 = arith.constant 0 : i32
      %cond3A_244 = arith.cmpi ne, %convert_element_type3A_242, %cond3A_243 : i32
      scf.if %cond3A_244 {
        %add3A_293 = arith.constant 1 : i32
        %add3A_294 = arith.addi %mul3A_88, %add3A_293 : i32
        %add3A_295 = arith.constant 4 : i32
        %add3A_296 = arith.addi %add3A_294, %add3A_295 : i32
        %dma_start3A_297 = arith.constant 1 : i32
        %dma_start3A_298 = arith.constant 0 : i32
        %dma_start3A_299 = arith.constant 0 : i32
        %dma_start3A_300 = tpu.memref_slice %arg8[%dma_start3A_297, %dma_start3A_298, %dma_start3A_299] : memref<4x128x128xf32, #tpu.memory_space<vmem>> -> memref<1x128x128xf32, #tpu.memory_space<vmem>>
        %dma_start3A_301 = tpu.memref_squeeze %dma_start3A_300 : memref<1x128x128xf32, #tpu.memory_space<vmem>> -> memref<128x128xf32, #tpu.memory_space<vmem>>
        %dma_start3A_302 = arith.constant 0 : i32
        %dma_start3A_303 = tpu.memref_slice %arg6[%add3A_296, %dma_start3A_302] : memref<100x128xi32, #tpu.memory_space<vmem>> -> memref<1x128xi32, #tpu.memory_space<vmem>>
        %dma_start3A_304 = tpu.memref_squeeze %dma_start3A_303 : memref<1x128xi32, #tpu.memory_space<vmem>> -> memref<128xi32, #tpu.memory_space<vmem>>
        %dma_start3A_305 = arith.constant 0 : i32
        %dma_start3A_306 = arith.constant 0 : i32
        %dma_start3A_307 = tpu.memref_slice %arg2[%dma_start3A_305, %dma_start3A_306] : memref<50000x128xf32, #tpu.memory_space<hbm>> -> memref<50000x128xf32, #tpu.memory_space<hbm>>
        tpu.enqueue_indirect_dma source(%dma_start3A_307 : memref<50000x128xf32, #tpu.memory_space<hbm>>) target(%dma_start3A_301 : memref<128x128xf32, #tpu.memory_space<vmem>>) offsets(%dma_start3A_304 : memref<128xi32, #tpu.memory_space<vmem>>) semaphore(%arg11 : memref<!tpu.dma_semaphore, #tpu.memory_space<semaphore_mem>>)
      } else {
      }
      %dma_wait3A_245 = arith.constant 2 : i32
      %dma_wait3A_246 = arith.constant 0 : i32
      %dma_wait3A_247 = arith.constant 0 : i32
      %dma_wait3A_248 = tpu.memref_slice %arg8[%dma_wait3A_245, %dma_wait3A_246, %dma_wait3A_247] : memref<4x128x128xf32, #tpu.memory_space<vmem>> -> memref<1x128x128xf32, #tpu.memory_space<vmem>>
      %dma_wait3A_249 = tpu.memref_squeeze %dma_wait3A_248 : memref<1x128x128xf32, #tpu.memory_space<vmem>> -> memref<128x128xf32, #tpu.memory_space<vmem>>
      %dma_wait3A_250 = arith.constant 0 : i32
      %dma_wait3A_251 = arith.constant 0 : i32
      %dma_wait3A_252 = tpu.memref_slice %arg9[%dma_wait3A_250, %dma_wait3A_251] : memref<4096x128xf32, #tpu.memory_space<vmem_shared>> -> memref<128x128xf32, #tpu.memory_space<vmem_shared>>
      %dma_wait3A_253 = arith.constant 0 : i32
      %dma_wait3A_254 = arith.constant 0 : i32
      %dma_wait3A_255 = tpu.memref_slice %arg9[%dma_wait3A_253, %dma_wait3A_254] : memref<4096x128xf32, #tpu.memory_space<vmem_shared>> -> memref<128x128xf32, #tpu.memory_space<vmem_shared>>
      %dma_wait3A_256 = arith.constant 0 : i32
      %dma_wait3A_257 = arith.constant 0 : i32
      %dma_wait3A_258 = tpu.memref_slice %arg8[%dma_wait3A_245, %dma_wait3A_256, %dma_wait3A_257] : memref<4x128x128xf32, #tpu.memory_space<vmem>> -> memref<1x128x128xf32, #tpu.memory_space<vmem>>
      %dma_wait3A_259 = tpu.memref_squeeze %dma_wait3A_258 : memref<1x128x128xf32, #tpu.memory_space<vmem>> -> memref<128x128xf32, #tpu.memory_space<vmem>>
      tpu.wait_dma2 semaphore(%arg16 : memref<!tpu.dma_semaphore, #tpu.memory_space<semaphore_mem>>) src(%dma_wait3A_259 : memref<128x128xf32, #tpu.memory_space<vmem>>) dst(%dma_wait3A_255 : memref<128x128xf32, #tpu.memory_space<vmem_shared>>)
      %add3A_260 = arith.constant 2 : i32
      %add3A_261 = arith.addi %mul3A_88, %add3A_260 : i32
      %add3A_262 = arith.constant 4 : i32
      %add3A_263 = arith.addi %add3A_261, %add3A_262 : i32
      %lt3A_264 = arith.constant 100 : i32
      %lt3A_265 = arith.cmpi slt, %add3A_263, %lt3A_264 : i32
      %convert_element_type3A_266 = arith.extui %lt3A_265 : i1 to i32
      %cond3A_267 = arith.constant 0 : i32
      %cond3A_268 = arith.cmpi ne, %convert_element_type3A_266, %cond3A_267 : i32
      scf.if %cond3A_268 {
        %add3A_293 = arith.constant 2 : i32
        %add3A_294 = arith.addi %mul3A_88, %add3A_293 : i32
        %add3A_295 = arith.constant 4 : i32
        %add3A_296 = arith.addi %add3A_294, %add3A_295 : i32
        %dma_start3A_297 = arith.constant 2 : i32
        %dma_start3A_298 = arith.constant 0 : i32
        %dma_start3A_299 = arith.constant 0 : i32
        %dma_start3A_300 = tpu.memref_slice %arg8[%dma_start3A_297, %dma_start3A_298, %dma_start3A_299] : memref<4x128x128xf32, #tpu.memory_space<vmem>> -> memref<1x128x128xf32, #tpu.memory_space<vmem>>
        %dma_start3A_301 = tpu.memref_squeeze %dma_start3A_300 : memref<1x128x128xf32, #tpu.memory_space<vmem>> -> memref<128x128xf32, #tpu.memory_space<vmem>>
        %dma_start3A_302 = arith.constant 0 : i32
        %dma_start3A_303 = tpu.memref_slice %arg6[%add3A_296, %dma_start3A_302] : memref<100x128xi32, #tpu.memory_space<vmem>> -> memref<1x128xi32, #tpu.memory_space<vmem>>
        %dma_start3A_304 = tpu.memref_squeeze %dma_start3A_303 : memref<1x128xi32, #tpu.memory_space<vmem>> -> memref<128xi32, #tpu.memory_space<vmem>>
        %dma_start3A_305 = arith.constant 0 : i32
        %dma_start3A_306 = arith.constant 0 : i32
        %dma_start3A_307 = tpu.memref_slice %arg2[%dma_start3A_305, %dma_start3A_306] : memref<50000x128xf32, #tpu.memory_space<hbm>> -> memref<50000x128xf32, #tpu.memory_space<hbm>>
        tpu.enqueue_indirect_dma source(%dma_start3A_307 : memref<50000x128xf32, #tpu.memory_space<hbm>>) target(%dma_start3A_301 : memref<128x128xf32, #tpu.memory_space<vmem>>) offsets(%dma_start3A_304 : memref<128xi32, #tpu.memory_space<vmem>>) semaphore(%arg12 : memref<!tpu.dma_semaphore, #tpu.memory_space<semaphore_mem>>)
      } else {
      }
      %dma_wait3A_269 = arith.constant 3 : i32
      %dma_wait3A_270 = arith.constant 0 : i32
      %dma_wait3A_271 = arith.constant 0 : i32
      %dma_wait3A_272 = tpu.memref_slice %arg8[%dma_wait3A_269, %dma_wait3A_270, %dma_wait3A_271] : memref<4x128x128xf32, #tpu.memory_space<vmem>> -> memref<1x128x128xf32, #tpu.memory_space<vmem>>
      %dma_wait3A_273 = tpu.memref_squeeze %dma_wait3A_272 : memref<1x128x128xf32, #tpu.memory_space<vmem>> -> memref<128x128xf32, #tpu.memory_space<vmem>>
      %dma_wait3A_274 = arith.constant 0 : i32
      %dma_wait3A_275 = arith.constant 0 : i32
      %dma_wait3A_276 = tpu.memref_slice %arg9[%dma_wait3A_274, %dma_wait3A_275] : memref<4096x128xf32, #tpu.memory_space<vmem_shared>> -> memref<128x128xf32, #tpu.memory_space<vmem_shared>>
      %dma_wait3A_277 = arith.constant 0 : i32
      %dma_wait3A_278 = arith.constant 0 : i32
      %dma_wait3A_279 = tpu.memref_slice %arg9[%dma_wait3A_277, %dma_wait3A_278] : memref<4096x128xf32, #tpu.memory_space<vmem_shared>> -> memref<128x128xf32, #tpu.memory_space<vmem_shared>>
      %dma_wait3A_280 = arith.constant 0 : i32
      %dma_wait3A_281 = arith.constant 0 : i32
      %dma_wait3A_282 = tpu.memref_slice %arg8[%dma_wait3A_269, %dma_wait3A_280, %dma_wait3A_281] : memref<4x128x128xf32, #tpu.memory_space<vmem>> -> memref<1x128x128xf32, #tpu.memory_space<vmem>>
      %dma_wait3A_283 = tpu.memref_squeeze %dma_wait3A_282 : memref<1x128x128xf32, #tpu.memory_space<vmem>> -> memref<128x128xf32, #tpu.memory_space<vmem>>
      tpu.wait_dma2 semaphore(%arg17 : memref<!tpu.dma_semaphore, #tpu.memory_space<semaphore_mem>>) src(%dma_wait3A_283 : memref<128x128xf32, #tpu.memory_space<vmem>>) dst(%dma_wait3A_279 : memref<128x128xf32, #tpu.memory_space<vmem_shared>>)
      %add3A_284 = arith.constant 3 : i32
      %add3A_285 = arith.addi %mul3A_88, %add3A_284 : i32
      %add3A_286 = arith.constant 4 : i32
      %add3A_287 = arith.addi %add3A_285, %add3A_286 : i32
      %lt3A_288 = arith.constant 100 : i32
      %lt3A_289 = arith.cmpi slt, %add3A_287, %lt3A_288 : i32
      %convert_element_type3A_290 = arith.extui %lt3A_289 : i1 to i32
      %cond3A_291 = arith.constant 0 : i32
      %cond3A_292 = arith.cmpi ne, %convert_element_type3A_290, %cond3A_291 : i32
      scf.if %cond3A_292 {
        %add3A_293 = arith.constant 3 : i32
        %add3A_294 = arith.addi %mul3A_88, %add3A_293 : i32
        %add3A_295 = arith.constant 4 : i32
        %add3A_296 = arith.addi %add3A_294, %add3A_295 : i32
        %dma_start3A_297 = arith.constant 3 : i32
        %dma_start3A_298 = arith.constant 0 : i32
        %dma_start3A_299 = arith.constant 0 : i32
        %dma_start3A_300 = tpu.memref_slice %arg8[%dma_start3A_297, %dma_start3A_298, %dma_start3A_299] : memref<4x128x128xf32, #tpu.memory_space<vmem>> -> memref<1x128x128xf32, #tpu.memory_space<vmem>>
        %dma_start3A_301 = tpu.memref_squeeze %dma_start3A_300 : memref<1x128x128xf32, #tpu.memory_space<vmem>> -> memref<128x128xf32, #tpu.memory_space<vmem>>
        %dma_start3A_302 = arith.constant 0 : i32
        %dma_start3A_303 = tpu.memref_slice %arg6[%add3A_296, %dma_start3A_302] : memref<100x128xi32, #tpu.memory_space<vmem>> -> memref<1x128xi32, #tpu.memory_space<vmem>>
        %dma_start3A_304 = tpu.memref_squeeze %dma_start3A_303 : memref<1x128xi32, #tpu.memory_space<vmem>> -> memref<128xi32, #tpu.memory_space<vmem>>
        %dma_start3A_305 = arith.constant 0 : i32
        %dma_start3A_306 = arith.constant 0 : i32
        %dma_start3A_307 = tpu.memref_slice %arg2[%dma_start3A_305, %dma_start3A_306] : memref<50000x128xf32, #tpu.memory_space<hbm>> -> memref<50000x128xf32, #tpu.memory_space<hbm>>
        tpu.enqueue_indirect_dma source(%dma_start3A_307 : memref<50000x128xf32, #tpu.memory_space<hbm>>) target(%dma_start3A_301 : memref<128x128xf32, #tpu.memory_space<vmem>>) offsets(%dma_start3A_304 : memref<128xi32, #tpu.memory_space<vmem>>) semaphore(%arg13 : memref<!tpu.dma_semaphore, #tpu.memory_space<semaphore_mem>>)
      } else {
      }
    }
    %scan3A_69 = arith.constant 25 : i32
    %mul3A_70 = arith.constant 256 : i32
    %mul3A_71 = arith.muli %arg1, %mul3A_70 : i32
    %add3A_72 = arith.constant 0 : i32
    %add3A_73 = arith.addi %mul3A_71, %add3A_72 : i32
    %run_scoped3A_74 = arith.constant 0 : i32
    "tpu.region"() ({
      %run_scoped3A_86 = tpu.sem_alloc : memref<!tpu.dma_semaphore, #tpu.memory_space<semaphore_mem>>
      %dma_start3A_87 = arith.constant 0 : i32
      %dma_start3A_88 = arith.constant 0 : i32
      %dma_start3A_89 = tpu.memref_slice %arg8[%run_scoped3A_74, %dma_start3A_87, %dma_start3A_88] : memref<4x128x128xf32, #tpu.memory_space<vmem>> -> memref<1x128x128xf32, #tpu.memory_space<vmem>>
      %dma_start3A_90 = tpu.memref_squeeze %dma_start3A_89 : memref<1x128x128xf32, #tpu.memory_space<vmem>> -> memref<128x128xf32, #tpu.memory_space<vmem>>
      %dma_start3A_91 = arith.constant 0 : i32
      %dma_start3A_92 = tpu.memref_slice %arg9[%add3A_73, %dma_start3A_91] : memref<4096x128xf32, #tpu.memory_space<vmem_shared>> -> memref<128x128xf32, #tpu.memory_space<vmem_shared>>
      %dma_start3A_93 = arith.constant 0 : i32
      %dma_start3A_94 = arith.constant 0 : i32
      %dma_start3A_95 = tpu.memref_slice %arg8[%run_scoped3A_74, %dma_start3A_93, %dma_start3A_94] : memref<4x128x128xf32, #tpu.memory_space<vmem>> -> memref<1x128x128xf32, #tpu.memory_space<vmem>>
      %dma_start3A_96 = tpu.memref_squeeze %dma_start3A_95 : memref<1x128x128xf32, #tpu.memory_space<vmem>> -> memref<128x128xf32, #tpu.memory_space<vmem>>
      %dma_start3A_97 = arith.constant 0 : i32
      %dma_start3A_98 = tpu.memref_slice %arg9[%add3A_73, %dma_start3A_97] : memref<4096x128xf32, #tpu.memory_space<vmem_shared>> -> memref<128x128xf32, #tpu.memory_space<vmem_shared>>
      tpu.enqueue_dma source(%dma_start3A_98 : memref<128x128xf32, #tpu.memory_space<vmem_shared>>) target(%dma_start3A_96 : memref<128x128xf32, #tpu.memory_space<vmem>>) target_semaphore(%run_scoped3A_86 : memref<!tpu.dma_semaphore, #tpu.memory_space<semaphore_mem>>)
      %dma_wait3A = arith.constant 0 : i32
      %dma_wait3A_99 = arith.constant 0 : i32
      %dma_wait3A_100 = tpu.memref_slice %arg8[%run_scoped3A_74, %dma_wait3A, %dma_wait3A_99] : memref<4x128x128xf32, #tpu.memory_space<vmem>> -> memref<1x128x128xf32, #tpu.memory_space<vmem>>
      %dma_wait3A_101 = tpu.memref_squeeze %dma_wait3A_100 : memref<1x128x128xf32, #tpu.memory_space<vmem>> -> memref<128x128xf32, #tpu.memory_space<vmem>>
      %dma_wait3A_102 = arith.constant 0 : i32
      %dma_wait3A_103 = tpu.memref_slice %arg9[%add3A_73, %dma_wait3A_102] : memref<4096x128xf32, #tpu.memory_space<vmem_shared>> -> memref<128x128xf32, #tpu.memory_space<vmem_shared>>
      %dma_wait3A_104 = arith.constant 0 : i32
      %dma_wait3A_105 = arith.constant 0 : i32
      %dma_wait3A_106 = tpu.memref_slice %arg8[%run_scoped3A_74, %dma_wait3A_104, %dma_wait3A_105] : memref<4x128x128xf32, #tpu.memory_space<vmem>> -> memref<1x128x128xf32, #tpu.memory_space<vmem>>
      %dma_wait3A_107 = tpu.memref_squeeze %dma_wait3A_106 : memref<1x128x128xf32, #tpu.memory_space<vmem>> -> memref<128x128xf32, #tpu.memory_space<vmem>>
      %dma_wait3A_108 = arith.constant 0 : i32
      %dma_wait3A_109 = tpu.memref_slice %arg9[%add3A_73, %dma_wait3A_108] : memref<4096x128xf32, #tpu.memory_space<vmem_shared>> -> memref<128x128xf32, #tpu.memory_space<vmem_shared>>
      tpu.wait_dma2 semaphore(%run_scoped3A_86 : memref<!tpu.dma_semaphore, #tpu.memory_space<semaphore_mem>>) src(%dma_wait3A_109 : memref<128x128xf32, #tpu.memory_space<vmem_shared>>) dst(%dma_wait3A_107 : memref<128x128xf32, #tpu.memory_space<vmem>>)
      tpu.yield
    }) : () -> ()
    %add3A_75 = arith.constant 0 : i32
    %add3A_76 = arith.addi %mul3A_2, %add3A_75 : i32
    %run_scoped3A_77 = arith.constant 0 : i32
    "tpu.region"() ({
      %run_scoped3A_86 = tpu.sem_alloc : memref<!tpu.dma_semaphore, #tpu.memory_space<semaphore_mem>>
      %dma_start3A_87 = arith.constant 0 : i32
      %dma_start3A_88 = arith.constant 0 : i32
      %dma_start3A_89 = tpu.memref_slice %arg8[%run_scoped3A_77, %dma_start3A_87, %dma_start3A_88] : memref<4x128x128xf32, #tpu.memory_space<vmem>> -> memref<1x128x128xf32, #tpu.memory_space<vmem>>
      %dma_start3A_90 = tpu.memref_squeeze %dma_start3A_89 : memref<1x128x128xf32, #tpu.memory_space<vmem>> -> memref<128x128xf32, #tpu.memory_space<vmem>>
      %dma_start3A_91 = arith.constant 0 : i32
      %dma_start3A_92 = tpu.memref_slice %arg5[%add3A_76, %dma_start3A_91] : memref<8192x128xf32, #tpu.memory_space<hbm>> -> memref<128x128xf32, #tpu.memory_space<hbm>>
      %dma_start3A_93 = arith.constant 0 : i32
      %dma_start3A_94 = tpu.memref_slice %arg5[%add3A_76, %dma_start3A_93] : memref<8192x128xf32, #tpu.memory_space<hbm>> -> memref<128x128xf32, #tpu.memory_space<hbm>>
      %dma_start3A_95 = arith.constant 0 : i32
      %dma_start3A_96 = arith.constant 0 : i32
      %dma_start3A_97 = tpu.memref_slice %arg8[%run_scoped3A_77, %dma_start3A_95, %dma_start3A_96] : memref<4x128x128xf32, #tpu.memory_space<vmem>> -> memref<1x128x128xf32, #tpu.memory_space<vmem>>
      %dma_start3A_98 = tpu.memref_squeeze %dma_start3A_97 : memref<1x128x128xf32, #tpu.memory_space<vmem>> -> memref<128x128xf32, #tpu.memory_space<vmem>>
      tpu.enqueue_dma source(%dma_start3A_98 : memref<128x128xf32, #tpu.memory_space<vmem>>) target(%dma_start3A_94 : memref<128x128xf32, #tpu.memory_space<hbm>>) target_semaphore(%run_scoped3A_86 : memref<!tpu.dma_semaphore, #tpu.memory_space<semaphore_mem>>)
      %dma_wait3A = arith.constant 0 : i32
      %dma_wait3A_99 = arith.constant 0 : i32
      %dma_wait3A_100 = tpu.memref_slice %arg8[%run_scoped3A_77, %dma_wait3A, %dma_wait3A_99] : memref<4x128x128xf32, #tpu.memory_space<vmem>> -> memref<1x128x128xf32, #tpu.memory_space<vmem>>
      %dma_wait3A_101 = tpu.memref_squeeze %dma_wait3A_100 : memref<1x128x128xf32, #tpu.memory_space<vmem>> -> memref<128x128xf32, #tpu.memory_space<vmem>>
      %dma_wait3A_102 = arith.constant 0 : i32
      %dma_wait3A_103 = tpu.memref_slice %arg5[%add3A_76, %dma_wait3A_102] : memref<8192x128xf32, #tpu.memory_space<hbm>> -> memref<128x128xf32, #tpu.memory_space<hbm>>
      %dma_wait3A_104 = arith.constant 0 : i32
      %dma_wait3A_105 = tpu.memref_slice %arg5[%add3A_76, %dma_wait3A_104] : memref<8192x128xf32, #tpu.memory_space<hbm>> -> memref<128x128xf32, #tpu.memory_space<hbm>>
      %dma_wait3A_106 = arith.constant 0 : i32
      %dma_wait3A_107 = arith.constant 0 : i32
      %dma_wait3A_108 = tpu.memref_slice %arg8[%run_scoped3A_77, %dma_wait3A_106, %dma_wait3A_107] : memref<4x128x128xf32, #tpu.memory_space<vmem>> -> memref<1x128x128xf32, #tpu.memory_space<vmem>>
      %dma_wait3A_109 = tpu.memref_squeeze %dma_wait3A_108 : memref<1x128x128xf32, #tpu.memory_space<vmem>> -> memref<128x128xf32, #tpu.memory_space<vmem>>
      tpu.wait_dma2 semaphore(%run_scoped3A_86 : memref<!tpu.dma_semaphore, #tpu.memory_space<semaphore_mem>>) src(%dma_wait3A_109 : memref<128x128xf32, #tpu.memory_space<vmem>>) dst(%dma_wait3A_105 : memref<128x128xf32, #tpu.memory_space<hbm>>)
      tpu.yield
    }) : () -> ()
    %mul3A_78 = arith.constant 256 : i32
    %mul3A_79 = arith.muli %arg1, %mul3A_78 : i32
    %add3A_80 = arith.constant 128 : i32
    %add3A_81 = arith.addi %mul3A_79, %add3A_80 : i32
    %run_scoped3A_82 = arith.constant 0 : i32
    "tpu.region"() ({
      %run_scoped3A_86 = tpu.sem_alloc : memref<!tpu.dma_semaphore, #tpu.memory_space<semaphore_mem>>
      %dma_start3A_87 = arith.constant 0 : i32
      %dma_start3A_88 = arith.constant 0 : i32
      %dma_start3A_89 = tpu.memref_slice %arg8[%run_scoped3A_82, %dma_start3A_87, %dma_start3A_88] : memref<4x128x128xf32, #tpu.memory_space<vmem>> -> memref<1x128x128xf32, #tpu.memory_space<vmem>>
      %dma_start3A_90 = tpu.memref_squeeze %dma_start3A_89 : memref<1x128x128xf32, #tpu.memory_space<vmem>> -> memref<128x128xf32, #tpu.memory_space<vmem>>
      %dma_start3A_91 = arith.constant 0 : i32
      %dma_start3A_92 = tpu.memref_slice %arg9[%add3A_81, %dma_start3A_91] : memref<4096x128xf32, #tpu.memory_space<vmem_shared>> -> memref<128x128xf32, #tpu.memory_space<vmem_shared>>
      %dma_start3A_93 = arith.constant 0 : i32
      %dma_start3A_94 = arith.constant 0 : i32
      %dma_start3A_95 = tpu.memref_slice %arg8[%run_scoped3A_82, %dma_start3A_93, %dma_start3A_94] : memref<4x128x128xf32, #tpu.memory_space<vmem>> -> memref<1x128x128xf32, #tpu.memory_space<vmem>>
      %dma_start3A_96 = tpu.memref_squeeze %dma_start3A_95 : memref<1x128x128xf32, #tpu.memory_space<vmem>> -> memref<128x128xf32, #tpu.memory_space<vmem>>
      %dma_start3A_97 = arith.constant 0 : i32
      %dma_start3A_98 = tpu.memref_slice %arg9[%add3A_81, %dma_start3A_97] : memref<4096x128xf32, #tpu.memory_space<vmem_shared>> -> memref<128x128xf32, #tpu.memory_space<vmem_shared>>
      tpu.enqueue_dma source(%dma_start3A_98 : memref<128x128xf32, #tpu.memory_space<vmem_shared>>) target(%dma_start3A_96 : memref<128x128xf32, #tpu.memory_space<vmem>>) target_semaphore(%run_scoped3A_86 : memref<!tpu.dma_semaphore, #tpu.memory_space<semaphore_mem>>)
      %dma_wait3A = arith.constant 0 : i32
      %dma_wait3A_99 = arith.constant 0 : i32
      %dma_wait3A_100 = tpu.memref_slice %arg8[%run_scoped3A_82, %dma_wait3A, %dma_wait3A_99] : memref<4x128x128xf32, #tpu.memory_space<vmem>> -> memref<1x128x128xf32, #tpu.memory_space<vmem>>
      %dma_wait3A_101 = tpu.memref_squeeze %dma_wait3A_100 : memref<1x128x128xf32, #tpu.memory_space<vmem>> -> memref<128x128xf32, #tpu.memory_space<vmem>>
      %dma_wait3A_102 = arith.constant 0 : i32
      %dma_wait3A_103 = tpu.memref_slice %arg9[%add3A_81, %dma_wait3A_102] : memref<4096x128xf32, #tpu.memory_space<vmem_shared>> -> memref<128x128xf32, #tpu.memory_space<vmem_shared>>
      %dma_wait3A_104 = arith.constant 0 : i32
      %dma_wait3A_105 = arith.constant 0 : i32
      %dma_wait3A_106 = tpu.memref_slice %arg8[%run_scoped3A_82, %dma_wait3A_104, %dma_wait3A_105] : memref<4x128x128xf32, #tpu.memory_space<vmem>> -> memref<1x128x128xf32, #tpu.memory_space<vmem>>
      %dma_wait3A_107 = tpu.memref_squeeze %dma_wait3A_106 : memref<1x128x128xf32, #tpu.memory_space<vmem>> -> memref<128x128xf32, #tpu.memory_space<vmem>>
      %dma_wait3A_108 = arith.constant 0 : i32
      %dma_wait3A_109 = tpu.memref_slice %arg9[%add3A_81, %dma_wait3A_108] : memref<4096x128xf32, #tpu.memory_space<vmem_shared>> -> memref<128x128xf32, #tpu.memory_space<vmem_shared>>
      tpu.wait_dma2 semaphore(%run_scoped3A_86 : memref<!tpu.dma_semaphore, #tpu.memory_space<semaphore_mem>>) src(%dma_wait3A_109 : memref<128x128xf32, #tpu.memory_space<vmem_shared>>) dst(%dma_wait3A_107 : memref<128x128xf32, #tpu.memory_space<vmem>>)
      tpu.yield
    }) : () -> ()
    %add3A_83 = arith.constant 128 : i32
    %add3A_84 = arith.addi %mul3A_2, %add3A_83 : i32
    %run_scoped3A_85 = arith.constant 0 : i32
    "tpu.region"() ({
      %run_scoped3A_86 = tpu.sem_alloc : memref<!tpu.dma_semaphore, #tpu.memory_space<semaphore_mem>>
      %dma_start3A_87 = arith.constant 0 : i32
      %dma_start3A_88 = arith.constant 0 : i32
      %dma_start3A_89 = tpu.memref_slice %arg8[%run_scoped3A_85, %dma_start3A_87, %dma_start3A_88] : memref<4x128x128xf32, #tpu.memory_space<vmem>> -> memref<1x128x128xf32, #tpu.memory_space<vmem>>
      %dma_start3A_90 = tpu.memref_squeeze %dma_start3A_89 : memref<1x128x128xf32, #tpu.memory_space<vmem>> -> memref<128x128xf32, #tpu.memory_space<vmem>>
      %dma_start3A_91 = arith.constant 0 : i32
      %dma_start3A_92 = tpu.memref_slice %arg5[%add3A_84, %dma_start3A_91] : memref<8192x128xf32, #tpu.memory_space<hbm>> -> memref<128x128xf32, #tpu.memory_space<hbm>>
      %dma_start3A_93 = arith.constant 0 : i32
      %dma_start3A_94 = tpu.memref_slice %arg5[%add3A_84, %dma_start3A_93] : memref<8192x128xf32, #tpu.memory_space<hbm>> -> memref<128x128xf32, #tpu.memory_space<hbm>>
      %dma_start3A_95 = arith.constant 0 : i32
      %dma_start3A_96 = arith.constant 0 : i32
      %dma_start3A_97 = tpu.memref_slice %arg8[%run_scoped3A_85, %dma_start3A_95, %dma_start3A_96] : memref<4x128x128xf32, #tpu.memory_space<vmem>> -> memref<1x128x128xf32, #tpu.memory_space<vmem>>
      %dma_start3A_98 = tpu.memref_squeeze %dma_start3A_97 : memref<1x128x128xf32, #tpu.memory_space<vmem>> -> memref<128x128xf32, #tpu.memory_space<vmem>>
      tpu.enqueue_dma source(%dma_start3A_98 : memref<128x128xf32, #tpu.memory_space<vmem>>) target(%dma_start3A_94 : memref<128x128xf32, #tpu.memory_space<hbm>>) target_semaphore(%run_scoped3A_86 : memref<!tpu.dma_semaphore, #tpu.memory_space<semaphore_mem>>)
      %dma_wait3A = arith.constant 0 : i32
      %dma_wait3A_99 = arith.constant 0 : i32
      %dma_wait3A_100 = tpu.memref_slice %arg8[%run_scoped3A_85, %dma_wait3A, %dma_wait3A_99] : memref<4x128x128xf32, #tpu.memory_space<vmem>> -> memref<1x128x128xf32, #tpu.memory_space<vmem>>
      %dma_wait3A_101 = tpu.memref_squeeze %dma_wait3A_100 : memref<1x128x128xf32, #tpu.memory_space<vmem>> -> memref<128x128xf32, #tpu.memory_space<vmem>>
      %dma_wait3A_102 = arith.constant 0 : i32
      %dma_wait3A_103 = tpu.memref_slice %arg5[%add3A_84, %dma_wait3A_102] : memref<8192x128xf32, #tpu.memory_space<hbm>> -> memref<128x128xf32, #tpu.memory_space<hbm>>
      %dma_wait3A_104 = arith.constant 0 : i32
      %dma_wait3A_105 = tpu.memref_slice %arg5[%add3A_84, %dma_wait3A_104] : memref<8192x128xf32, #tpu.memory_space<hbm>> -> memref<128x128xf32, #tpu.memory_space<hbm>>
      %dma_wait3A_106 = arith.constant 0 : i32
      %dma_wait3A_107 = arith.constant 0 : i32
      %dma_wait3A_108 = tpu.memref_slice %arg8[%run_scoped3A_85, %dma_wait3A_106, %dma_wait3A_107] : memref<4x128x128xf32, #tpu.memory_space<vmem>> -> memref<1x128x128xf32, #tpu.memory_space<vmem>>
      %dma_wait3A_109 = tpu.memref_squeeze %dma_wait3A_108 : memref<1x128x128xf32, #tpu.memory_space<vmem>> -> memref<128x128xf32, #tpu.memory_space<vmem>>
      tpu.wait_dma2 semaphore(%run_scoped3A_86 : memref<!tpu.dma_semaphore, #tpu.memory_space<semaphore_mem>>) src(%dma_wait3A_109 : memref<128x128xf32, #tpu.memory_space<vmem>>) dst(%dma_wait3A_105 : memref<128x128xf32, #tpu.memory_space<hbm>>)
      tpu.yield
    }) : () -> ()
    return
  }
}

#map = affine_map<(d0, d1) -> (0, 0)>
#map1 = affine_map<(d0, d1) -> (0, 0, 0)>
module attributes {stable_mosaic.version = 14 : i64} {
  func.func @k(%arg0: i32, %arg1: i32, %arg2: memref<50000x128xf32, #tpu.memory_space<hbm>>, %arg3: memref<32x100x128xi32, #tpu.memory_space<hbm>>, %arg4: memref<16x100x128xi32, #tpu.memory_space<hbm>>, %arg5: memref<8192x128xf32, #tpu.memory_space<hbm>>, %arg6: memref<100x128xi32, #tpu.memory_space<vmem>>, %arg7: memref<100x128xi32, #tpu.memory_space<vmem>>, %arg8: memref<4x128x128xf32, #tpu.memory_space<vmem>>, %arg9: memref<4096x128xf32, #tpu.memory_space<vmem_shared>>, %arg10: memref<!tpu.dma_semaphore, #tpu.memory_space<semaphore_mem>>, %arg11: memref<!tpu.dma_semaphore, #tpu.memory_space<semaphore_mem>>, %arg12: memref<!tpu.dma_semaphore, #tpu.memory_space<semaphore_mem>>, %arg13: memref<!tpu.dma_semaphore, #tpu.memory_space<semaphore_mem>>, %arg14: memref<!tpu.dma_semaphore, #tpu.memory_space<semaphore_mem>>, %arg15: memref<!tpu.dma_semaphore, #tpu.memory_space<semaphore_mem>>, %arg16: memref<!tpu.dma_semaphore, #tpu.memory_space<semaphore_mem>>, %arg17: memref<!tpu.dma_semaphore, #tpu.memory_space<semaphore_mem>>) attributes {dimension_semantics = [#tpu.dimension_semantics<core_parallel>, #tpu.dimension_semantics<subcore_parallel>], iteration_bounds = array<i64: 2, 16>, scalar_prefetch = 0 : i64, scratch_operands = 12 : i64, tpu.core_type = #tpu.core_type<sc_vector_subcore>, window_params = [{transform_indices = #map}, {transform_indices = #map1}, {transform_indices = #map1}, {transform_indices = #map}]} {
    %mul3A = arith.constant 16 : i32
    %mul3A_0 = arith.muli %arg0, %mul3A : i32
    %add3A = arith.addi %mul3A_0, %arg1 : i32
    %mul3A_1 = arith.constant 256 : i32
    %mul3A_2 = arith.muli %add3A, %mul3A_1 : i32
    "tpu.region"() ({
      %run_scoped3A_86 = tpu.sem_alloc : memref<!tpu.dma_semaphore, #tpu.memory_space<semaphore_mem>>
      %dma_start3A_87 = arith.constant 0 : i32
      %dma_start3A_88 = arith.constant 0 : i32
      %dma_start3A_89 = tpu.memref_slice %arg3[%add3A, %dma_start3A_87, %dma_start3A_88] : memref<32x100x128xi32, #tpu.memory_space<hbm>> -> memref<1x100x128xi32, #tpu.memory_space<hbm>>
      %dma_start3A_90 = tpu.memref_squeeze %dma_start3A_89 : memref<1x100x128xi32, #tpu.memory_space<hbm>> -> memref<100x128xi32, #tpu.memory_space<hbm>>
      %dma_start3A_91 = arith.constant 0 : i32
      %dma_start3A_92 = arith.constant 0 : i32
      %dma_start3A_93 = tpu.memref_slice %arg3[%add3A, %dma_start3A_91, %dma_start3A_92] : memref<32x100x128xi32, #tpu.memory_space<hbm>> -> memref<1x100x128xi32, #tpu.memory_space<hbm>>
      %dma_start3A_94 = tpu.memref_squeeze %dma_start3A_93 : memref<1x100x128xi32, #tpu.memory_space<hbm>> -> memref<100x128xi32, #tpu.memory_space<hbm>>
      tpu.enqueue_dma source(%dma_start3A_94 : memref<100x128xi32, #tpu.memory_space<hbm>>) target(%arg6 : memref<100x128xi32, #tpu.memory_space<vmem>>) target_semaphore(%run_scoped3A_86 : memref<!tpu.dma_semaphore, #tpu.memory_space<semaphore_mem>>)
      %dma_wait3A = arith.constant 0 : i32
      %dma_wait3A_95 = arith.constant 0 : i32
      %dma_wait3A_96 = tpu.memref_slice %arg3[%add3A, %dma_wait3A, %dma_wait3A_95] : memref<32x100x128xi32, #tpu.memory_space<hbm>> -> memref<1x100x128xi32, #tpu.memory_space<hbm>>
      %dma_wait3A_97 = tpu.memref_squeeze %dma_wait3A_96 : memref<1x100x128xi32, #tpu.memory_space<hbm>> -> memref<100x128xi32, #tpu.memory_space<hbm>>
      %dma_wait3A_98 = arith.constant 0 : i32
      %dma_wait3A_99 = arith.constant 0 : i32
      %dma_wait3A_100 = tpu.memref_slice %arg3[%add3A, %dma_wait3A_98, %dma_wait3A_99] : memref<32x100x128xi32, #tpu.memory_space<hbm>> -> memref<1x100x128xi32, #tpu.memory_space<hbm>>
      %dma_wait3A_101 = tpu.memref_squeeze %dma_wait3A_100 : memref<1x100x128xi32, #tpu.memory_space<hbm>> -> memref<100x128xi32, #tpu.memory_space<hbm>>
      tpu.wait_dma2 semaphore(%run_scoped3A_86 : memref<!tpu.dma_semaphore, #tpu.memory_space<semaphore_mem>>) src(%dma_wait3A_101 : memref<100x128xi32, #tpu.memory_space<hbm>>) dst(%arg6 : memref<100x128xi32, #tpu.memory_space<vmem>>)
      tpu.yield
    }) : () -> ()
    "tpu.region"() ({
      %run_scoped3A_86 = tpu.sem_alloc : memref<!tpu.dma_semaphore, #tpu.memory_space<semaphore_mem>>
      %dma_start3A_87 = arith.constant 0 : i32
      %dma_start3A_88 = arith.constant 0 : i32
      %dma_start3A_89 = tpu.memref_slice %arg4[%arg1, %dma_start3A_87, %dma_start3A_88] : memref<16x100x128xi32, #tpu.memory_space<hbm>> -> memref<1x100x128xi32, #tpu.memory_space<hbm>>
      %dma_start3A_90 = tpu.memref_squeeze %dma_start3A_89 : memref<1x100x128xi32, #tpu.memory_space<hbm>> -> memref<100x128xi32, #tpu.memory_space<hbm>>
      %dma_start3A_91 = arith.constant 0 : i32
      %dma_start3A_92 = arith.constant 0 : i32
      %dma_start3A_93 = tpu.memref_slice %arg4[%arg1, %dma_start3A_91, %dma_start3A_92] : memref<16x100x128xi32, #tpu.memory_space<hbm>> -> memref<1x100x128xi32, #tpu.memory_space<hbm>>
      %dma_start3A_94 = tpu.memref_squeeze %dma_start3A_93 : memref<1x100x128xi32, #tpu.memory_space<hbm>> -> memref<100x128xi32, #tpu.memory_space<hbm>>
      tpu.enqueue_dma source(%dma_start3A_94 : memref<100x128xi32, #tpu.memory_space<hbm>>) target(%arg7 : memref<100x128xi32, #tpu.memory_space<vmem>>) target_semaphore(%run_scoped3A_86 : memref<!tpu.dma_semaphore, #tpu.memory_space<semaphore_mem>>)
      %dma_wait3A = arith.constant 0 : i32
      %dma_wait3A_95 = arith.constant 0 : i32
      %dma_wait3A_96 = tpu.memref_slice %arg4[%arg1, %dma_wait3A, %dma_wait3A_95] : memref<16x100x128xi32, #tpu.memory_space<hbm>> -> memref<1x100x128xi32, #tpu.memory_space<hbm>>
      %dma_wait3A_97 = tpu.memref_squeeze %dma_wait3A_96 : memref<1x100x128xi32, #tpu.memory_space<hbm>> -> memref<100x128xi32, #tpu.memory_space<hbm>>
      %dma_wait3A_98 = arith.constant 0 : i32
      %dma_wait3A_99 = arith.constant 0 : i32
      %dma_wait3A_100 = tpu.memref_slice %arg4[%arg1, %dma_wait3A_98, %dma_wait3A_99] : memref<16x100x128xi32, #tpu.memory_space<hbm>> -> memref<1x100x128xi32, #tpu.memory_space<hbm>>
      %dma_wait3A_101 = tpu.memref_squeeze %dma_wait3A_100 : memref<1x100x128xi32, #tpu.memory_space<hbm>> -> memref<100x128xi32, #tpu.memory_space<hbm>>
      tpu.wait_dma2 semaphore(%run_scoped3A_86 : memref<!tpu.dma_semaphore, #tpu.memory_space<semaphore_mem>>) src(%dma_wait3A_101 : memref<100x128xi32, #tpu.memory_space<hbm>>) dst(%arg7 : memref<100x128xi32, #tpu.memory_space<vmem>>)
      tpu.yield
    }) : () -> ()
    %scan3A = arith.constant 0 : i32
    %scan3A_3 = arith.constant 0 : i32
    %scan3A_4 = arith.constant 128 : i32
    %scan3A_5 = arith.addi %scan3A_3, %scan3A_4 : i32
    %scan3A_6 = arith.constant 1 : i32
    scf.for %scan3A_86 = %scan3A_3 to %scan3A_5 step %scan3A_6  : i32 {
      %broadcast_in_dim3A = arith.constant 0.000000e+00 : f32
      %broadcast_in_dim3A_87 = vector.broadcast %broadcast_in_dim3A : f32 to vector<16xf32>
      %swap3A = arith.constant 0 : i32
      %swap3A_88 = arith.index_cast %swap3A : i32 to index
      %swap3A_89 = arith.index_cast %scan3A_86 : i32 to index
      %swap3A_90 = arith.constant 0 : index
      %swap3A_91 = tpu.vector_load %arg8[%swap3A_88, %swap3A_89, %swap3A_90] {strides = array<i32>} : memref<4x128x128xf32, #tpu.memory_space<vmem>>, vector<1x1x16xf32>,
      %swap3A_92 = vector.shape_cast %swap3A_91 : vector<1x1x16xf32> to vector<16xf32>
      %swap3A_93 = vector.shape_cast %broadcast_in_dim3A_87 : vector<16xf32> to vector<1x1x16xf32>
      tpu.vector_store %arg8[%swap3A_88, %swap3A_89, %swap3A_90], %swap3A_93 {strides = array<i32>} : memref<4x128x128xf32, #tpu.memory_space<vmem>>, vector<1x1x16xf32>,
      %broadcast_in_dim3A_94 = arith.constant 0.000000e+00 : f32
      %broadcast_in_dim3A_95 = vector.broadcast %broadcast_in_dim3A_94 : f32 to vector<16xf32>
      %swap3A_96 = arith.constant 0 : i32
      %swap3A_97 = arith.index_cast %swap3A_96 : i32 to index
      %swap3A_98 = arith.index_cast %scan3A_86 : i32 to index
      %swap3A_99 = arith.constant 16 : index
      %swap3A_100 = tpu.vector_load %arg8[%swap3A_97, %swap3A_98, %swap3A_99] {strides = array<i32>} : memref<4x128x128xf32, #tpu.memory_space<vmem>>, vector<1x1x16xf32>,
      %swap3A_101 = vector.shape_cast %swap3A_100 : vector<1x1x16xf32> to vector<16xf32>
      %swap3A_102 = vector.shape_cast %broadcast_in_dim3A_95 : vector<16xf32> to vector<1x1x16xf32>
      tpu.vector_store %arg8[%swap3A_97, %swap3A_98, %swap3A_99], %swap3A_102 {strides = array<i32>} : memref<4x128x128xf32, #tpu.memory_space<vmem>>, vector<1x1x16xf32>,
      %broadcast_in_dim3A_103 = arith.constant 0.000000e+00 : f32
      %broadcast_in_dim3A_104 = vector.broadcast %broadcast_in_dim3A_103 : f32 to vector<16xf32>
      %swap3A_105 = arith.constant 0 : i32
      %swap3A_106 = arith.index_cast %swap3A_105 : i32 to index
      %swap3A_107 = arith.index_cast %scan3A_86 : i32 to index
      %swap3A_108 = arith.constant 32 : index
      %swap3A_109 = tpu.vector_load %arg8[%swap3A_106, %swap3A_107, %swap3A_108] {strides = array<i32>} : memref<4x128x128xf32, #tpu.memory_space<vmem>>, vector<1x1x16xf32>,
      %swap3A_110 = vector.shape_cast %swap3A_109 : vector<1x1x16xf32> to vector<16xf32>
      %swap3A_111 = vector.shape_cast %broadcast_in_dim3A_104 : vector<16xf32> to vector<1x1x16xf32>
      tpu.vector_store %arg8[%swap3A_106, %swap3A_107, %swap3A_108], %swap3A_111 {strides = array<i32>} : memref<4x128x128xf32, #tpu.memory_space<vmem>>, vector<1x1x16xf32>,
      %broadcast_in_dim3A_112 = arith.constant 0.000000e+00 : f32
      %broadcast_in_dim3A_113 = vector.broadcast %broadcast_in_dim3A_112 : f32 to vector<16xf32>
      %swap3A_114 = arith.constant 0 : i32
      %swap3A_115 = arith.index_cast %swap3A_114 : i32 to index
      %swap3A_116 = arith.index_cast %scan3A_86 : i32 to index
      %swap3A_117 = arith.constant 48 : index
      %swap3A_118 = tpu.vector_load %arg8[%swap3A_115, %swap3A_116, %swap3A_117] {strides = array<i32>} : memref<4x128x128xf32, #tpu.memory_space<vmem>>, vector<1x1x16xf32>,
      %swap3A_119 = vector.shape_cast %swap3A_118 : vector<1x1x16xf32> to vector<16xf32>
      %swap3A_120 = vector.shape_cast %broadcast_in_dim3A_113 : vector<16xf32> to vector<1x1x16xf32>
      tpu.vector_store %arg8[%swap3A_115, %swap3A_116, %swap3A_117], %swap3A_120 {strides = array<i32>} : memref<4x128x128xf32, #tpu.memory_space<vmem>>, vector<1x1x16xf32>,
      %broadcast_in_dim3A_121 = arith.constant 0.000000e+00 : f32
      %broadcast_in_dim3A_122 = vector.broadcast %broadcast_in_dim3A_121 : f32 to vector<16xf32>
      %swap3A_123 = arith.constant 0 : i32
      %swap3A_124 = arith.index_cast %swap3A_123 : i32 to index
      %swap3A_125 = arith.index_cast %scan3A_86 : i32 to index
      %swap3A_126 = arith.constant 64 : index
      %swap3A_127 = tpu.vector_load %arg8[%swap3A_124, %swap3A_125, %swap3A_126] {strides = array<i32>} : memref<4x128x128xf32, #tpu.memory_space<vmem>>, vector<1x1x16xf32>,
      %swap3A_128 = vector.shape_cast %swap3A_127 : vector<1x1x16xf32> to vector<16xf32>
      %swap3A_129 = vector.shape_cast %broadcast_in_dim3A_122 : vector<16xf32> to vector<1x1x16xf32>
      tpu.vector_store %arg8[%swap3A_124, %swap3A_125, %swap3A_126], %swap3A_129 {strides = array<i32>} : memref<4x128x128xf32, #tpu.memory_space<vmem>>, vector<1x1x16xf32>,
      %broadcast_in_dim3A_130 = arith.constant 0.000000e+00 : f32
      %broadcast_in_dim3A_131 = vector.broadcast %broadcast_in_dim3A_130 : f32 to vector<16xf32>
      %swap3A_132 = arith.constant 0 : i32
      %swap3A_133 = arith.index_cast %swap3A_132 : i32 to index
      %swap3A_134 = arith.index_cast %scan3A_86 : i32 to index
      %swap3A_135 = arith.constant 80 : index
      %swap3A_136 = tpu.vector_load %arg8[%swap3A_133, %swap3A_134, %swap3A_135] {strides = array<i32>} : memref<4x128x128xf32, #tpu.memory_space<vmem>>, vector<1x1x16xf32>,
      %swap3A_137 = vector.shape_cast %swap3A_136 : vector<1x1x16xf32> to vector<16xf32>
      %swap3A_138 = vector.shape_cast %broadcast_in_dim3A_131 : vector<16xf32> to vector<1x1x16xf32>
      tpu.vector_store %arg8[%swap3A_133, %swap3A_134, %swap3A_135], %swap3A_138 {strides = array<i32>} : memref<4x128x128xf32, #tpu.memory_space<vmem>>, vector<1x1x16xf32>,
      %broadcast_in_dim3A_139 = arith.constant 0.000000e+00 : f32
      %broadcast_in_dim3A_140 = vector.broadcast %broadcast_in_dim3A_139 : f32 to vector<16xf32>
      %swap3A_141 = arith.constant 0 : i32
      %swap3A_142 = arith.index_cast %swap3A_141 : i32 to index
      %swap3A_143 = arith.index_cast %scan3A_86 : i32 to index
      %swap3A_144 = arith.constant 96 : index
      %swap3A_145 = tpu.vector_load %arg8[%swap3A_142, %swap3A_143, %swap3A_144] {strides = array<i32>} : memref<4x128x128xf32, #tpu.memory_space<vmem>>, vector<1x1x16xf32>,
      %swap3A_146 = vector.shape_cast %swap3A_145 : vector<1x1x16xf32> to vector<16xf32>
      %swap3A_147 = vector.shape_cast %broadcast_in_dim3A_140 : vector<16xf32> to vector<1x1x16xf32>
      tpu.vector_store %arg8[%swap3A_142, %swap3A_143, %swap3A_144], %swap3A_147 {strides = array<i32>} : memref<4x128x128xf32, #tpu.memory_space<vmem>>, vector<1x1x16xf32>,
      %broadcast_in_dim3A_148 = arith.constant 0.000000e+00 : f32
      %broadcast_in_dim3A_149 = vector.broadcast %broadcast_in_dim3A_148 : f32 to vector<16xf32>
      %swap3A_150 = arith.constant 0 : i32
      %swap3A_151 = arith.index_cast %swap3A_150 : i32 to index
      %swap3A_152 = arith.index_cast %scan3A_86 : i32 to index
      %swap3A_153 = arith.constant 112 : index
      %swap3A_154 = tpu.vector_load %arg8[%swap3A_151, %swap3A_152, %swap3A_153] {strides = array<i32>} : memref<4x128x128xf32, #tpu.memory_space<vmem>>, vector<1x1x16xf32>,
      %swap3A_155 = vector.shape_cast %swap3A_154 : vector<1x1x16xf32> to vector<16xf32>
      %swap3A_156 = vector.shape_cast %broadcast_in_dim3A_149 : vector<16xf32> to vector<1x1x16xf32>
      tpu.vector_store %arg8[%swap3A_151, %swap3A_152, %swap3A_153], %swap3A_156 {strides = array<i32>} : memref<4x128x128xf32, #tpu.memory_space<vmem>>, vector<1x1x16xf32>,
    }
    %scan3A_7 = arith.constant 128 : i32
    %mul3A_8 = arith.constant 256 : i32
    %mul3A_9 = arith.muli %arg1, %mul3A_8 : i32
    %add3A_10 = arith.constant 0 : i32
    %add3A_11 = arith.addi %mul3A_9, %add3A_10 : i32
    %run_scoped3A = arith.constant 0 : i32
    "tpu.region"() ({
      %run_scoped3A_86 = tpu.sem_alloc : memref<!tpu.dma_semaphore, #tpu.memory_space<semaphore_mem>>
      %dma_start3A_87 = arith.constant 0 : i32
      %dma_start3A_88 = arith.constant 0 : i32
      %dma_start3A_89 = tpu.memref_slice %arg8[%run_scoped3A, %dma_start3A_87, %dma_start3A_88] : memref<4x128x128xf32, #tpu.memory_space<vmem>> -> memref<1x128x128xf32, #tpu.memory_space<vmem>>
      %dma_start3A_90 = tpu.memref_squeeze %dma_start3A_89 : memref<1x128x128xf32, #tpu.memory_space<vmem>> -> memref<128x128xf32, #tpu.memory_space<vmem>>
      %dma_start3A_91 = arith.constant 0 : i32
      %dma_start3A_92 = tpu.memref_slice %arg9[%add3A_11, %dma_start3A_91] : memref<4096x128xf32, #tpu.memory_space<vmem_shared>> -> memref<128x128xf32, #tpu.memory_space<vmem_shared>>
      %dma_start3A_93 = arith.constant 0 : i32
      %dma_start3A_94 = tpu.memref_slice %arg9[%add3A_11, %dma_start3A_93] : memref<4096x128xf32, #tpu.memory_space<vmem_shared>> -> memref<128x128xf32, #tpu.memory_space<vmem_shared>>
      %dma_start3A_95 = arith.constant 0 : i32
      %dma_start3A_96 = arith.constant 0 : i32
      %dma_start3A_97 = tpu.memref_slice %arg8[%run_scoped3A, %dma_start3A_95, %dma_start3A_96] : memref<4x128x128xf32, #tpu.memory_space<vmem>> -> memref<1x128x128xf32, #tpu.memory_space<vmem>>
      %dma_start3A_98 = tpu.memref_squeeze %dma_start3A_97 : memref<1x128x128xf32, #tpu.memory_space<vmem>> -> memref<128x128xf32, #tpu.memory_space<vmem>>
      tpu.enqueue_dma source(%dma_start3A_98 : memref<128x128xf32, #tpu.memory_space<vmem>>) target(%dma_start3A_94 : memref<128x128xf32, #tpu.memory_space<vmem_shared>>) target_semaphore(%run_scoped3A_86 : memref<!tpu.dma_semaphore, #tpu.memory_space<semaphore_mem>>)
      %dma_wait3A = arith.constant 0 : i32
      %dma_wait3A_99 = arith.constant 0 : i32
      %dma_wait3A_100 = tpu.memref_slice %arg8[%run_scoped3A, %dma_wait3A, %dma_wait3A_99] : memref<4x128x128xf32, #tpu.memory_space<vmem>> -> memref<1x128x128xf32, #tpu.memory_space<vmem>>
      %dma_wait3A_101 = tpu.memref_squeeze %dma_wait3A_100 : memref<1x128x128xf32, #tpu.memory_space<vmem>> -> memref<128x128xf32, #tpu.memory_space<vmem>>
      %dma_wait3A_102 = arith.constant 0 : i32
      %dma_wait3A_103 = tpu.memref_slice %arg9[%add3A_11, %dma_wait3A_102] : memref<4096x128xf32, #tpu.memory_space<vmem_shared>> -> memref<128x128xf32, #tpu.memory_space<vmem_shared>>
      %dma_wait3A_104 = arith.constant 0 : i32
      %dma_wait3A_105 = tpu.memref_slice %arg9[%add3A_11, %dma_wait3A_104] : memref<4096x128xf32, #tpu.memory_space<vmem_shared>> -> memref<128x128xf32, #tpu.memory_space<vmem_shared>>
      %dma_wait3A_106 = arith.constant 0 : i32
      %dma_wait3A_107 = arith.constant 0 : i32
      %dma_wait3A_108 = tpu.memref_slice %arg8[%run_scoped3A, %dma_wait3A_106, %dma_wait3A_107] : memref<4x128x128xf32, #tpu.memory_space<vmem>> -> memref<1x128x128xf32, #tpu.memory_space<vmem>>
      %dma_wait3A_109 = tpu.memref_squeeze %dma_wait3A_108 : memref<1x128x128xf32, #tpu.memory_space<vmem>> -> memref<128x128xf32, #tpu.memory_space<vmem>>
      tpu.wait_dma2 semaphore(%run_scoped3A_86 : memref<!tpu.dma_semaphore, #tpu.memory_space<semaphore_mem>>) src(%dma_wait3A_109 : memref<128x128xf32, #tpu.memory_space<vmem>>) dst(%dma_wait3A_105 : memref<128x128xf32, #tpu.memory_space<vmem_shared>>)
      tpu.yield
    }) : () -> ()
    %mul3A_12 = arith.constant 256 : i32
    %mul3A_13 = arith.muli %arg1, %mul3A_12 : i32
    %add3A_14 = arith.constant 128 : i32
    %add3A_15 = arith.addi %mul3A_13, %add3A_14 : i32
    %run_scoped3A_16 = arith.constant 0 : i32
    "tpu.region"() ({
      %run_scoped3A_86 = tpu.sem_alloc : memref<!tpu.dma_semaphore, #tpu.memory_space<semaphore_mem>>
      %dma_start3A_87 = arith.constant 0 : i32
      %dma_start3A_88 = arith.constant 0 : i32
      %dma_start3A_89 = tpu.memref_slice %arg8[%run_scoped3A_16, %dma_start3A_87, %dma_start3A_88] : memref<4x128x128xf32, #tpu.memory_space<vmem>> -> memref<1x128x128xf32, #tpu.memory_space<vmem>>
      %dma_start3A_90 = tpu.memref_squeeze %dma_start3A_89 : memref<1x128x128xf32, #tpu.memory_space<vmem>> -> memref<128x128xf32, #tpu.memory_space<vmem>>
      %dma_start3A_91 = arith.constant 0 : i32
      %dma_start3A_92 = tpu.memref_slice %arg9[%add3A_15, %dma_start3A_91] : memref<4096x128xf32, #tpu.memory_space<vmem_shared>> -> memref<128x128xf32, #tpu.memory_space<vmem_shared>>
      %dma_start3A_93 = arith.constant 0 : i32
      %dma_start3A_94 = tpu.memref_slice %arg9[%add3A_15, %dma_start3A_93] : memref<4096x128xf32, #tpu.memory_space<vmem_shared>> -> memref<128x128xf32, #tpu.memory_space<vmem_shared>>
      %dma_start3A_95 = arith.constant 0 : i32
      %dma_start3A_96 = arith.constant 0 : i32
      %dma_start3A_97 = tpu.memref_slice %arg8[%run_scoped3A_16, %dma_start3A_95, %dma_start3A_96] : memref<4x128x128xf32, #tpu.memory_space<vmem>> -> memref<1x128x128xf32, #tpu.memory_space<vmem>>
      %dma_start3A_98 = tpu.memref_squeeze %dma_start3A_97 : memref<1x128x128xf32, #tpu.memory_space<vmem>> -> memref<128x128xf32, #tpu.memory_space<vmem>>
      tpu.enqueue_dma source(%dma_start3A_98 : memref<128x128xf32, #tpu.memory_space<vmem>>) target(%dma_start3A_94 : memref<128x128xf32, #tpu.memory_space<vmem_shared>>) target_semaphore(%run_scoped3A_86 : memref<!tpu.dma_semaphore, #tpu.memory_space<semaphore_mem>>)
      %dma_wait3A = arith.constant 0 : i32
      %dma_wait3A_99 = arith.constant 0 : i32
      %dma_wait3A_100 = tpu.memref_slice %arg8[%run_scoped3A_16, %dma_wait3A, %dma_wait3A_99] : memref<4x128x128xf32, #tpu.memory_space<vmem>> -> memref<1x128x128xf32, #tpu.memory_space<vmem>>
      %dma_wait3A_101 = tpu.memref_squeeze %dma_wait3A_100 : memref<1x128x128xf32, #tpu.memory_space<vmem>> -> memref<128x128xf32, #tpu.memory_space<vmem>>
      %dma_wait3A_102 = arith.constant 0 : i32
      %dma_wait3A_103 = tpu.memref_slice %arg9[%add3A_15, %dma_wait3A_102] : memref<4096x128xf32, #tpu.memory_space<vmem_shared>> -> memref<128x128xf32, #tpu.memory_space<vmem_shared>>
      %dma_wait3A_104 = arith.constant 0 : i32
      %dma_wait3A_105 = tpu.memref_slice %arg9[%add3A_15, %dma_wait3A_104] : memref<4096x128xf32, #tpu.memory_space<vmem_shared>> -> memref<128x128xf32, #tpu.memory_space<vmem_shared>>
      %dma_wait3A_106 = arith.constant 0 : i32
      %dma_wait3A_107 = arith.constant 0 : i32
      %dma_wait3A_108 = tpu.memref_slice %arg8[%run_scoped3A_16, %dma_wait3A_106, %dma_wait3A_107] : memref<4x128x128xf32, #tpu.memory_space<vmem>> -> memref<1x128x128xf32, #tpu.memory_space<vmem>>
      %dma_wait3A_109 = tpu.memref_squeeze %dma_wait3A_108 : memref<1x128x128xf32, #tpu.memory_space<vmem>> -> memref<128x128xf32, #tpu.memory_space<vmem>>
      tpu.wait_dma2 semaphore(%run_scoped3A_86 : memref<!tpu.dma_semaphore, #tpu.memory_space<semaphore_mem>>) src(%dma_wait3A_109 : memref<128x128xf32, #tpu.memory_space<vmem>>) dst(%dma_wait3A_105 : memref<128x128xf32, #tpu.memory_space<vmem_shared>>)
      tpu.yield
    }) : () -> ()
    %dma_start3A = arith.constant 0 : i32
    %dma_start3A_17 = arith.constant 0 : i32
    %dma_start3A_18 = arith.constant 0 : i32
    %dma_start3A_19 = arith.constant 0 : i32
    %dma_start3A_20 = tpu.memref_slice %arg8[%dma_start3A_17, %dma_start3A_18, %dma_start3A_19] : memref<4x128x128xf32, #tpu.memory_space<vmem>> -> memref<1x128x128xf32, #tpu.memory_space<vmem>>
    %dma_start3A_21 = tpu.memref_squeeze %dma_start3A_20 : memref<1x128x128xf32, #tpu.memory_space<vmem>> -> memref<128x128xf32, #tpu.memory_space<vmem>>
    %dma_start3A_22 = arith.constant 0 : i32
    %dma_start3A_23 = tpu.memref_slice %arg6[%dma_start3A, %dma_start3A_22] : memref<100x128xi32, #tpu.memory_space<vmem>> -> memref<1x128xi32, #tpu.memory_space<vmem>>
    %dma_start3A_24 = tpu.memref_squeeze %dma_start3A_23 : memref<1x128xi32, #tpu.memory_space<vmem>> -> memref<128xi32, #tpu.memory_space<vmem>>
    %dma_start3A_25 = arith.constant 0 : i32
    %dma_start3A_26 = arith.constant 0 : i32
    %dma_start3A_27 = tpu.memref_slice %arg2[%dma_start3A_25, %dma_start3A_26] : memref<50000x128xf32, #tpu.memory_space<hbm>> -> memref<50000x128xf32, #tpu.memory_space<hbm>>
    tpu.enqueue_indirect_dma source(%dma_start3A_27 : memref<50000x128xf32, #tpu.memory_space<hbm>>) target(%dma_start3A_21 : memref<128x128xf32, #tpu.memory_space<vmem>>) offsets(%dma_start3A_24 : memref<128xi32, #tpu.memory_space<vmem>>) semaphore(%arg10 : memref<!tpu.dma_semaphore, #tpu.memory_space<semaphore_mem>>)
    %dma_start3A_28 = arith.constant 1 : i32
    %dma_start3A_29 = arith.constant 1 : i32
    %dma_start3A_30 = arith.constant 0 : i32
    %dma_start3A_31 = arith.constant 0 : i32
    %dma_start3A_32 = tpu.memref_slice %arg8[%dma_start3A_29, %dma_start3A_30, %dma_start3A_31] : memref<4x128x128xf32, #tpu.memory_space<vmem>> -> memref<1x128x128xf32, #tpu.memory_space<vmem>>
    %dma_start3A_33 = tpu.memref_squeeze %dma_start3A_32 : memref<1x128x128xf32, #tpu.memory_space<vmem>> -> memref<128x128xf32, #tpu.memory_space<vmem>>
    %dma_start3A_34 = arith.constant 0 : i32
    %dma_start3A_35 = tpu.memref_slice %arg6[%dma_start3A_28, %dma_start3A_34] : memref<100x128xi32, #tpu.memory_space<vmem>> -> memref<1x128xi32, #tpu.memory_space<vmem>>
    %dma_start3A_36 = tpu.memref_squeeze %dma_start3A_35 : memref<1x128xi32, #tpu.memory_space<vmem>> -> memref<128xi32, #tpu.memory_space<vmem>>
    %dma_start3A_37 = arith.constant 0 : i32
    %dma_start3A_38 = arith.constant 0 : i32
    %dma_start3A_39 = tpu.memref_slice %arg2[%dma_start3A_37, %dma_start3A_38] : memref<50000x128xf32, #tpu.memory_space<hbm>> -> memref<50000x128xf32, #tpu.memory_space<hbm>>
    tpu.enqueue_indirect_dma source(%dma_start3A_39 : memref<50000x128xf32, #tpu.memory_space<hbm>>) target(%dma_start3A_33 : memref<128x128xf32, #tpu.memory_space<vmem>>) offsets(%dma_start3A_36 : memref<128xi32, #tpu.memory_space<vmem>>) semaphore(%arg11 : memref<!tpu.dma_semaphore, #tpu.memory_space<semaphore_mem>>)
    %dma_start3A_40 = arith.constant 2 : i32
    %dma_start3A_41 = arith.constant 2 : i32
    %dma_start3A_42 = arith.constant 0 : i32
    %dma_start3A_43 = arith.constant 0 : i32
    %dma_start3A_44 = tpu.memref_slice %arg8[%dma_start3A_41, %dma_start3A_42, %dma_start3A_43] : memref<4x128x128xf32, #tpu.memory_space<vmem>> -> memref<1x128x128xf32, #tpu.memory_space<vmem>>
    %dma_start3A_45 = tpu.memref_squeeze %dma_start3A_44 : memref<1x128x128xf32, #tpu.memory_space<vmem>> -> memref<128x128xf32, #tpu.memory_space<vmem>>
    %dma_start3A_46 = arith.constant 0 : i32
    %dma_start3A_47 = tpu.memref_slice %arg6[%dma_start3A_40, %dma_start3A_46] : memref<100x128xi32, #tpu.memory_space<vmem>> -> memref<1x128xi32, #tpu.memory_space<vmem>>
    %dma_start3A_48 = tpu.memref_squeeze %dma_start3A_47 : memref<1x128xi32, #tpu.memory_space<vmem>> -> memref<128xi32, #tpu.memory_space<vmem>>
    %dma_start3A_49 = arith.constant 0 : i32
    %dma_start3A_50 = arith.constant 0 : i32
    %dma_start3A_51 = tpu.memref_slice %arg2[%dma_start3A_49, %dma_start3A_50] : memref<50000x128xf32, #tpu.memory_space<hbm>> -> memref<50000x128xf32, #tpu.memory_space<hbm>>
    tpu.enqueue_indirect_dma source(%dma_start3A_51 : memref<50000x128xf32, #tpu.memory_space<hbm>>) target(%dma_start3A_45 : memref<128x128xf32, #tpu.memory_space<vmem>>) offsets(%dma_start3A_48 : memref<128xi32, #tpu.memory_space<vmem>>) semaphore(%arg12 : memref<!tpu.dma_semaphore, #tpu.memory_space<semaphore_mem>>)
    %dma_start3A_52 = arith.constant 3 : i32
    %dma_start3A_53 = arith.constant 3 : i32
    %dma_start3A_54 = arith.constant 0 : i32
    %dma_start3A_55 = arith.constant 0 : i32
    %dma_start3A_56 = tpu.memref_slice %arg8[%dma_start3A_53, %dma_start3A_54, %dma_start3A_55] : memref<4x128x128xf32, #tpu.memory_space<vmem>> -> memref<1x128x128xf32, #tpu.memory_space<vmem>>
    %dma_start3A_57 = tpu.memref_squeeze %dma_start3A_56 : memref<1x128x128xf32, #tpu.memory_space<vmem>> -> memref<128x128xf32, #tpu.memory_space<vmem>>
    %dma_start3A_58 = arith.constant 0 : i32
    %dma_start3A_59 = tpu.memref_slice %arg6[%dma_start3A_52, %dma_start3A_58] : memref<100x128xi32, #tpu.memory_space<vmem>> -> memref<1x128xi32, #tpu.memory_space<vmem>>
    %dma_start3A_60 = tpu.memref_squeeze %dma_start3A_59 : memref<1x128xi32, #tpu.memory_space<vmem>> -> memref<128xi32, #tpu.memory_space<vmem>>
    %dma_start3A_61 = arith.constant 0 : i32
    %dma_start3A_62 = arith.constant 0 : i32
    %dma_start3A_63 = tpu.memref_slice %arg2[%dma_start3A_61, %dma_start3A_62] : memref<50000x128xf32, #tpu.memory_space<hbm>> -> memref<50000x128xf32, #tpu.memory_space<hbm>>
    tpu.enqueue_indirect_dma source(%dma_start3A_63 : memref<50000x128xf32, #tpu.memory_space<hbm>>) target(%dma_start3A_57 : memref<128x128xf32, #tpu.memory_space<vmem>>) offsets(%dma_start3A_60 : memref<128xi32, #tpu.memory_space<vmem>>) semaphore(%arg13 : memref<!tpu.dma_semaphore, #tpu.memory_space<semaphore_mem>>)
    %scan3A_64 = arith.constant 0 : i32
    %scan3A_65 = arith.constant 0 : i32
    %scan3A_66 = arith.constant 25 : i32
    %scan3A_67 = arith.addi %scan3A_65, %scan3A_66 : i32
    %scan3A_68 = arith.constant 1 : i32
    scf.for %scan3A_86 = %scan3A_65 to %scan3A_67 step %scan3A_68  : i32 {
      %mul3A_87 = arith.constant 4 : i32
      %mul3A_88 = arith.muli %mul3A_87, %scan3A_86 : i32
      %dma_wait3A = arith.constant 0 : i32
      %dma_wait3A_89 = arith.constant 0 : i32
      %dma_wait3A_90 = arith.constant 0 : i32
      %dma_wait3A_91 = tpu.memref_slice %arg8[%dma_wait3A, %dma_wait3A_89, %dma_wait3A_90] : memref<4x128x128xf32, #tpu.memory_space<vmem>> -> memref<1x128x128xf32, #tpu.memory_space<vmem>>
      %dma_wait3A_92 = tpu.memref_squeeze %dma_wait3A_91 : memref<1x128x128xf32, #tpu.memory_space<vmem>> -> memref<128x128xf32, #tpu.memory_space<vmem>>
      %dma_wait3A_93 = arith.constant 0 : i32
      %dma_wait3A_94 = arith.constant 0 : i32
      %dma_wait3A_95 = tpu.memref_slice %arg2[%dma_wait3A_93, %dma_wait3A_94] : memref<50000x128xf32, #tpu.memory_space<hbm>> -> memref<128x128xf32, #tpu.memory_space<hbm>>
      %dma_wait3A_96 = arith.constant 0 : i32
      %dma_wait3A_97 = arith.constant 0 : i32
      %dma_wait3A_98 = tpu.memref_slice %arg8[%dma_wait3A, %dma_wait3A_96, %dma_wait3A_97] : memref<4x128x128xf32, #tpu.memory_space<vmem>> -> memref<1x128x128xf32, #tpu.memory_space<vmem>>
      %dma_wait3A_99 = tpu.memref_squeeze %dma_wait3A_98 : memref<1x128x128xf32, #tpu.memory_space<vmem>> -> memref<128x128xf32, #tpu.memory_space<vmem>>
      %dma_wait3A_100 = arith.constant 0 : i32
      %dma_wait3A_101 = arith.constant 0 : i32
      %dma_wait3A_102 = tpu.memref_slice %arg2[%dma_wait3A_100, %dma_wait3A_101] : memref<50000x128xf32, #tpu.memory_space<hbm>> -> memref<128x128xf32, #tpu.memory_space<hbm>>
      tpu.wait_dma2 semaphore(%arg10 : memref<!tpu.dma_semaphore, #tpu.memory_space<semaphore_mem>>) src(%dma_wait3A_102 : memref<128x128xf32, #tpu.memory_space<hbm>>) dst(%dma_wait3A_99 : memref<128x128xf32, #tpu.memory_space<vmem>>)
      %add3A_103 = arith.constant 0 : i32
      %add3A_104 = arith.addi %mul3A_88, %add3A_103 : i32
      %dma_start3A_105 = arith.constant 0 : i32
      %dma_start3A_106 = arith.constant 0 : i32
      %dma_start3A_107 = arith.constant 0 : i32
      %dma_start3A_108 = tpu.memref_slice %arg8[%dma_start3A_105, %dma_start3A_106, %dma_start3A_107] : memref<4x128x128xf32, #tpu.memory_space<vmem>> -> memref<1x128x128xf32, #tpu.memory_space<vmem>>
      %dma_start3A_109 = tpu.memref_squeeze %dma_start3A_108 : memref<1x128x128xf32, #tpu.memory_space<vmem>> -> memref<128x128xf32, #tpu.memory_space<vmem>>
      %dma_start3A_110 = arith.constant 0 : i32
      %dma_start3A_111 = tpu.memref_slice %arg7[%add3A_104, %dma_start3A_110] : memref<100x128xi32, #tpu.memory_space<vmem>> -> memref<1x128xi32, #tpu.memory_space<vmem>>
      %dma_start3A_112 = tpu.memref_squeeze %dma_start3A_111 : memref<1x128xi32, #tpu.memory_space<vmem>> -> memref<128xi32, #tpu.memory_space<vmem>>
      %dma_start3A_113 = arith.constant 0 : i32
      %dma_start3A_114 = arith.constant 0 : i32
      %dma_start3A_115 = tpu.memref_slice %arg9[%dma_start3A_113, %dma_start3A_114] : memref<4096x128xf32, #tpu.memory_space<vmem_shared>> -> memref<4096x128xf32, #tpu.memory_space<vmem_shared>>
      tpu.enqueue_indirect_dma source(%dma_start3A_109 : memref<128x128xf32, #tpu.memory_space<vmem>>) target(%dma_start3A_115 : memref<4096x128xf32, #tpu.memory_space<vmem_shared>>) offsets(%dma_start3A_112 : memref<128xi32, #tpu.memory_space<vmem>>) semaphore(%arg14 : memref<!tpu.dma_semaphore, #tpu.memory_space<semaphore_mem>>) {add = true}
      %dma_wait3A_116 = arith.constant 1 : i32
      %dma_wait3A_117 = arith.constant 0 : i32
      %dma_wait3A_118 = arith.constant 0 : i32
      %dma_wait3A_119 = tpu.memref_slice %arg8[%dma_wait3A_116, %dma_wait3A_117, %dma_wait3A_118] : memref<4x128x128xf32, #tpu.memory_space<vmem>> -> memref<1x128x128xf32, #tpu.memory_space<vmem>>
      %dma_wait3A_120 = tpu.memref_squeeze %dma_wait3A_119 : memref<1x128x128xf32, #tpu.memory_space<vmem>> -> memref<128x128xf32, #tpu.memory_space<vmem>>
      %dma_wait3A_121 = arith.constant 0 : i32
      %dma_wait3A_122 = arith.constant 0 : i32
      %dma_wait3A_123 = tpu.memref_slice %arg2[%dma_wait3A_121, %dma_wait3A_122] : memref<50000x128xf32, #tpu.memory_space<hbm>> -> memref<128x128xf32, #tpu.memory_space<hbm>>
      %dma_wait3A_124 = arith.constant 0 : i32
      %dma_wait3A_125 = arith.constant 0 : i32
      %dma_wait3A_126 = tpu.memref_slice %arg8[%dma_wait3A_116, %dma_wait3A_124, %dma_wait3A_125] : memref<4x128x128xf32, #tpu.memory_space<vmem>> -> memref<1x128x128xf32, #tpu.memory_space<vmem>>
      %dma_wait3A_127 = tpu.memref_squeeze %dma_wait3A_126 : memref<1x128x128xf32, #tpu.memory_space<vmem>> -> memref<128x128xf32, #tpu.memory_space<vmem>>
      %dma_wait3A_128 = arith.constant 0 : i32
      %dma_wait3A_129 = arith.constant 0 : i32
      %dma_wait3A_130 = tpu.memref_slice %arg2[%dma_wait3A_128, %dma_wait3A_129] : memref<50000x128xf32, #tpu.memory_space<hbm>> -> memref<128x128xf32, #tpu.memory_space<hbm>>
      tpu.wait_dma2 semaphore(%arg11 : memref<!tpu.dma_semaphore, #tpu.memory_space<semaphore_mem>>) src(%dma_wait3A_130 : memref<128x128xf32, #tpu.memory_space<hbm>>) dst(%dma_wait3A_127 : memref<128x128xf32, #tpu.memory_space<vmem>>)
      %add3A_131 = arith.constant 1 : i32
      %add3A_132 = arith.addi %mul3A_88, %add3A_131 : i32
      %dma_start3A_133 = arith.constant 1 : i32
      %dma_start3A_134 = arith.constant 0 : i32
      %dma_start3A_135 = arith.constant 0 : i32
      %dma_start3A_136 = tpu.memref_slice %arg8[%dma_start3A_133, %dma_start3A_134, %dma_start3A_135] : memref<4x128x128xf32, #tpu.memory_space<vmem>> -> memref<1x128x128xf32, #tpu.memory_space<vmem>>
      %dma_start3A_137 = tpu.memref_squeeze %dma_start3A_136 : memref<1x128x128xf32, #tpu.memory_space<vmem>> -> memref<128x128xf32, #tpu.memory_space<vmem>>
      %dma_start3A_138 = arith.constant 0 : i32
      %dma_start3A_139 = tpu.memref_slice %arg7[%add3A_132, %dma_start3A_138] : memref<100x128xi32, #tpu.memory_space<vmem>> -> memref<1x128xi32, #tpu.memory_space<vmem>>
      %dma_start3A_140 = tpu.memref_squeeze %dma_start3A_139 : memref<1x128xi32, #tpu.memory_space<vmem>> -> memref<128xi32, #tpu.memory_space<vmem>>
      %dma_start3A_141 = arith.constant 0 : i32
      %dma_start3A_142 = arith.constant 0 : i32
      %dma_start3A_143 = tpu.memref_slice %arg9[%dma_start3A_141, %dma_start3A_142] : memref<4096x128xf32, #tpu.memory_space<vmem_shared>> -> memref<4096x128xf32, #tpu.memory_space<vmem_shared>>
      tpu.enqueue_indirect_dma source(%dma_start3A_137 : memref<128x128xf32, #tpu.memory_space<vmem>>) target(%dma_start3A_143 : memref<4096x128xf32, #tpu.memory_space<vmem_shared>>) offsets(%dma_start3A_140 : memref<128xi32, #tpu.memory_space<vmem>>) semaphore(%arg15 : memref<!tpu.dma_semaphore, #tpu.memory_space<semaphore_mem>>) {add = true}
      %dma_wait3A_144 = arith.constant 2 : i32
      %dma_wait3A_145 = arith.constant 0 : i32
      %dma_wait3A_146 = arith.constant 0 : i32
      %dma_wait3A_147 = tpu.memref_slice %arg8[%dma_wait3A_144, %dma_wait3A_145, %dma_wait3A_146] : memref<4x128x128xf32, #tpu.memory_space<vmem>> -> memref<1x128x128xf32, #tpu.memory_space<vmem>>
      %dma_wait3A_148 = tpu.memref_squeeze %dma_wait3A_147 : memref<1x128x128xf32, #tpu.memory_space<vmem>> -> memref<128x128xf32, #tpu.memory_space<vmem>>
      %dma_wait3A_149 = arith.constant 0 : i32
      %dma_wait3A_150 = arith.constant 0 : i32
      %dma_wait3A_151 = tpu.memref_slice %arg2[%dma_wait3A_149, %dma_wait3A_150] : memref<50000x128xf32, #tpu.memory_space<hbm>> -> memref<128x128xf32, #tpu.memory_space<hbm>>
      %dma_wait3A_152 = arith.constant 0 : i32
      %dma_wait3A_153 = arith.constant 0 : i32
      %dma_wait3A_154 = tpu.memref_slice %arg8[%dma_wait3A_144, %dma_wait3A_152, %dma_wait3A_153] : memref<4x128x128xf32, #tpu.memory_space<vmem>> -> memref<1x128x128xf32, #tpu.memory_space<vmem>>
      %dma_wait3A_155 = tpu.memref_squeeze %dma_wait3A_154 : memref<1x128x128xf32, #tpu.memory_space<vmem>> -> memref<128x128xf32, #tpu.memory_space<vmem>>
      %dma_wait3A_156 = arith.constant 0 : i32
      %dma_wait3A_157 = arith.constant 0 : i32
      %dma_wait3A_158 = tpu.memref_slice %arg2[%dma_wait3A_156, %dma_wait3A_157] : memref<50000x128xf32, #tpu.memory_space<hbm>> -> memref<128x128xf32, #tpu.memory_space<hbm>>
      tpu.wait_dma2 semaphore(%arg12 : memref<!tpu.dma_semaphore, #tpu.memory_space<semaphore_mem>>) src(%dma_wait3A_158 : memref<128x128xf32, #tpu.memory_space<hbm>>) dst(%dma_wait3A_155 : memref<128x128xf32, #tpu.memory_space<vmem>>)
      %add3A_159 = arith.constant 2 : i32
      %add3A_160 = arith.addi %mul3A_88, %add3A_159 : i32
      %dma_start3A_161 = arith.constant 2 : i32
      %dma_start3A_162 = arith.constant 0 : i32
      %dma_start3A_163 = arith.constant 0 : i32
      %dma_start3A_164 = tpu.memref_slice %arg8[%dma_start3A_161, %dma_start3A_162, %dma_start3A_163] : memref<4x128x128xf32, #tpu.memory_space<vmem>> -> memref<1x128x128xf32, #tpu.memory_space<vmem>>
      %dma_start3A_165 = tpu.memref_squeeze %dma_start3A_164 : memref<1x128x128xf32, #tpu.memory_space<vmem>> -> memref<128x128xf32, #tpu.memory_space<vmem>>
      %dma_start3A_166 = arith.constant 0 : i32
      %dma_start3A_167 = tpu.memref_slice %arg7[%add3A_160, %dma_start3A_166] : memref<100x128xi32, #tpu.memory_space<vmem>> -> memref<1x128xi32, #tpu.memory_space<vmem>>
      %dma_start3A_168 = tpu.memref_squeeze %dma_start3A_167 : memref<1x128xi32, #tpu.memory_space<vmem>> -> memref<128xi32, #tpu.memory_space<vmem>>
      %dma_start3A_169 = arith.constant 0 : i32
      %dma_start3A_170 = arith.constant 0 : i32
      %dma_start3A_171 = tpu.memref_slice %arg9[%dma_start3A_169, %dma_start3A_170] : memref<4096x128xf32, #tpu.memory_space<vmem_shared>> -> memref<4096x128xf32, #tpu.memory_space<vmem_shared>>
      tpu.enqueue_indirect_dma source(%dma_start3A_165 : memref<128x128xf32, #tpu.memory_space<vmem>>) target(%dma_start3A_171 : memref<4096x128xf32, #tpu.memory_space<vmem_shared>>) offsets(%dma_start3A_168 : memref<128xi32, #tpu.memory_space<vmem>>) semaphore(%arg16 : memref<!tpu.dma_semaphore, #tpu.memory_space<semaphore_mem>>) {add = true}
      %dma_wait3A_172 = arith.constant 3 : i32
      %dma_wait3A_173 = arith.constant 0 : i32
      %dma_wait3A_174 = arith.constant 0 : i32
      %dma_wait3A_175 = tpu.memref_slice %arg8[%dma_wait3A_172, %dma_wait3A_173, %dma_wait3A_174] : memref<4x128x128xf32, #tpu.memory_space<vmem>> -> memref<1x128x128xf32, #tpu.memory_space<vmem>>
      %dma_wait3A_176 = tpu.memref_squeeze %dma_wait3A_175 : memref<1x128x128xf32, #tpu.memory_space<vmem>> -> memref<128x128xf32, #tpu.memory_space<vmem>>
      %dma_wait3A_177 = arith.constant 0 : i32
      %dma_wait3A_178 = arith.constant 0 : i32
      %dma_wait3A_179 = tpu.memref_slice %arg2[%dma_wait3A_177, %dma_wait3A_178] : memref<50000x128xf32, #tpu.memory_space<hbm>> -> memref<128x128xf32, #tpu.memory_space<hbm>>
      %dma_wait3A_180 = arith.constant 0 : i32
      %dma_wait3A_181 = arith.constant 0 : i32
      %dma_wait3A_182 = tpu.memref_slice %arg8[%dma_wait3A_172, %dma_wait3A_180, %dma_wait3A_181] : memref<4x128x128xf32, #tpu.memory_space<vmem>> -> memref<1x128x128xf32, #tpu.memory_space<vmem>>
      %dma_wait3A_183 = tpu.memref_squeeze %dma_wait3A_182 : memref<1x128x128xf32, #tpu.memory_space<vmem>> -> memref<128x128xf32, #tpu.memory_space<vmem>>
      %dma_wait3A_184 = arith.constant 0 : i32
      %dma_wait3A_185 = arith.constant 0 : i32
      %dma_wait3A_186 = tpu.memref_slice %arg2[%dma_wait3A_184, %dma_wait3A_185] : memref<50000x128xf32, #tpu.memory_space<hbm>> -> memref<128x128xf32, #tpu.memory_space<hbm>>
      tpu.wait_dma2 semaphore(%arg13 : memref<!tpu.dma_semaphore, #tpu.memory_space<semaphore_mem>>) src(%dma_wait3A_186 : memref<128x128xf32, #tpu.memory_space<hbm>>) dst(%dma_wait3A_183 : memref<128x128xf32, #tpu.memory_space<vmem>>)
      %add3A_187 = arith.constant 3 : i32
      %add3A_188 = arith.addi %mul3A_88, %add3A_187 : i32
      %dma_start3A_189 = arith.constant 3 : i32
      %dma_start3A_190 = arith.constant 0 : i32
      %dma_start3A_191 = arith.constant 0 : i32
      %dma_start3A_192 = tpu.memref_slice %arg8[%dma_start3A_189, %dma_start3A_190, %dma_start3A_191] : memref<4x128x128xf32, #tpu.memory_space<vmem>> -> memref<1x128x128xf32, #tpu.memory_space<vmem>>
      %dma_start3A_193 = tpu.memref_squeeze %dma_start3A_192 : memref<1x128x128xf32, #tpu.memory_space<vmem>> -> memref<128x128xf32, #tpu.memory_space<vmem>>
      %dma_start3A_194 = arith.constant 0 : i32
      %dma_start3A_195 = tpu.memref_slice %arg7[%add3A_188, %dma_start3A_194] : memref<100x128xi32, #tpu.memory_space<vmem>> -> memref<1x128xi32, #tpu.memory_space<vmem>>
      %dma_start3A_196 = tpu.memref_squeeze %dma_start3A_195 : memref<1x128xi32, #tpu.memory_space<vmem>> -> memref<128xi32, #tpu.memory_space<vmem>>
      %dma_start3A_197 = arith.constant 0 : i32
      %dma_start3A_198 = arith.constant 0 : i32
      %dma_start3A_199 = tpu.memref_slice %arg9[%dma_start3A_197, %dma_start3A_198] : memref<4096x128xf32, #tpu.memory_space<vmem_shared>> -> memref<4096x128xf32, #tpu.memory_space<vmem_shared>>
      tpu.enqueue_indirect_dma source(%dma_start3A_193 : memref<128x128xf32, #tpu.memory_space<vmem>>) target(%dma_start3A_199 : memref<4096x128xf32, #tpu.memory_space<vmem_shared>>) offsets(%dma_start3A_196 : memref<128xi32, #tpu.memory_space<vmem>>) semaphore(%arg17 : memref<!tpu.dma_semaphore, #tpu.memory_space<semaphore_mem>>) {add = true}
      %dma_wait3A_200 = arith.constant 0 : i32
      %dma_wait3A_201 = arith.constant 0 : i32
      %dma_wait3A_202 = arith.constant 0 : i32
      %dma_wait3A_203 = tpu.memref_slice %arg8[%dma_wait3A_200, %dma_wait3A_201, %dma_wait3A_202] : memref<4x128x128xf32, #tpu.memory_space<vmem>> -> memref<1x128x128xf32, #tpu.memory_space<vmem>>
      %dma_wait3A_204 = tpu.memref_squeeze %dma_wait3A_203 : memref<1x128x128xf32, #tpu.memory_space<vmem>> -> memref<128x128xf32, #tpu.memory_space<vmem>>
      %dma_wait3A_205 = arith.constant 0 : i32
      %dma_wait3A_206 = arith.constant 0 : i32
      %dma_wait3A_207 = tpu.memref_slice %arg9[%dma_wait3A_205, %dma_wait3A_206] : memref<4096x128xf32, #tpu.memory_space<vmem_shared>> -> memref<128x128xf32, #tpu.memory_space<vmem_shared>>
      %dma_wait3A_208 = arith.constant 0 : i32
      %dma_wait3A_209 = arith.constant 0 : i32
      %dma_wait3A_210 = tpu.memref_slice %arg9[%dma_wait3A_208, %dma_wait3A_209] : memref<4096x128xf32, #tpu.memory_space<vmem_shared>> -> memref<128x128xf32, #tpu.memory_space<vmem_shared>>
      %dma_wait3A_211 = arith.constant 0 : i32
      %dma_wait3A_212 = arith.constant 0 : i32
      %dma_wait3A_213 = tpu.memref_slice %arg8[%dma_wait3A_200, %dma_wait3A_211, %dma_wait3A_212] : memref<4x128x128xf32, #tpu.memory_space<vmem>> -> memref<1x128x128xf32, #tpu.memory_space<vmem>>
      %dma_wait3A_214 = tpu.memref_squeeze %dma_wait3A_213 : memref<1x128x128xf32, #tpu.memory_space<vmem>> -> memref<128x128xf32, #tpu.memory_space<vmem>>
      tpu.wait_dma2 semaphore(%arg14 : memref<!tpu.dma_semaphore, #tpu.memory_space<semaphore_mem>>) src(%dma_wait3A_214 : memref<128x128xf32, #tpu.memory_space<vmem>>) dst(%dma_wait3A_210 : memref<128x128xf32, #tpu.memory_space<vmem_shared>>)
      %add3A_215 = arith.constant 0 : i32
      %add3A_216 = arith.addi %mul3A_88, %add3A_215 : i32
      %add3A_217 = arith.constant 4 : i32
      %add3A_218 = arith.addi %add3A_216, %add3A_217 : i32
      %lt3A = arith.constant 100 : i32
      %lt3A_219 = arith.cmpi slt, %add3A_218, %lt3A : i32
      %convert_element_type3A = arith.extui %lt3A_219 : i1 to i32
      %cond3A = arith.constant 0 : i32
      %cond3A_220 = arith.cmpi ne, %convert_element_type3A, %cond3A : i32
      scf.if %cond3A_220 {
        %add3A_293 = arith.constant 0 : i32
        %add3A_294 = arith.addi %mul3A_88, %add3A_293 : i32
        %add3A_295 = arith.constant 4 : i32
        %add3A_296 = arith.addi %add3A_294, %add3A_295 : i32
        %dma_start3A_297 = arith.constant 0 : i32
        %dma_start3A_298 = arith.constant 0 : i32
        %dma_start3A_299 = arith.constant 0 : i32
        %dma_start3A_300 = tpu.memref_slice %arg8[%dma_start3A_297, %dma_start3A_298, %dma_start3A_299] : memref<4x128x128xf32, #tpu.memory_space<vmem>> -> memref<1x128x128xf32, #tpu.memory_space<vmem>>
        %dma_start3A_301 = tpu.memref_squeeze %dma_start3A_300 : memref<1x128x128xf32, #tpu.memory_space<vmem>> -> memref<128x128xf32, #tpu.memory_space<vmem>>
        %dma_start3A_302 = arith.constant 0 : i32
        %dma_start3A_303 = tpu.memref_slice %arg6[%add3A_296, %dma_start3A_302] : memref<100x128xi32, #tpu.memory_space<vmem>> -> memref<1x128xi32, #tpu.memory_space<vmem>>
        %dma_start3A_304 = tpu.memref_squeeze %dma_start3A_303 : memref<1x128xi32, #tpu.memory_space<vmem>> -> memref<128xi32, #tpu.memory_space<vmem>>
        %dma_start3A_305 = arith.constant 0 : i32
        %dma_start3A_306 = arith.constant 0 : i32
        %dma_start3A_307 = tpu.memref_slice %arg2[%dma_start3A_305, %dma_start3A_306] : memref<50000x128xf32, #tpu.memory_space<hbm>> -> memref<50000x128xf32, #tpu.memory_space<hbm>>
        tpu.enqueue_indirect_dma source(%dma_start3A_307 : memref<50000x128xf32, #tpu.memory_space<hbm>>) target(%dma_start3A_301 : memref<128x128xf32, #tpu.memory_space<vmem>>) offsets(%dma_start3A_304 : memref<128xi32, #tpu.memory_space<vmem>>) semaphore(%arg10 : memref<!tpu.dma_semaphore, #tpu.memory_space<semaphore_mem>>)
      } else {
      }
      %dma_wait3A_221 = arith.constant 1 : i32
      %dma_wait3A_222 = arith.constant 0 : i32
      %dma_wait3A_223 = arith.constant 0 : i32
      %dma_wait3A_224 = tpu.memref_slice %arg8[%dma_wait3A_221, %dma_wait3A_222, %dma_wait3A_223] : memref<4x128x128xf32, #tpu.memory_space<vmem>> -> memref<1x128x128xf32, #tpu.memory_space<vmem>>
      %dma_wait3A_225 = tpu.memref_squeeze %dma_wait3A_224 : memref<1x128x128xf32, #tpu.memory_space<vmem>> -> memref<128x128xf32, #tpu.memory_space<vmem>>
      %dma_wait3A_226 = arith.constant 0 : i32
      %dma_wait3A_227 = arith.constant 0 : i32
      %dma_wait3A_228 = tpu.memref_slice %arg9[%dma_wait3A_226, %dma_wait3A_227] : memref<4096x128xf32, #tpu.memory_space<vmem_shared>> -> memref<128x128xf32, #tpu.memory_space<vmem_shared>>
      %dma_wait3A_229 = arith.constant 0 : i32
      %dma_wait3A_230 = arith.constant 0 : i32
      %dma_wait3A_231 = tpu.memref_slice %arg9[%dma_wait3A_229, %dma_wait3A_230] : memref<4096x128xf32, #tpu.memory_space<vmem_shared>> -> memref<128x128xf32, #tpu.memory_space<vmem_shared>>
      %dma_wait3A_232 = arith.constant 0 : i32
      %dma_wait3A_233 = arith.constant 0 : i32
      %dma_wait3A_234 = tpu.memref_slice %arg8[%dma_wait3A_221, %dma_wait3A_232, %dma_wait3A_233] : memref<4x128x128xf32, #tpu.memory_space<vmem>> -> memref<1x128x128xf32, #tpu.memory_space<vmem>>
      %dma_wait3A_235 = tpu.memref_squeeze %dma_wait3A_234 : memref<1x128x128xf32, #tpu.memory_space<vmem>> -> memref<128x128xf32, #tpu.memory_space<vmem>>
      tpu.wait_dma2 semaphore(%arg15 : memref<!tpu.dma_semaphore, #tpu.memory_space<semaphore_mem>>) src(%dma_wait3A_235 : memref<128x128xf32, #tpu.memory_space<vmem>>) dst(%dma_wait3A_231 : memref<128x128xf32, #tpu.memory_space<vmem_shared>>)
      %add3A_236 = arith.constant 1 : i32
      %add3A_237 = arith.addi %mul3A_88, %add3A_236 : i32
      %add3A_238 = arith.constant 4 : i32
      %add3A_239 = arith.addi %add3A_237, %add3A_238 : i32
      %lt3A_240 = arith.constant 100 : i32
      %lt3A_241 = arith.cmpi slt, %add3A_239, %lt3A_240 : i32
      %convert_element_type3A_242 = arith.extui %lt3A_241 : i1 to i32
      %cond3A_243 = arith.constant 0 : i32
      %cond3A_244 = arith.cmpi ne, %convert_element_type3A_242, %cond3A_243 : i32
      scf.if %cond3A_244 {
        %add3A_293 = arith.constant 1 : i32
        %add3A_294 = arith.addi %mul3A_88, %add3A_293 : i32
        %add3A_295 = arith.constant 4 : i32
        %add3A_296 = arith.addi %add3A_294, %add3A_295 : i32
        %dma_start3A_297 = arith.constant 1 : i32
        %dma_start3A_298 = arith.constant 0 : i32
        %dma_start3A_299 = arith.constant 0 : i32
        %dma_start3A_300 = tpu.memref_slice %arg8[%dma_start3A_297, %dma_start3A_298, %dma_start3A_299] : memref<4x128x128xf32, #tpu.memory_space<vmem>> -> memref<1x128x128xf32, #tpu.memory_space<vmem>>
        %dma_start3A_301 = tpu.memref_squeeze %dma_start3A_300 : memref<1x128x128xf32, #tpu.memory_space<vmem>> -> memref<128x128xf32, #tpu.memory_space<vmem>>
        %dma_start3A_302 = arith.constant 0 : i32
        %dma_start3A_303 = tpu.memref_slice %arg6[%add3A_296, %dma_start3A_302] : memref<100x128xi32, #tpu.memory_space<vmem>> -> memref<1x128xi32, #tpu.memory_space<vmem>>
        %dma_start3A_304 = tpu.memref_squeeze %dma_start3A_303 : memref<1x128xi32, #tpu.memory_space<vmem>> -> memref<128xi32, #tpu.memory_space<vmem>>
        %dma_start3A_305 = arith.constant 0 : i32
        %dma_start3A_306 = arith.constant 0 : i32
        %dma_start3A_307 = tpu.memref_slice %arg2[%dma_start3A_305, %dma_start3A_306] : memref<50000x128xf32, #tpu.memory_space<hbm>> -> memref<50000x128xf32, #tpu.memory_space<hbm>>
        tpu.enqueue_indirect_dma source(%dma_start3A_307 : memref<50000x128xf32, #tpu.memory_space<hbm>>) target(%dma_start3A_301 : memref<128x128xf32, #tpu.memory_space<vmem>>) offsets(%dma_start3A_304 : memref<128xi32, #tpu.memory_space<vmem>>) semaphore(%arg11 : memref<!tpu.dma_semaphore, #tpu.memory_space<semaphore_mem>>)
      } else {
      }
      %dma_wait3A_245 = arith.constant 2 : i32
      %dma_wait3A_246 = arith.constant 0 : i32
      %dma_wait3A_247 = arith.constant 0 : i32
      %dma_wait3A_248 = tpu.memref_slice %arg8[%dma_wait3A_245, %dma_wait3A_246, %dma_wait3A_247] : memref<4x128x128xf32, #tpu.memory_space<vmem>> -> memref<1x128x128xf32, #tpu.memory_space<vmem>>
      %dma_wait3A_249 = tpu.memref_squeeze %dma_wait3A_248 : memref<1x128x128xf32, #tpu.memory_space<vmem>> -> memref<128x128xf32, #tpu.memory_space<vmem>>
      %dma_wait3A_250 = arith.constant 0 : i32
      %dma_wait3A_251 = arith.constant 0 : i32
      %dma_wait3A_252 = tpu.memref_slice %arg9[%dma_wait3A_250, %dma_wait3A_251] : memref<4096x128xf32, #tpu.memory_space<vmem_shared>> -> memref<128x128xf32, #tpu.memory_space<vmem_shared>>
      %dma_wait3A_253 = arith.constant 0 : i32
      %dma_wait3A_254 = arith.constant 0 : i32
      %dma_wait3A_255 = tpu.memref_slice %arg9[%dma_wait3A_253, %dma_wait3A_254] : memref<4096x128xf32, #tpu.memory_space<vmem_shared>> -> memref<128x128xf32, #tpu.memory_space<vmem_shared>>
      %dma_wait3A_256 = arith.constant 0 : i32
      %dma_wait3A_257 = arith.constant 0 : i32
      %dma_wait3A_258 = tpu.memref_slice %arg8[%dma_wait3A_245, %dma_wait3A_256, %dma_wait3A_257] : memref<4x128x128xf32, #tpu.memory_space<vmem>> -> memref<1x128x128xf32, #tpu.memory_space<vmem>>
      %dma_wait3A_259 = tpu.memref_squeeze %dma_wait3A_258 : memref<1x128x128xf32, #tpu.memory_space<vmem>> -> memref<128x128xf32, #tpu.memory_space<vmem>>
      tpu.wait_dma2 semaphore(%arg16 : memref<!tpu.dma_semaphore, #tpu.memory_space<semaphore_mem>>) src(%dma_wait3A_259 : memref<128x128xf32, #tpu.memory_space<vmem>>) dst(%dma_wait3A_255 : memref<128x128xf32, #tpu.memory_space<vmem_shared>>)
      %add3A_260 = arith.constant 2 : i32
      %add3A_261 = arith.addi %mul3A_88, %add3A_260 : i32
      %add3A_262 = arith.constant 4 : i32
      %add3A_263 = arith.addi %add3A_261, %add3A_262 : i32
      %lt3A_264 = arith.constant 100 : i32
      %lt3A_265 = arith.cmpi slt, %add3A_263, %lt3A_264 : i32
      %convert_element_type3A_266 = arith.extui %lt3A_265 : i1 to i32
      %cond3A_267 = arith.constant 0 : i32
      %cond3A_268 = arith.cmpi ne, %convert_element_type3A_266, %cond3A_267 : i32
      scf.if %cond3A_268 {
        %add3A_293 = arith.constant 2 : i32
        %add3A_294 = arith.addi %mul3A_88, %add3A_293 : i32
        %add3A_295 = arith.constant 4 : i32
        %add3A_296 = arith.addi %add3A_294, %add3A_295 : i32
        %dma_start3A_297 = arith.constant 2 : i32
        %dma_start3A_298 = arith.constant 0 : i32
        %dma_start3A_299 = arith.constant 0 : i32
        %dma_start3A_300 = tpu.memref_slice %arg8[%dma_start3A_297, %dma_start3A_298, %dma_start3A_299] : memref<4x128x128xf32, #tpu.memory_space<vmem>> -> memref<1x128x128xf32, #tpu.memory_space<vmem>>
        %dma_start3A_301 = tpu.memref_squeeze %dma_start3A_300 : memref<1x128x128xf32, #tpu.memory_space<vmem>> -> memref<128x128xf32, #tpu.memory_space<vmem>>
        %dma_start3A_302 = arith.constant 0 : i32
        %dma_start3A_303 = tpu.memref_slice %arg6[%add3A_296, %dma_start3A_302] : memref<100x128xi32, #tpu.memory_space<vmem>> -> memref<1x128xi32, #tpu.memory_space<vmem>>
        %dma_start3A_304 = tpu.memref_squeeze %dma_start3A_303 : memref<1x128xi32, #tpu.memory_space<vmem>> -> memref<128xi32, #tpu.memory_space<vmem>>
        %dma_start3A_305 = arith.constant 0 : i32
        %dma_start3A_306 = arith.constant 0 : i32
        %dma_start3A_307 = tpu.memref_slice %arg2[%dma_start3A_305, %dma_start3A_306] : memref<50000x128xf32, #tpu.memory_space<hbm>> -> memref<50000x128xf32, #tpu.memory_space<hbm>>
        tpu.enqueue_indirect_dma source(%dma_start3A_307 : memref<50000x128xf32, #tpu.memory_space<hbm>>) target(%dma_start3A_301 : memref<128x128xf32, #tpu.memory_space<vmem>>) offsets(%dma_start3A_304 : memref<128xi32, #tpu.memory_space<vmem>>) semaphore(%arg12 : memref<!tpu.dma_semaphore, #tpu.memory_space<semaphore_mem>>)
      } else {
      }
      %dma_wait3A_269 = arith.constant 3 : i32
      %dma_wait3A_270 = arith.constant 0 : i32
      %dma_wait3A_271 = arith.constant 0 : i32
      %dma_wait3A_272 = tpu.memref_slice %arg8[%dma_wait3A_269, %dma_wait3A_270, %dma_wait3A_271] : memref<4x128x128xf32, #tpu.memory_space<vmem>> -> memref<1x128x128xf32, #tpu.memory_space<vmem>>
      %dma_wait3A_273 = tpu.memref_squeeze %dma_wait3A_272 : memref<1x128x128xf32, #tpu.memory_space<vmem>> -> memref<128x128xf32, #tpu.memory_space<vmem>>
      %dma_wait3A_274 = arith.constant 0 : i32
      %dma_wait3A_275 = arith.constant 0 : i32
      %dma_wait3A_276 = tpu.memref_slice %arg9[%dma_wait3A_274, %dma_wait3A_275] : memref<4096x128xf32, #tpu.memory_space<vmem_shared>> -> memref<128x128xf32, #tpu.memory_space<vmem_shared>>
      %dma_wait3A_277 = arith.constant 0 : i32
      %dma_wait3A_278 = arith.constant 0 : i32
      %dma_wait3A_279 = tpu.memref_slice %arg9[%dma_wait3A_277, %dma_wait3A_278] : memref<4096x128xf32, #tpu.memory_space<vmem_shared>> -> memref<128x128xf32, #tpu.memory_space<vmem_shared>>
      %dma_wait3A_280 = arith.constant 0 : i32
      %dma_wait3A_281 = arith.constant 0 : i32
      %dma_wait3A_282 = tpu.memref_slice %arg8[%dma_wait3A_269, %dma_wait3A_280, %dma_wait3A_281] : memref<4x128x128xf32, #tpu.memory_space<vmem>> -> memref<1x128x128xf32, #tpu.memory_space<vmem>>
      %dma_wait3A_283 = tpu.memref_squeeze %dma_wait3A_282 : memref<1x128x128xf32, #tpu.memory_space<vmem>> -> memref<128x128xf32, #tpu.memory_space<vmem>>
      tpu.wait_dma2 semaphore(%arg17 : memref<!tpu.dma_semaphore, #tpu.memory_space<semaphore_mem>>) src(%dma_wait3A_283 : memref<128x128xf32, #tpu.memory_space<vmem>>) dst(%dma_wait3A_279 : memref<128x128xf32, #tpu.memory_space<vmem_shared>>)
      %add3A_284 = arith.constant 3 : i32
      %add3A_285 = arith.addi %mul3A_88, %add3A_284 : i32
      %add3A_286 = arith.constant 4 : i32
      %add3A_287 = arith.addi %add3A_285, %add3A_286 : i32
      %lt3A_288 = arith.constant 100 : i32
      %lt3A_289 = arith.cmpi slt, %add3A_287, %lt3A_288 : i32
      %convert_element_type3A_290 = arith.extui %lt3A_289 : i1 to i32
      %cond3A_291 = arith.constant 0 : i32
      %cond3A_292 = arith.cmpi ne, %convert_element_type3A_290, %cond3A_291 : i32
      scf.if %cond3A_292 {
        %add3A_293 = arith.constant 3 : i32
        %add3A_294 = arith.addi %mul3A_88, %add3A_293 : i32
        %add3A_295 = arith.constant 4 : i32
        %add3A_296 = arith.addi %add3A_294, %add3A_295 : i32
        %dma_start3A_297 = arith.constant 3 : i32
        %dma_start3A_298 = arith.constant 0 : i32
        %dma_start3A_299 = arith.constant 0 : i32
        %dma_start3A_300 = tpu.memref_slice %arg8[%dma_start3A_297, %dma_start3A_298, %dma_start3A_299] : memref<4x128x128xf32, #tpu.memory_space<vmem>> -> memref<1x128x128xf32, #tpu.memory_space<vmem>>
        %dma_start3A_301 = tpu.memref_squeeze %dma_start3A_300 : memref<1x128x128xf32, #tpu.memory_space<vmem>> -> memref<128x128xf32, #tpu.memory_space<vmem>>
        %dma_start3A_302 = arith.constant 0 : i32
        %dma_start3A_303 = tpu.memref_slice %arg6[%add3A_296, %dma_start3A_302] : memref<100x128xi32, #tpu.memory_space<vmem>> -> memref<1x128xi32, #tpu.memory_space<vmem>>
        %dma_start3A_304 = tpu.memref_squeeze %dma_start3A_303 : memref<1x128xi32, #tpu.memory_space<vmem>> -> memref<128xi32, #tpu.memory_space<vmem>>
        %dma_start3A_305 = arith.constant 0 : i32
        %dma_start3A_306 = arith.constant 0 : i32
        %dma_start3A_307 = tpu.memref_slice %arg2[%dma_start3A_305, %dma_start3A_306] : memref<50000x128xf32, #tpu.memory_space<hbm>> -> memref<50000x128xf32, #tpu.memory_space<hbm>>
        tpu.enqueue_indirect_dma source(%dma_start3A_307 : memref<50000x128xf32, #tpu.memory_space<hbm>>) target(%dma_start3A_301 : memref<128x128xf32, #tpu.memory_space<vmem>>) offsets(%dma_start3A_304 : memref<128xi32, #tpu.memory_space<vmem>>) semaphore(%arg13 : memref<!tpu.dma_semaphore, #tpu.memory_space<semaphore_mem>>)
      } else {
      }
    }
    %scan3A_69 = arith.constant 25 : i32
    %mul3A_70 = arith.constant 256 : i32
    %mul3A_71 = arith.muli %arg1, %mul3A_70 : i32
    %add3A_72 = arith.constant 0 : i32
    %add3A_73 = arith.addi %mul3A_71, %add3A_72 : i32
    %run_scoped3A_74 = arith.constant 0 : i32
    "tpu.region"() ({
      %run_scoped3A_86 = tpu.sem_alloc : memref<!tpu.dma_semaphore, #tpu.memory_space<semaphore_mem>>
      %dma_start3A_87 = arith.constant 0 : i32
      %dma_start3A_88 = arith.constant 0 : i32
      %dma_start3A_89 = tpu.memref_slice %arg8[%run_scoped3A_74, %dma_start3A_87, %dma_start3A_88] : memref<4x128x128xf32, #tpu.memory_space<vmem>> -> memref<1x128x128xf32, #tpu.memory_space<vmem>>
      %dma_start3A_90 = tpu.memref_squeeze %dma_start3A_89 : memref<1x128x128xf32, #tpu.memory_space<vmem>> -> memref<128x128xf32, #tpu.memory_space<vmem>>
      %dma_start3A_91 = arith.constant 0 : i32
      %dma_start3A_92 = tpu.memref_slice %arg9[%add3A_73, %dma_start3A_91] : memref<4096x128xf32, #tpu.memory_space<vmem_shared>> -> memref<128x128xf32, #tpu.memory_space<vmem_shared>>
      %dma_start3A_93 = arith.constant 0 : i32
      %dma_start3A_94 = arith.constant 0 : i32
      %dma_start3A_95 = tpu.memref_slice %arg8[%run_scoped3A_74, %dma_start3A_93, %dma_start3A_94] : memref<4x128x128xf32, #tpu.memory_space<vmem>> -> memref<1x128x128xf32, #tpu.memory_space<vmem>>
      %dma_start3A_96 = tpu.memref_squeeze %dma_start3A_95 : memref<1x128x128xf32, #tpu.memory_space<vmem>> -> memref<128x128xf32, #tpu.memory_space<vmem>>
      %dma_start3A_97 = arith.constant 0 : i32
      %dma_start3A_98 = tpu.memref_slice %arg9[%add3A_73, %dma_start3A_97] : memref<4096x128xf32, #tpu.memory_space<vmem_shared>> -> memref<128x128xf32, #tpu.memory_space<vmem_shared>>
      tpu.enqueue_dma source(%dma_start3A_98 : memref<128x128xf32, #tpu.memory_space<vmem_shared>>) target(%dma_start3A_96 : memref<128x128xf32, #tpu.memory_space<vmem>>) target_semaphore(%run_scoped3A_86 : memref<!tpu.dma_semaphore, #tpu.memory_space<semaphore_mem>>)
      %dma_wait3A = arith.constant 0 : i32
      %dma_wait3A_99 = arith.constant 0 : i32
      %dma_wait3A_100 = tpu.memref_slice %arg8[%run_scoped3A_74, %dma_wait3A, %dma_wait3A_99] : memref<4x128x128xf32, #tpu.memory_space<vmem>> -> memref<1x128x128xf32, #tpu.memory_space<vmem>>
      %dma_wait3A_101 = tpu.memref_squeeze %dma_wait3A_100 : memref<1x128x128xf32, #tpu.memory_space<vmem>> -> memref<128x128xf32, #tpu.memory_space<vmem>>
      %dma_wait3A_102 = arith.constant 0 : i32
      %dma_wait3A_103 = tpu.memref_slice %arg9[%add3A_73, %dma_wait3A_102] : memref<4096x128xf32, #tpu.memory_space<vmem_shared>> -> memref<128x128xf32, #tpu.memory_space<vmem_shared>>
      %dma_wait3A_104 = arith.constant 0 : i32
      %dma_wait3A_105 = arith.constant 0 : i32
      %dma_wait3A_106 = tpu.memref_slice %arg8[%run_scoped3A_74, %dma_wait3A_104, %dma_wait3A_105] : memref<4x128x128xf32, #tpu.memory_space<vmem>> -> memref<1x128x128xf32, #tpu.memory_space<vmem>>
      %dma_wait3A_107 = tpu.memref_squeeze %dma_wait3A_106 : memref<1x128x128xf32, #tpu.memory_space<vmem>> -> memref<128x128xf32, #tpu.memory_space<vmem>>
      %dma_wait3A_108 = arith.constant 0 : i32
      %dma_wait3A_109 = tpu.memref_slice %arg9[%add3A_73, %dma_wait3A_108] : memref<4096x128xf32, #tpu.memory_space<vmem_shared>> -> memref<128x128xf32, #tpu.memory_space<vmem_shared>>
      tpu.wait_dma2 semaphore(%run_scoped3A_86 : memref<!tpu.dma_semaphore, #tpu.memory_space<semaphore_mem>>) src(%dma_wait3A_109 : memref<128x128xf32, #tpu.memory_space<vmem_shared>>) dst(%dma_wait3A_107 : memref<128x128xf32, #tpu.memory_space<vmem>>)
      tpu.yield
    }) : () -> ()
    %add3A_75 = arith.constant 0 : i32
    %add3A_76 = arith.addi %mul3A_2, %add3A_75 : i32
    %run_scoped3A_77 = arith.constant 0 : i32
    "tpu.region"() ({
      %run_scoped3A_86 = tpu.sem_alloc : memref<!tpu.dma_semaphore, #tpu.memory_space<semaphore_mem>>
      %dma_start3A_87 = arith.constant 0 : i32
      %dma_start3A_88 = arith.constant 0 : i32
      %dma_start3A_89 = tpu.memref_slice %arg8[%run_scoped3A_77, %dma_start3A_87, %dma_start3A_88] : memref<4x128x128xf32, #tpu.memory_space<vmem>> -> memref<1x128x128xf32, #tpu.memory_space<vmem>>
      %dma_start3A_90 = tpu.memref_squeeze %dma_start3A_89 : memref<1x128x128xf32, #tpu.memory_space<vmem>> -> memref<128x128xf32, #tpu.memory_space<vmem>>
      %dma_start3A_91 = arith.constant 0 : i32
      %dma_start3A_92 = tpu.memref_slice %arg5[%add3A_76, %dma_start3A_91] : memref<8192x128xf32, #tpu.memory_space<hbm>> -> memref<128x128xf32, #tpu.memory_space<hbm>>
      %dma_start3A_93 = arith.constant 0 : i32
      %dma_start3A_94 = tpu.memref_slice %arg5[%add3A_76, %dma_start3A_93] : memref<8192x128xf32, #tpu.memory_space<hbm>> -> memref<128x128xf32, #tpu.memory_space<hbm>>
      %dma_start3A_95 = arith.constant 0 : i32
      %dma_start3A_96 = arith.constant 0 : i32
      %dma_start3A_97 = tpu.memref_slice %arg8[%run_scoped3A_77, %dma_start3A_95, %dma_start3A_96] : memref<4x128x128xf32, #tpu.memory_space<vmem>> -> memref<1x128x128xf32, #tpu.memory_space<vmem>>
      %dma_start3A_98 = tpu.memref_squeeze %dma_start3A_97 : memref<1x128x128xf32, #tpu.memory_space<vmem>> -> memref<128x128xf32, #tpu.memory_space<vmem>>
      tpu.enqueue_dma source(%dma_start3A_98 : memref<128x128xf32, #tpu.memory_space<vmem>>) target(%dma_start3A_94 : memref<128x128xf32, #tpu.memory_space<hbm>>) target_semaphore(%run_scoped3A_86 : memref<!tpu.dma_semaphore, #tpu.memory_space<semaphore_mem>>)
      %dma_wait3A = arith.constant 0 : i32
      %dma_wait3A_99 = arith.constant 0 : i32
      %dma_wait3A_100 = tpu.memref_slice %arg8[%run_scoped3A_77, %dma_wait3A, %dma_wait3A_99] : memref<4x128x128xf32, #tpu.memory_space<vmem>> -> memref<1x128x128xf32, #tpu.memory_space<vmem>>
      %dma_wait3A_101 = tpu.memref_squeeze %dma_wait3A_100 : memref<1x128x128xf32, #tpu.memory_space<vmem>> -> memref<128x128xf32, #tpu.memory_space<vmem>>
      %dma_wait3A_102 = arith.constant 0 : i32
      %dma_wait3A_103 = tpu.memref_slice %arg5[%add3A_76, %dma_wait3A_102] : memref<8192x128xf32, #tpu.memory_space<hbm>> -> memref<128x128xf32, #tpu.memory_space<hbm>>
      %dma_wait3A_104 = arith.constant 0 : i32
      %dma_wait3A_105 = tpu.memref_slice %arg5[%add3A_76, %dma_wait3A_104] : memref<8192x128xf32, #tpu.memory_space<hbm>> -> memref<128x128xf32, #tpu.memory_space<hbm>>
      %dma_wait3A_106 = arith.constant 0 : i32
      %dma_wait3A_107 = arith.constant 0 : i32
      %dma_wait3A_108 = tpu.memref_slice %arg8[%run_scoped3A_77, %dma_wait3A_106, %dma_wait3A_107] : memref<4x128x128xf32, #tpu.memory_space<vmem>> -> memref<1x128x128xf32, #tpu.memory_space<vmem>>
      %dma_wait3A_109 = tpu.memref_squeeze %dma_wait3A_108 : memref<1x128x128xf32, #tpu.memory_space<vmem>> -> memref<128x128xf32, #tpu.memory_space<vmem>>
      tpu.wait_dma2 semaphore(%run_scoped3A_86 : memref<!tpu.dma_semaphore, #tpu.memory_space<semaphore_mem>>) src(%dma_wait3A_109 : memref<128x128xf32, #tpu.memory_space<vmem>>) dst(%dma_wait3A_105 : memref<128x128xf32, #tpu.memory_space<hbm>>)
      tpu.yield
    }) : () -> ()
    %mul3A_78 = arith.constant 256 : i32
    %mul3A_79 = arith.muli %arg1, %mul3A_78 : i32
    %add3A_80 = arith.constant 128 : i32
    %add3A_81 = arith.addi %mul3A_79, %add3A_80 : i32
    %run_scoped3A_82 = arith.constant 0 : i32
    "tpu.region"() ({
      %run_scoped3A_86 = tpu.sem_alloc : memref<!tpu.dma_semaphore, #tpu.memory_space<semaphore_mem>>
      %dma_start3A_87 = arith.constant 0 : i32
      %dma_start3A_88 = arith.constant 0 : i32
      %dma_start3A_89 = tpu.memref_slice %arg8[%run_scoped3A_82, %dma_start3A_87, %dma_start3A_88] : memref<4x128x128xf32, #tpu.memory_space<vmem>> -> memref<1x128x128xf32, #tpu.memory_space<vmem>>
      %dma_start3A_90 = tpu.memref_squeeze %dma_start3A_89 : memref<1x128x128xf32, #tpu.memory_space<vmem>> -> memref<128x128xf32, #tpu.memory_space<vmem>>
      %dma_start3A_91 = arith.constant 0 : i32
      %dma_start3A_92 = tpu.memref_slice %arg9[%add3A_81, %dma_start3A_91] : memref<4096x128xf32, #tpu.memory_space<vmem_shared>> -> memref<128x128xf32, #tpu.memory_space<vmem_shared>>
      %dma_start3A_93 = arith.constant 0 : i32
      %dma_start3A_94 = arith.constant 0 : i32
      %dma_start3A_95 = tpu.memref_slice %arg8[%run_scoped3A_82, %dma_start3A_93, %dma_start3A_94] : memref<4x128x128xf32, #tpu.memory_space<vmem>> -> memref<1x128x128xf32, #tpu.memory_space<vmem>>
      %dma_start3A_96 = tpu.memref_squeeze %dma_start3A_95 : memref<1x128x128xf32, #tpu.memory_space<vmem>> -> memref<128x128xf32, #tpu.memory_space<vmem>>
      %dma_start3A_97 = arith.constant 0 : i32
      %dma_start3A_98 = tpu.memref_slice %arg9[%add3A_81, %dma_start3A_97] : memref<4096x128xf32, #tpu.memory_space<vmem_shared>> -> memref<128x128xf32, #tpu.memory_space<vmem_shared>>
      tpu.enqueue_dma source(%dma_start3A_98 : memref<128x128xf32, #tpu.memory_space<vmem_shared>>) target(%dma_start3A_96 : memref<128x128xf32, #tpu.memory_space<vmem>>) target_semaphore(%run_scoped3A_86 : memref<!tpu.dma_semaphore, #tpu.memory_space<semaphore_mem>>)
      %dma_wait3A = arith.constant 0 : i32
      %dma_wait3A_99 = arith.constant 0 : i32
      %dma_wait3A_100 = tpu.memref_slice %arg8[%run_scoped3A_82, %dma_wait3A, %dma_wait3A_99] : memref<4x128x128xf32, #tpu.memory_space<vmem>> -> memref<1x128x128xf32, #tpu.memory_space<vmem>>
      %dma_wait3A_101 = tpu.memref_squeeze %dma_wait3A_100 : memref<1x128x128xf32, #tpu.memory_space<vmem>> -> memref<128x128xf32, #tpu.memory_space<vmem>>
      %dma_wait3A_102 = arith.constant 0 : i32
      %dma_wait3A_103 = tpu.memref_slice %arg9[%add3A_81, %dma_wait3A_102] : memref<4096x128xf32, #tpu.memory_space<vmem_shared>> -> memref<128x128xf32, #tpu.memory_space<vmem_shared>>
      %dma_wait3A_104 = arith.constant 0 : i32
      %dma_wait3A_105 = arith.constant 0 : i32
      %dma_wait3A_106 = tpu.memref_slice %arg8[%run_scoped3A_82, %dma_wait3A_104, %dma_wait3A_105] : memref<4x128x128xf32, #tpu.memory_space<vmem>> -> memref<1x128x128xf32, #tpu.memory_space<vmem>>
      %dma_wait3A_107 = tpu.memref_squeeze %dma_wait3A_106 : memref<1x128x128xf32, #tpu.memory_space<vmem>> -> memref<128x128xf32, #tpu.memory_space<vmem>>
      %dma_wait3A_108 = arith.constant 0 : i32
      %dma_wait3A_109 = tpu.memref_slice %arg9[%add3A_81, %dma_wait3A_108] : memref<4096x128xf32, #tpu.memory_space<vmem_shared>> -> memref<128x128xf32, #tpu.memory_space<vmem_shared>>
      tpu.wait_dma2 semaphore(%run_scoped3A_86 : memref<!tpu.dma_semaphore, #tpu.memory_space<semaphore_mem>>) src(%dma_wait3A_109 : memref<128x128xf32, #tpu.memory_space<vmem_shared>>) dst(%dma_wait3A_107 : memref<128x128xf32, #tpu.memory_space<vmem>>)
      tpu.yield
    }) : () -> ()
    %add3A_83 = arith.constant 128 : i32
    %add3A_84 = arith.addi %mul3A_2, %add3A_83 : i32
    %run_scoped3A_85 = arith.constant 0 : i32
    "tpu.region"() ({
      %run_scoped3A_86 = tpu.sem_alloc : memref<!tpu.dma_semaphore, #tpu.memory_space<semaphore_mem>>
      %dma_start3A_87 = arith.constant 0 : i32
      %dma_start3A_88 = arith.constant 0 : i32
      %dma_start3A_89 = tpu.memref_slice %arg8[%run_scoped3A_85, %dma_start3A_87, %dma_start3A_88] : memref<4x128x128xf32, #tpu.memory_space<vmem>> -> memref<1x128x128xf32, #tpu.memory_space<vmem>>
      %dma_start3A_90 = tpu.memref_squeeze %dma_start3A_89 : memref<1x128x128xf32, #tpu.memory_space<vmem>> -> memref<128x128xf32, #tpu.memory_space<vmem>>
      %dma_start3A_91 = arith.constant 0 : i32
      %dma_start3A_92 = tpu.memref_slice %arg5[%add3A_84, %dma_start3A_91] : memref<8192x128xf32, #tpu.memory_space<hbm>> -> memref<128x128xf32, #tpu.memory_space<hbm>>
      %dma_start3A_93 = arith.constant 0 : i32
      %dma_start3A_94 = tpu.memref_slice %arg5[%add3A_84, %dma_start3A_93] : memref<8192x128xf32, #tpu.memory_space<hbm>> -> memref<128x128xf32, #tpu.memory_space<hbm>>
      %dma_start3A_95 = arith.constant 0 : i32
      %dma_start3A_96 = arith.constant 0 : i32
      %dma_start3A_97 = tpu.memref_slice %arg8[%run_scoped3A_85, %dma_start3A_95, %dma_start3A_96] : memref<4x128x128xf32, #tpu.memory_space<vmem>> -> memref<1x128x128xf32, #tpu.memory_space<vmem>>
      %dma_start3A_98 = tpu.memref_squeeze %dma_start3A_97 : memref<1x128x128xf32, #tpu.memory_space<vmem>> -> memref<128x128xf32, #tpu.memory_space<vmem>>
      tpu.enqueue_dma source(%dma_start3A_98 : memref<128x128xf32, #tpu.memory_space<vmem>>) target(%dma_start3A_94 : memref<128x128xf32, #tpu.memory_space<hbm>>) target_semaphore(%run_scoped3A_86 : memref<!tpu.dma_semaphore, #tpu.memory_space<semaphore_mem>>)
      %dma_wait3A = arith.constant 0 : i32
      %dma_wait3A_99 = arith.constant 0 : i32
      %dma_wait3A_100 = tpu.memref_slice %arg8[%run_scoped3A_85, %dma_wait3A, %dma_wait3A_99] : memref<4x128x128xf32, #tpu.memory_space<vmem>> -> memref<1x128x128xf32, #tpu.memory_space<vmem>>
      %dma_wait3A_101 = tpu.memref_squeeze %dma_wait3A_100 : memref<1x128x128xf32, #tpu.memory_space<vmem>> -> memref<128x128xf32, #tpu.memory_space<vmem>>
      %dma_wait3A_102 = arith.constant 0 : i32
      %dma_wait3A_103 = tpu.memref_slice %arg5[%add3A_84, %dma_wait3A_102] : memref<8192x128xf32, #tpu.memory_space<hbm>> -> memref<128x128xf32, #tpu.memory_space<hbm>>
      %dma_wait3A_104 = arith.constant 0 : i32
      %dma_wait3A_105 = tpu.memref_slice %arg5[%add3A_84, %dma_wait3A_104] : memref<8192x128xf32, #tpu.memory_space<hbm>> -> memref<128x128xf32, #tpu.memory_space<hbm>>
      %dma_wait3A_106 = arith.constant 0 : i32
      %dma_wait3A_107 = arith.constant 0 : i32
      %dma_wait3A_108 = tpu.memref_slice %arg8[%run_scoped3A_85, %dma_wait3A_106, %dma_wait3A_107] : memref<4x128x128xf32, #tpu.memory_space<vmem>> -> memref<1x128x128xf32, #tpu.memory_space<vmem>>
      %dma_wait3A_109 = tpu.memref_squeeze %dma_wait3A_108 : memref<1x128x128xf32, #tpu.memory_space<vmem>> -> memref<128x128xf32, #tpu.memory_space<vmem>>
      tpu.wait_dma2 semaphore(%run_scoped3A_86 : memref<!tpu.dma_semaphore, #tpu.memory_space<semaphore_mem>>) src(%dma_wait3A_109 : memref<128x128xf32, #tpu.memory_space<vmem>>) dst(%dma_wait3A_105 : memref<128x128xf32, #tpu.memory_space<hbm>>)
      tpu.yield
    }) : () -> ()
    return
  }
}

module attributes {stable_mosaic.version = 14 : i64} {
  func.func @body(%arg0: i32, %arg1: memref<1000x64xf32, #tpu.memory_space<vmem>>, %arg2: memref<10x64x128xf32, #tpu.memory_space<vmem>>, %arg3: memref<10x1000x128xf32, #tpu.memory_space<vmem>>) attributes {dimension_semantics = [#tpu.dimension_semantics<arbitrary>], iteration_bounds = array<i64: 5>, scalar_prefetch = 0 : i64, scratch_operands = 0 : i64, tpu.core_type = #tpu.core_type<tc>, window_params = [{pipeline_mode = #tpu.pipeline_mode<synchronous>, transform_indices = @transform_0, window_bounds = array<i64: 1000, 64>}, {transform_indices = @transform_1, window_bounds = array<i64: 10, 64, 128>}, {transform_indices = @transform_2, window_bounds = array<i64: 10, 1000, 128>}]} {
    %get3A = arith.constant 0 : index
    %get3A_0 = arith.constant 0 : index
    %get3A_1 = vector.load %arg1[%get3A, %get3A_0] : memref<1000x64xf32, #tpu.memory_space<vmem>>, vector<1000x64xf32>
    %get3A_2 = arith.constant 0 : index
    %get3A_3 = arith.constant 0 : index
    %get3A_4 = arith.constant 0 : index
    %get3A_5 = vector.load %arg2[%get3A_2, %get3A_3, %get3A_4] : memref<10x64x128xf32, #tpu.memory_space<vmem>>, vector<1x64x128xf32>
    %get3A_6 = vector.shape_cast %get3A_5 : vector<1x64x128xf32> to vector<64x128xf32>
    %dot_general3A = arith.constant dense<0.000000e+00> : vector<1000x128xf32>
    %dot_general3A_7 = tpu.matmul %get3A_1, %get3A_6, %dot_general3A {dimension_numbers = #tpu.dot_dimension_numbers<[1], [0], [0], [1], [0, 0, 1, 1], [], []>, transpose_lhs_hint = false} : vector<1000x64xf32>, vector<64x128xf32>, vector<1000x128xf32> -> vector<1000x128xf32>
    %swap3A = arith.constant 0 : index
    %swap3A_8 = arith.constant 0 : index
    %swap3A_9 = arith.constant 0 : index
    %swap3A_10 = vector.load %arg3[%swap3A, %swap3A_8, %swap3A_9] : memref<10x1000x128xf32, #tpu.memory_space<vmem>>, vector<1x1000x128xf32>
    %swap3A_11 = vector.shape_cast %swap3A_10 : vector<1x1000x128xf32> to vector<1000x128xf32>
    %swap3A_12 = vector.shape_cast %dot_general3A_7 : vector<1000x128xf32> to vector<1x1000x128xf32>
    tpu.vector_store %arg3[%swap3A, %swap3A_8, %swap3A_9], %swap3A_12 {strides = array<i32>} : memref<10x1000x128xf32, #tpu.memory_space<vmem>>, vector<1x1000x128xf32>,
    %get3A_13 = arith.constant 0 : index
    %get3A_14 = arith.constant 0 : index
    %get3A_15 = vector.load %arg1[%get3A_13, %get3A_14] : memref<1000x64xf32, #tpu.memory_space<vmem>>, vector<1000x64xf32>
    %get3A_16 = arith.constant 1 : index
    %get3A_17 = arith.constant 0 : index
    %get3A_18 = arith.constant 0 : index
    %get3A_19 = vector.load %arg2[%get3A_16, %get3A_17, %get3A_18] : memref<10x64x128xf32, #tpu.memory_space<vmem>>, vector<1x64x128xf32>
    %get3A_20 = vector.shape_cast %get3A_19 : vector<1x64x128xf32> to vector<64x128xf32>
    %dot_general3A_21 = arith.constant dense<0.000000e+00> : vector<1000x128xf32>
    %dot_general3A_22 = tpu.matmul %get3A_15, %get3A_20, %dot_general3A_21 {dimension_numbers = #tpu.dot_dimension_numbers<[1], [0], [0], [1], [0, 0, 1, 1], [], []>, transpose_lhs_hint = false} : vector<1000x64xf32>, vector<64x128xf32>, vector<1000x128xf32> -> vector<1000x128xf32>
    %swap3A_23 = arith.constant 1 : index
    %swap3A_24 = arith.constant 0 : index
    %swap3A_25 = arith.constant 0 : index
    %swap3A_26 = vector.load %arg3[%swap3A_23, %swap3A_24, %swap3A_25] : memref<10x1000x128xf32, #tpu.memory_space<vmem>>, vector<1x1000x128xf32>
    %swap3A_27 = vector.shape_cast %swap3A_26 : vector<1x1000x128xf32> to vector<1000x128xf32>
    %swap3A_28 = vector.shape_cast %dot_general3A_22 : vector<1000x128xf32> to vector<1x1000x128xf32>
    tpu.vector_store %arg3[%swap3A_23, %swap3A_24, %swap3A_25], %swap3A_28 {strides = array<i32>} : memref<10x1000x128xf32, #tpu.memory_space<vmem>>, vector<1x1000x128xf32>,
    %get3A_29 = arith.constant 0 : index
    %get3A_30 = arith.constant 0 : index
    %get3A_31 = vector.load %arg1[%get3A_29, %get3A_30] : memref<1000x64xf32, #tpu.memory_space<vmem>>, vector<1000x64xf32>
    %get3A_32 = arith.constant 2 : index
    %get3A_33 = arith.constant 0 : index
    %get3A_34 = arith.constant 0 : index
    %get3A_35 = vector.load %arg2[%get3A_32, %get3A_33, %get3A_34] : memref<10x64x128xf32, #tpu.memory_space<vmem>>, vector<1x64x128xf32>
    %get3A_36 = vector.shape_cast %get3A_35 : vector<1x64x128xf32> to vector<64x128xf32>
    %dot_general3A_37 = arith.constant dense<0.000000e+00> : vector<1000x128xf32>
    %dot_general3A_38 = tpu.matmul %get3A_31, %get3A_36, %dot_general3A_37 {dimension_numbers = #tpu.dot_dimension_numbers<[1], [0], [0], [1], [0, 0, 1, 1], [], []>, transpose_lhs_hint = false} : vector<1000x64xf32>, vector<64x128xf32>, vector<1000x128xf32> -> vector<1000x128xf32>
    %swap3A_39 = arith.constant 2 : index
    %swap3A_40 = arith.constant 0 : index
    %swap3A_41 = arith.constant 0 : index
    %swap3A_42 = vector.load %arg3[%swap3A_39, %swap3A_40, %swap3A_41] : memref<10x1000x128xf32, #tpu.memory_space<vmem>>, vector<1x1000x128xf32>
    %swap3A_43 = vector.shape_cast %swap3A_42 : vector<1x1000x128xf32> to vector<1000x128xf32>
    %swap3A_44 = vector.shape_cast %dot_general3A_38 : vector<1000x128xf32> to vector<1x1000x128xf32>
    tpu.vector_store %arg3[%swap3A_39, %swap3A_40, %swap3A_41], %swap3A_44 {strides = array<i32>} : memref<10x1000x128xf32, #tpu.memory_space<vmem>>, vector<1x1000x128xf32>,
    %get3A_45 = arith.constant 0 : index
    %get3A_46 = arith.constant 0 : index
    %get3A_47 = vector.load %arg1[%get3A_45, %get3A_46] : memref<1000x64xf32, #tpu.memory_space<vmem>>, vector<1000x64xf32>
    %get3A_48 = arith.constant 3 : index
    %get3A_49 = arith.constant 0 : index
    %get3A_50 = arith.constant 0 : index
    %get3A_51 = vector.load %arg2[%get3A_48, %get3A_49, %get3A_50] : memref<10x64x128xf32, #tpu.memory_space<vmem>>, vector<1x64x128xf32>
    %get3A_52 = vector.shape_cast %get3A_51 : vector<1x64x128xf32> to vector<64x128xf32>
    %dot_general3A_53 = arith.constant dense<0.000000e+00> : vector<1000x128xf32>
    %dot_general3A_54 = tpu.matmul %get3A_47, %get3A_52, %dot_general3A_53 {dimension_numbers = #tpu.dot_dimension_numbers<[1], [0], [0], [1], [0, 0, 1, 1], [], []>, transpose_lhs_hint = false} : vector<1000x64xf32>, vector<64x128xf32>, vector<1000x128xf32> -> vector<1000x128xf32>
    %swap3A_55 = arith.constant 3 : index
    %swap3A_56 = arith.constant 0 : index
    %swap3A_57 = arith.constant 0 : index
    %swap3A_58 = vector.load %arg3[%swap3A_55, %swap3A_56, %swap3A_57] : memref<10x1000x128xf32, #tpu.memory_space<vmem>>, vector<1x1000x128xf32>
    %swap3A_59 = vector.shape_cast %swap3A_58 : vector<1x1000x128xf32> to vector<1000x128xf32>
    %swap3A_60 = vector.shape_cast %dot_general3A_54 : vector<1000x128xf32> to vector<1x1000x128xf32>
    tpu.vector_store %arg3[%swap3A_55, %swap3A_56, %swap3A_57], %swap3A_60 {strides = array<i32>} : memref<10x1000x128xf32, #tpu.memory_space<vmem>>, vector<1x1000x128xf32>,
    %get3A_61 = arith.constant 0 : index
    %get3A_62 = arith.constant 0 : index
    %get3A_63 = vector.load %arg1[%get3A_61, %get3A_62] : memref<1000x64xf32, #tpu.memory_space<vmem>>, vector<1000x64xf32>
    %get3A_64 = arith.constant 4 : index
    %get3A_65 = arith.constant 0 : index
    %get3A_66 = arith.constant 0 : index
    %get3A_67 = vector.load %arg2[%get3A_64, %get3A_65, %get3A_66] : memref<10x64x128xf32, #tpu.memory_space<vmem>>, vector<1x64x128xf32>
    %get3A_68 = vector.shape_cast %get3A_67 : vector<1x64x128xf32> to vector<64x128xf32>
    %dot_general3A_69 = arith.constant dense<0.000000e+00> : vector<1000x128xf32>
    %dot_general3A_70 = tpu.matmul %get3A_63, %get3A_68, %dot_general3A_69 {dimension_numbers = #tpu.dot_dimension_numbers<[1], [0], [0], [1], [0, 0, 1, 1], [], []>, transpose_lhs_hint = false} : vector<1000x64xf32>, vector<64x128xf32>, vector<1000x128xf32> -> vector<1000x128xf32>
    %swap3A_71 = arith.constant 4 : index
    %swap3A_72 = arith.constant 0 : index
    %swap3A_73 = arith.constant 0 : index
    %swap3A_74 = vector.load %arg3[%swap3A_71, %swap3A_72, %swap3A_73] : memref<10x1000x128xf32, #tpu.memory_space<vmem>>, vector<1x1000x128xf32>
    %swap3A_75 = vector.shape_cast %swap3A_74 : vector<1x1000x128xf32> to vector<1000x128xf32>
    %swap3A_76 = vector.shape_cast %dot_general3A_70 : vector<1000x128xf32> to vector<1x1000x128xf32>
    tpu.vector_store %arg3[%swap3A_71, %swap3A_72, %swap3A_73], %swap3A_76 {strides = array<i32>} : memref<10x1000x128xf32, #tpu.memory_space<vmem>>, vector<1x1000x128xf32>,
    %get3A_77 = arith.constant 0 : index
    %get3A_78 = arith.constant 0 : index
    %get3A_79 = vector.load %arg1[%get3A_77, %get3A_78] : memref<1000x64xf32, #tpu.memory_space<vmem>>, vector<1000x64xf32>
    %get3A_80 = arith.constant 5 : index
    %get3A_81 = arith.constant 0 : index
    %get3A_82 = arith.constant 0 : index
    %get3A_83 = vector.load %arg2[%get3A_80, %get3A_81, %get3A_82] : memref<10x64x128xf32, #tpu.memory_space<vmem>>, vector<1x64x128xf32>
    %get3A_84 = vector.shape_cast %get3A_83 : vector<1x64x128xf32> to vector<64x128xf32>
    %dot_general3A_85 = arith.constant dense<0.000000e+00> : vector<1000x128xf32>
    %dot_general3A_86 = tpu.matmul %get3A_79, %get3A_84, %dot_general3A_85 {dimension_numbers = #tpu.dot_dimension_numbers<[1], [0], [0], [1], [0, 0, 1, 1], [], []>, transpose_lhs_hint = false} : vector<1000x64xf32>, vector<64x128xf32>, vector<1000x128xf32> -> vector<1000x128xf32>
    %swap3A_87 = arith.constant 5 : index
    %swap3A_88 = arith.constant 0 : index
    %swap3A_89 = arith.constant 0 : index
    %swap3A_90 = vector.load %arg3[%swap3A_87, %swap3A_88, %swap3A_89] : memref<10x1000x128xf32, #tpu.memory_space<vmem>>, vector<1x1000x128xf32>
    %swap3A_91 = vector.shape_cast %swap3A_90 : vector<1x1000x128xf32> to vector<1000x128xf32>
    %swap3A_92 = vector.shape_cast %dot_general3A_86 : vector<1000x128xf32> to vector<1x1000x128xf32>
    tpu.vector_store %arg3[%swap3A_87, %swap3A_88, %swap3A_89], %swap3A_92 {strides = array<i32>} : memref<10x1000x128xf32, #tpu.memory_space<vmem>>, vector<1x1000x128xf32>,
    %get3A_93 = arith.constant 0 : index
    %get3A_94 = arith.constant 0 : index
    %get3A_95 = vector.load %arg1[%get3A_93, %get3A_94] : memref<1000x64xf32, #tpu.memory_space<vmem>>, vector<1000x64xf32>
    %get3A_96 = arith.constant 6 : index
    %get3A_97 = arith.constant 0 : index
    %get3A_98 = arith.constant 0 : index
    %get3A_99 = vector.load %arg2[%get3A_96, %get3A_97, %get3A_98] : memref<10x64x128xf32, #tpu.memory_space<vmem>>, vector<1x64x128xf32>
    %get3A_100 = vector.shape_cast %get3A_99 : vector<1x64x128xf32> to vector<64x128xf32>
    %dot_general3A_101 = arith.constant dense<0.000000e+00> : vector<1000x128xf32>
    %dot_general3A_102 = tpu.matmul %get3A_95, %get3A_100, %dot_general3A_101 {dimension_numbers = #tpu.dot_dimension_numbers<[1], [0], [0], [1], [0, 0, 1, 1], [], []>, transpose_lhs_hint = false} : vector<1000x64xf32>, vector<64x128xf32>, vector<1000x128xf32> -> vector<1000x128xf32>
    %swap3A_103 = arith.constant 6 : index
    %swap3A_104 = arith.constant 0 : index
    %swap3A_105 = arith.constant 0 : index
    %swap3A_106 = vector.load %arg3[%swap3A_103, %swap3A_104, %swap3A_105] : memref<10x1000x128xf32, #tpu.memory_space<vmem>>, vector<1x1000x128xf32>
    %swap3A_107 = vector.shape_cast %swap3A_106 : vector<1x1000x128xf32> to vector<1000x128xf32>
    %swap3A_108 = vector.shape_cast %dot_general3A_102 : vector<1000x128xf32> to vector<1x1000x128xf32>
    tpu.vector_store %arg3[%swap3A_103, %swap3A_104, %swap3A_105], %swap3A_108 {strides = array<i32>} : memref<10x1000x128xf32, #tpu.memory_space<vmem>>, vector<1x1000x128xf32>,
    %get3A_109 = arith.constant 0 : index
    %get3A_110 = arith.constant 0 : index
    %get3A_111 = vector.load %arg1[%get3A_109, %get3A_110] : memref<1000x64xf32, #tpu.memory_space<vmem>>, vector<1000x64xf32>
    %get3A_112 = arith.constant 7 : index
    %get3A_113 = arith.constant 0 : index
    %get3A_114 = arith.constant 0 : index
    %get3A_115 = vector.load %arg2[%get3A_112, %get3A_113, %get3A_114] : memref<10x64x128xf32, #tpu.memory_space<vmem>>, vector<1x64x128xf32>
    %get3A_116 = vector.shape_cast %get3A_115 : vector<1x64x128xf32> to vector<64x128xf32>
    %dot_general3A_117 = arith.constant dense<0.000000e+00> : vector<1000x128xf32>
    %dot_general3A_118 = tpu.matmul %get3A_111, %get3A_116, %dot_general3A_117 {dimension_numbers = #tpu.dot_dimension_numbers<[1], [0], [0], [1], [0, 0, 1, 1], [], []>, transpose_lhs_hint = false} : vector<1000x64xf32>, vector<64x128xf32>, vector<1000x128xf32> -> vector<1000x128xf32>
    %swap3A_119 = arith.constant 7 : index
    %swap3A_120 = arith.constant 0 : index
    %swap3A_121 = arith.constant 0 : index
    %swap3A_122 = vector.load %arg3[%swap3A_119, %swap3A_120, %swap3A_121] : memref<10x1000x128xf32, #tpu.memory_space<vmem>>, vector<1x1000x128xf32>
    %swap3A_123 = vector.shape_cast %swap3A_122 : vector<1x1000x128xf32> to vector<1000x128xf32>
    %swap3A_124 = vector.shape_cast %dot_general3A_118 : vector<1000x128xf32> to vector<1x1000x128xf32>
    tpu.vector_store %arg3[%swap3A_119, %swap3A_120, %swap3A_121], %swap3A_124 {strides = array<i32>} : memref<10x1000x128xf32, #tpu.memory_space<vmem>>, vector<1x1000x128xf32>,
    %get3A_125 = arith.constant 0 : index
    %get3A_126 = arith.constant 0 : index
    %get3A_127 = vector.load %arg1[%get3A_125, %get3A_126] : memref<1000x64xf32, #tpu.memory_space<vmem>>, vector<1000x64xf32>
    %get3A_128 = arith.constant 8 : index
    %get3A_129 = arith.constant 0 : index
    %get3A_130 = arith.constant 0 : index
    %get3A_131 = vector.load %arg2[%get3A_128, %get3A_129, %get3A_130] : memref<10x64x128xf32, #tpu.memory_space<vmem>>, vector<1x64x128xf32>
    %get3A_132 = vector.shape_cast %get3A_131 : vector<1x64x128xf32> to vector<64x128xf32>
    %dot_general3A_133 = arith.constant dense<0.000000e+00> : vector<1000x128xf32>
    %dot_general3A_134 = tpu.matmul %get3A_127, %get3A_132, %dot_general3A_133 {dimension_numbers = #tpu.dot_dimension_numbers<[1], [0], [0], [1], [0, 0, 1, 1], [], []>, transpose_lhs_hint = false} : vector<1000x64xf32>, vector<64x128xf32>, vector<1000x128xf32> -> vector<1000x128xf32>
    %swap3A_135 = arith.constant 8 : index
    %swap3A_136 = arith.constant 0 : index
    %swap3A_137 = arith.constant 0 : index
    %swap3A_138 = vector.load %arg3[%swap3A_135, %swap3A_136, %swap3A_137] : memref<10x1000x128xf32, #tpu.memory_space<vmem>>, vector<1x1000x128xf32>
    %swap3A_139 = vector.shape_cast %swap3A_138 : vector<1x1000x128xf32> to vector<1000x128xf32>
    %swap3A_140 = vector.shape_cast %dot_general3A_134 : vector<1000x128xf32> to vector<1x1000x128xf32>
    tpu.vector_store %arg3[%swap3A_135, %swap3A_136, %swap3A_137], %swap3A_140 {strides = array<i32>} : memref<10x1000x128xf32, #tpu.memory_space<vmem>>, vector<1x1000x128xf32>,
    %get3A_141 = arith.constant 0 : index
    %get3A_142 = arith.constant 0 : index
    %get3A_143 = vector.load %arg1[%get3A_141, %get3A_142] : memref<1000x64xf32, #tpu.memory_space<vmem>>, vector<1000x64xf32>
    %get3A_144 = arith.constant 9 : index
    %get3A_145 = arith.constant 0 : index
    %get3A_146 = arith.constant 0 : index
    %get3A_147 = vector.load %arg2[%get3A_144, %get3A_145, %get3A_146] : memref<10x64x128xf32, #tpu.memory_space<vmem>>, vector<1x64x128xf32>
    %get3A_148 = vector.shape_cast %get3A_147 : vector<1x64x128xf32> to vector<64x128xf32>
    %dot_general3A_149 = arith.constant dense<0.000000e+00> : vector<1000x128xf32>
    %dot_general3A_150 = tpu.matmul %get3A_143, %get3A_148, %dot_general3A_149 {dimension_numbers = #tpu.dot_dimension_numbers<[1], [0], [0], [1], [0, 0, 1, 1], [], []>, transpose_lhs_hint = false} : vector<1000x64xf32>, vector<64x128xf32>, vector<1000x128xf32> -> vector<1000x128xf32>
    %swap3A_151 = arith.constant 9 : index
    %swap3A_152 = arith.constant 0 : index
    %swap3A_153 = arith.constant 0 : index
    %swap3A_154 = vector.load %arg3[%swap3A_151, %swap3A_152, %swap3A_153] : memref<10x1000x128xf32, #tpu.memory_space<vmem>>, vector<1x1000x128xf32>
    %swap3A_155 = vector.shape_cast %swap3A_154 : vector<1x1000x128xf32> to vector<1000x128xf32>
    %swap3A_156 = vector.shape_cast %dot_general3A_150 : vector<1000x128xf32> to vector<1x1000x128xf32>
    tpu.vector_store %arg3[%swap3A_151, %swap3A_152, %swap3A_153], %swap3A_156 {strides = array<i32>} : memref<10x1000x128xf32, #tpu.memory_space<vmem>>, vector<1x1000x128xf32>,
    return
  }
  func.func @transform_0(%arg0: i32) -> (i32, i32) {
    %c0_i32 = arith.constant 0 : i32
    %c0_i32_0 = arith.constant 0 : i32
    %c0_i32_1 = arith.constant 0 : i32
    return %c0_i32, %c0_i32_0 : i32, i32
  }
  func.func @transform_1(%arg0: i32) -> (i32, i32, i32) {
    %c0_i32 = arith.constant 0 : i32
    %c0_i32_0 = arith.constant 0 : i32
    %c0_i32_1 = arith.constant 0 : i32
    return %arg0, %c0_i32, %c0_i32_0 : i32, i32, i32
  }
  func.func @transform_2(%arg0: i32) -> (i32, i32, i32) {
    %c0_i32 = arith.constant 0 : i32
    %c0_i32_0 = arith.constant 0 : i32
    %c0_i32_1 = arith.constant 0 : i32
    return %arg0, %c0_i32, %c0_i32_0 : i32, i32, i32
  }
}

module attributes {stable_mosaic.version = 14 : i64} {
  func.func @body(%arg0: i32, %arg1: memref<1024x128xf32, #tpu.memory_space<vmem>>, %arg2: memref<128x1000xf32, #tpu.memory_space<vmem>>, %arg3: memref<1x128xf32, #tpu.memory_space<vmem>>, %arg4: memref<1000x1xf32, #tpu.memory_space<vmem>>, %arg5: memref<1000x16384xf32, #tpu.memory_space<hbm>>, %arg6: memref<1000x1024xf32, #tpu.memory_space<vmem>>) attributes {dimension_semantics = [#tpu.dimension_semantics<arbitrary>], iteration_bounds = array<i64: 8>, scalar_prefetch = 0 : i64, scratch_operands = 0 : i64, tpu.core_type = #tpu.core_type<tc>, window_params = [{transform_indices = @transform_0, window_bounds = array<i64: 1024, 128>}, {pipeline_mode = #tpu.pipeline_mode<synchronous>, transform_indices = @transform_1, window_bounds = array<i64: 128, 1000>}, {pipeline_mode = #tpu.pipeline_mode<synchronous>, transform_indices = @transform_2, window_bounds = array<i64: 1, 128>}, {pipeline_mode = #tpu.pipeline_mode<synchronous>, transform_indices = @transform_3, window_bounds = array<i64: 1000, 1>}, {}, {transform_indices = @transform_5, window_bounds = array<i64: 1000, 1024>}]} {
    %get3A = arith.constant 0 : index
    %get3A_0 = arith.constant 0 : index
    %get3A_1 = vector.load %arg1[%get3A, %get3A_0] : memref<1024x128xf32, #tpu.memory_space<vmem>>, vector<1024x128xf32>
    %get3A_2 = arith.constant 0 : index
    %get3A_3 = arith.constant 0 : index
    %get3A_4 = vector.load %arg3[%get3A_2, %get3A_3] : memref<1x128xf32, #tpu.memory_space<vmem>>, vector<1x128xf32>
    %add3A = vector.broadcast %get3A_4 : vector<1x128xf32> to vector<1024x128xf32>
    %add3A_5 = arith.addf %get3A_1, %add3A : vector<1024x128xf32>
    %max3A = arith.constant 0.000000e+00 : f32
    %max3A_6 = vector.broadcast %max3A : f32 to vector<1024x128xf32>
    %max3A_7 = arith.maximumf %add3A_5, %max3A_6 : vector<1024x128xf32>
    %get3A_8 = arith.constant 0 : index
    %get3A_9 = arith.constant 0 : index
    %get3A_10 = vector.load %arg2[%get3A_8, %get3A_9] : memref<128x1000xf32, #tpu.memory_space<vmem>>, vector<128x1000xf32>
    %dot_general3A = arith.constant dense<0.000000e+00> : vector<1000x1024xf32>
    %dot_general3A_11 = tpu.matmul %get3A_10, %max3A_7, %dot_general3A {dimension_numbers = #tpu.dot_dimension_numbers<[0], [1], [1], [0], [0, 1, 1, 0], [], []>, transpose_lhs_hint = false} : vector<128x1000xf32>, vector<1024x128xf32>, vector<1000x1024xf32> -> vector<1000x1024xf32>
    %get3A_12 = arith.constant 0 : index
    %get3A_13 = arith.constant 0 : index
    %get3A_14 = vector.load %arg4[%get3A_12, %get3A_13] : memref<1000x1xf32, #tpu.memory_space<vmem>>, vector<1000x1xf32>
    %add3A_15 = vector.broadcast %get3A_14 : vector<1000x1xf32> to vector<1000x1024xf32>
    %add3A_16 = arith.addf %dot_general3A_11, %add3A_15 : vector<1000x1024xf32>
    %swap3A = arith.constant 0 : index
    %swap3A_17 = arith.constant 0 : index
    %swap3A_18 = vector.load %arg6[%swap3A, %swap3A_17] : memref<1000x1024xf32, #tpu.memory_space<vmem>>, vector<1000x1024xf32>
    tpu.vector_store %arg6[%swap3A, %swap3A_17], %add3A_16 {strides = array<i32>} : memref<1000x1024xf32, #tpu.memory_space<vmem>>, vector<1000x1024xf32>,
    return
  }
  func.func @transform_0(%arg0: i32) -> (i32, i32) {
    %c0_i32 = arith.constant 0 : i32
    %c0_i32_0 = arith.constant 0 : i32
    return %arg0, %c0_i32 : i32, i32
  }
  func.func @transform_1(%arg0: i32) -> (i32, i32) {
    %c0_i32 = arith.constant 0 : i32
    %c0_i32_0 = arith.constant 0 : i32
    %c0_i32_1 = arith.constant 0 : i32
    return %c0_i32, %c0_i32_0 : i32, i32
  }
  func.func @transform_2(%arg0: i32) -> (i32, i32) {
    %c0_i32 = arith.constant 0 : i32
    %c0_i32_0 = arith.constant 0 : i32
    %c0_i32_1 = arith.constant 0 : i32
    return %c0_i32, %c0_i32_0 : i32, i32
  }
  func.func @transform_3(%arg0: i32) -> (i32, i32) {
    %c0_i32 = arith.constant 0 : i32
    %c0_i32_0 = arith.constant 0 : i32
    %c0_i32_1 = arith.constant 0 : i32
    return %c0_i32, %c0_i32_0 : i32, i32
  }
  func.func @transform_5(%arg0: i32) -> (i32, i32) {
    %add3A = arith.constant 8 : i32
    %add3A_0 = arith.addi %arg0, %add3A : i32
    %c0_i32 = arith.constant 0 : i32
    %c0_i32_1 = arith.constant 0 : i32
    return %c0_i32, %add3A_0 : i32, i32
  }
}

module attributes {stable_mosaic.version = 14 : i64} {
  func.func @body(%arg0: i32, %arg1: memref<1024x128xf32, #tpu.memory_space<vmem>>, %arg2: memref<128x1000xf32, #tpu.memory_space<vmem>>, %arg3: memref<1x128xf32, #tpu.memory_space<vmem>>, %arg4: memref<1000x1xf32, #tpu.memory_space<vmem>>, %arg5: memref<1000x1024xf32, #tpu.memory_space<vmem>>) attributes {dimension_semantics = [#tpu.dimension_semantics<arbitrary>], iteration_bounds = array<i64: 8>, scalar_prefetch = 0 : i64, scratch_operands = 0 : i64, tpu.core_type = #tpu.core_type<tc>, window_params = [{transform_indices = @transform_0, window_bounds = array<i64: 1024, 128>}, {pipeline_mode = #tpu.pipeline_mode<synchronous>, transform_indices = @transform_1, window_bounds = array<i64: 128, 1000>}, {pipeline_mode = #tpu.pipeline_mode<synchronous>, transform_indices = @transform_2, window_bounds = array<i64: 1, 128>}, {pipeline_mode = #tpu.pipeline_mode<synchronous>, transform_indices = @transform_3, window_bounds = array<i64: 1000, 1>}, {transform_indices = @transform_4, window_bounds = array<i64: 1000, 1024>}]} {
    %get3A = arith.constant 0 : index
    %get3A_0 = arith.constant 0 : index
    %get3A_1 = vector.load %arg1[%get3A, %get3A_0] : memref<1024x128xf32, #tpu.memory_space<vmem>>, vector<1024x128xf32>
    %get3A_2 = arith.constant 0 : index
    %get3A_3 = arith.constant 0 : index
    %get3A_4 = vector.load %arg3[%get3A_2, %get3A_3] : memref<1x128xf32, #tpu.memory_space<vmem>>, vector<1x128xf32>
    %add3A = vector.broadcast %get3A_4 : vector<1x128xf32> to vector<1024x128xf32>
    %add3A_5 = arith.addf %get3A_1, %add3A : vector<1024x128xf32>
    %max3A = arith.constant 0.000000e+00 : f32
    %max3A_6 = vector.broadcast %max3A : f32 to vector<1024x128xf32>
    %max3A_7 = arith.maximumf %add3A_5, %max3A_6 : vector<1024x128xf32>
    %get3A_8 = arith.constant 0 : index
    %get3A_9 = arith.constant 0 : index
    %get3A_10 = vector.load %arg2[%get3A_8, %get3A_9] : memref<128x1000xf32, #tpu.memory_space<vmem>>, vector<128x1000xf32>
    %dot_general3A = arith.constant dense<0.000000e+00> : vector<1000x1024xf32>
    %dot_general3A_11 = tpu.matmul %get3A_10, %max3A_7, %dot_general3A {dimension_numbers = #tpu.dot_dimension_numbers<[0], [1], [1], [0], [0, 1, 1, 0], [], []>, transpose_lhs_hint = false} : vector<128x1000xf32>, vector<1024x128xf32>, vector<1000x1024xf32> -> vector<1000x1024xf32>
    %get3A_12 = arith.constant 0 : index
    %get3A_13 = arith.constant 0 : index
    %get3A_14 = vector.load %arg4[%get3A_12, %get3A_13] : memref<1000x1xf32, #tpu.memory_space<vmem>>, vector<1000x1xf32>
    %add3A_15 = vector.broadcast %get3A_14 : vector<1000x1xf32> to vector<1000x1024xf32>
    %add3A_16 = arith.addf %dot_general3A_11, %add3A_15 : vector<1000x1024xf32>
    %swap3A = arith.constant 0 : index
    %swap3A_17 = arith.constant 0 : index
    %swap3A_18 = vector.load %arg5[%swap3A, %swap3A_17] : memref<1000x1024xf32, #tpu.memory_space<vmem>>, vector<1000x1024xf32>
    tpu.vector_store %arg5[%swap3A, %swap3A_17], %add3A_16 {strides = array<i32>} : memref<1000x1024xf32, #tpu.memory_space<vmem>>, vector<1000x1024xf32>,
    return
  }
  func.func @transform_0(%arg0: i32) -> (i32, i32) {
    %c0_i32 = arith.constant 0 : i32
    %c0_i32_0 = arith.constant 0 : i32
    return %arg0, %c0_i32 : i32, i32
  }
  func.func @transform_1(%arg0: i32) -> (i32, i32) {
    %c0_i32 = arith.constant 0 : i32
    %c0_i32_0 = arith.constant 0 : i32
    %c0_i32_1 = arith.constant 0 : i32
    return %c0_i32, %c0_i32_0 : i32, i32
  }
  func.func @transform_2(%arg0: i32) -> (i32, i32) {
    %c0_i32 = arith.constant 0 : i32
    %c0_i32_0 = arith.constant 0 : i32
    %c0_i32_1 = arith.constant 0 : i32
    return %c0_i32, %c0_i32_0 : i32, i32
  }
  func.func @transform_3(%arg0: i32) -> (i32, i32) {
    %c0_i32 = arith.constant 0 : i32
    %c0_i32_0 = arith.constant 0 : i32
    %c0_i32_1 = arith.constant 0 : i32
    return %c0_i32, %c0_i32_0 : i32, i32
  }
  func.func @transform_4(%arg0: i32) -> (i32, i32) {
    %add3A = arith.constant 0 : i32
    %add3A_0 = arith.addi %arg0, %add3A : i32
    %c0_i32 = arith.constant 0 : i32
    %c0_i32_1 = arith.constant 0 : i32
    return %c0_i32, %add3A_0 : i32, i32
  }
}

</mosaic_0001>

<sc_bundles>
// kernel: kernel.10.cloned.1.call-start
scs
__scs_entry_jumppad:
0x0: {  	(pc) =	sbr.rel $0x88, $3  }
0x1: {  	(tag) =	ssettag $0x0;
	lr =	simm.s32 $0x1  }
0x2: {  	[smem:$0x3F9B] =	sst lr;
	_ =	strace $0xD0000000  }
0x3: {  	_ = 	snop  }
0x4: {  	_ = 	snop  }
0x5: {  	_ = 	snop  }
0x6: {  	_ = 	snop  }
0x7: {  	_ = 	snop  }
__scs_overlays_trampoline_lowered:
0x8: {  	[smem:$0x3FAA] =	sst s0  }
0x9: {  	[smem:$0x3FAB] =	sst s1  }
0xa: {  	[smem:$0x3FAC] =	sst s2  }
0xb: {  	[smem:$0x3FAD] =	sst s3  }
0xc: {  	[smem:$0x3FAE] =	sst s4  }
0xd: {  	[smem:$0x3FAF] =	sst s5  }
0xe: {  	[smem:$0x3FB0] =	sst s6  }
0xf: {  	[smem:$0x3FB1] =	sst s7  }
0x10: {  	[smem:$0x3FB2] =	sst s8  }
0x11: {  	[smem:$0x3FB3] =	sst s9;
	s0 =	simm.s32 @!p0 $0x0  }
0x12: {  	s1 =	sld [smem:$0x3F99];
	s0 =	simm.s32 @p0 $0x1  }
0x13: {  	[smem:$0x3FB4] =	sst s0;
	s0 =	simm.s32 @!p1 $0x0  }
0x14: {  	s2 =	sld [smem:$0x3F98];
	s0 =	simm.s32 @p1 $0x1  }
0x15: {  	[smem:$0x3FB5] =	sst s0;
	s0 =	simm.s32 @!p2 $0x0  }
0x16: {  	s3 =	sld [smem:$0x3FDB];
	s0 =	simm.s32 @p2 $0x1  }
0x17: {  	s4 =	simm.s32 $0x1BF5;
	[smem:$0x3FB7] =	sst s0  }
0x18: {  	s0 =	sld [smem:$0x3F9A];
	_ =	swait.ge [sflag:s4], $0x0  }
0x19: {  	s7 =	sld [smem:$0x3F9B]  }
0x1a: {  	s8 =	sadd.s32 $0xFFFFE003, lr  }
0x1b: {  	s9 =	sadd.s32 $0xFFFFFEF7, lr;
	s5 =	simm.s32 $0xFFFFFFFF;
	p2 =	slt.u32 s8, $0xFFFFF086  }
0x1c: {  	p1 =	slt.u32 s9, $0xF7A;
	s5 =	simm.s32 @!p2 $0x0  }
0x1d: {  	s5 =	simm.s32 @p1 $0x1;
	p0 =	seq.s32 s7, s2  }
0x1e: {  	s7 =	smul.u32 @!p0 $0xF7A, s2;
	p2 =	seq.s32 @!p0 s5, $0x0  }
0x1f: {  	s9 =	smul.u32 $0xF7A, s1;
	s8 =	simm.s32 @!p0 $0x1BF5;
	p2 =	por !p2, p0  }
0x20: {  	[sflag:s8] =	ssyncset.s32 @!p0 $0xFFFFF086;
	s6 =	sadd.s32 @!p0 s3, s7;
	s7 =	simm.s32 @!p0 $0x108  }
0x21: {  	s3 =	sadd.s32 s3, s9;
	s6 =	sadd.s32 @!p0 $0x88, s6;
	s7 =	simm.s32 @p2 $0x1082  }
0x22: {  	[simem:s7], [sflag:s8] =	dma.local @!p0 [hbm:s6], $0xF7A  }
0x23: {  	s9 =	sor.u32 $0xD0000000, s2;
	s6 =	simm.s32 $0x108;
	_ =	swait.ge @!p0 [sflag:s8], $0x0  }
0x24: {  	s3 =	sadd.s32 $0x88, s3;
	s6 =	simm.s32 @!p1 $0x1082;
	[sflag:s4] =	ssyncset.s32 $0xFFFFF086  }
0x25: {  	[simem:s6], [sflag:s4] =	dma.local [hbm:s3], $0xF7A  }
0x26: {  	[smem:$0x3F9B] =	sst s1;
	(tag) =	ssettag s2;
	_ =	strace s9  }
0x27: {  	s1 =	sld [smem:$0x3FAB]  }
0x28: {  	s2 =	sld [smem:$0x3FAC]  }
0x29: {  	s4 =	sld [smem:$0x3FAE]  }
0x2a: {  	p0 =	seq.s32 s5, $0x0;
	s5 =	sld [smem:$0x3FAF]  }
0x2b: {  	s6 =	sld [smem:$0x3FB0]  }
0x2c: {  	s7 =	sld [smem:$0x3FB1]  }
0x2d: {  	s3 =	simm.s32 $0x108;
	s8 =	sld [smem:$0x3FB2]  }
0x2e: {  	s3 =	simm.s32 @!p0 $0x1082;
	s9 =	sld [smem:$0x3FB3]  }
0x2f: {  	lr =	sadd.s32 s0, s3;
	s0 =	sld [smem:$0x3FAA]  }
0x30: {  	s3 =	sld [smem:$0x3FAD]  }
0x31: {  	[smem:$0x3FB6] =	sst s10  }
0x32: {  	s10 =	sld [smem:$0x3FB4];
	_ =	sdelay $0x3  }
0x33: {  	p0 =	seq.s32 s10, $0x1;
	s10 =	sld [smem:$0x3FB6];
	_ =	sdelay $0x3  }
0x34: {  	[smem:$0x3FB6] =	sst s10  }
0x35: {  	s10 =	sld [smem:$0x3FB5];
	_ =	sdelay $0x3  }
0x36: {  	p1 =	seq.s32 s10, $0x1;
	s10 =	sld [smem:$0x3FB6];
	_ =	sdelay $0x3  }
0x37: {  	[smem:$0x3FB6] =	sst s10  }
0x38: {  	s10 =	sld [smem:$0x3FB7]  }
0x39: {  	_ = 	snop;
	(pc) =	sbr.ind lr, $3  }
0x3a: {  	_ = 	snop  }
0x3b: {  	_ = 	snop  }
0x3c: {  	p2 =	seq.s32 s10, $0x1;
	s10 =	sld [smem:$0x3FB6]  }
0x3d: {  	_ =	shalt  }
0x3e: {  	_ =	shalt  }
0x3f: {  	_ =	shalt  }
0x40: {  	_ =	shalt  }
0x41: {  	_ =	shalt  }
0x42: {  	_ =	shalt  }
0x43: {  	_ =	shalt  }
0x44: {  	_ =	shalt  }
0x45: {  	_ =	shalt  }
0x46: {  	_ =	shalt  }
0x47: {  	_ =	shalt  }
0x48: {  	_ =	shalt  }
0x49: {  	_ =	shalt  }
0x4a: {  	_ =	shalt  }
0x4b: {  	_ =	shalt  }
0x4c: {  	_ =	shalt  }
0x4d: {  	_ =	shalt  }
0x4e: {  	_ =	shalt  }
0x4f: {  	_ =	shalt  }
0x50: {  	_ =	shalt  }
0x51: {  	_ =	shalt  }
0x52: {  	_ =	shalt  }
0x53: {  	_ =	shalt  }
0x54: {  	_ =	shalt  }
0x55: {  	_ =	shalt  }
0x56: {  	_ =	shalt  }
0x57: {  	_ =	shalt  }
0x58: {  	_ =	shalt  }
0x59: {  	_ =	shalt  }
0x5a: {  	_ =	shalt  }
0x5b: {  	_ =	shalt  }
0x5c: {  	_ =	shalt  }
0x5d: {  	_ =	shalt  }
0x5e: {  	_ =	shalt  }
0x5f: {  	_ =	shalt  }
0x60: {  	_ =	shalt  }
0x61: {  	_ =	shalt  }
0x62: {  	_ =	shalt  }
0x63: {  	_ =	shalt  }
0x64: {  	_ =	shalt  }
0x65: {  	_ =	shalt  }
0x66: {  	_ =	shalt  }
0x67: {  	_ =	shalt  }
0x68: {  	_ =	shalt  }
0x69: {  	_ =	shalt  }
0x6a: {  	_ =	shalt  }
0x6b: {  	_ =	shalt  }
0x6c: {  	_ =	shalt  }
0x6d: {  	_ =	shalt  }
0x6e: {  	_ =	shalt  }
0x6f: {  	_ =	shalt  }
0x70: {  	_ =	shalt  }
0x71: {  	_ =	shalt  }
0x72: {  	_ =	shalt  }
0x73: {  	_ =	shalt  }
0x74: {  	_ =	shalt  }
0x75: {  	_ =	shalt  }
0x76: {  	_ =	shalt  }
0x77: {  	_ =	shalt  }
0x78: {  	_ =	shalt  }
0x79: {  	_ =	shalt  }
0x7a: {  	_ =	shalt  }
0x7b: {  	_ =	shalt  }
0x7c: {  	_ =	shalt  }
0x7d: {  	_ =	shalt  }
0x7e: {  	_ =	shalt  }
0x7f: {  	_ =	shalt  }
0x80: {  	_ =	shalt  }
0x81: {  	_ =	shalt  }
0x82: {  	_ =	shalt  }
0x83: {  	_ =	shalt  }
0x84: {  	_ =	shalt  }
0x85: {  	_ =	shalt  }
0x86: {  	_ =	shalt  }
0x87: {  	_ =	shalt  }
.Lfunc_end0:
.L_simem_size_0:
called_computation.1_lowered:
.L_overlay_start_0:
0x88: {  	s2 =	sld [smem:$0x3FD9]  }
0x89: {  	s3 =	sld [smem:$0x3FFE];
	_ =	sdelay $0x1  }
0x8a: {  	s1 =	srdreg.scid  }
0x8b: {  	s0 =	sand.u32 $0x1, s1  }
0x8c: {  	s17 =	sshll.u32 s0, $0xA;
	s2 =	sadd.s32 s3, s2  }
0x8d: {  	s2 =	sadd.s32 s2, s17  }
0x8e: {  	[smem:$0x3FC2] =	sst s2  }
0x8f: {  	_ = 	snop  }
0x90: {  	(tm) =	ssettm $0x1  }
0x91: {  	s18 =	sld [smem:$0x3FFB];
	_ =	sdelay $0x3  }
0x92: {  	_ =	strace s18  }
0x93: {  	s2 =	sld [smem:$0x3FFC];
	_ =	sdelay $0x3  }
0x94: {  	_ =	strace s2  }
0x95: {  	s2 =	sld [smem:$0x3FFD];
	_ =	sdelay $0x3  }
0x96: {  	_ =	strace s2  }
0x97: {  	_ =	strace $0x8FFFFFFF  }
0x98: {  	s19 =	sld [smem:$0x3FDB];
	_ =	sdelay $0x1  }
0x99: {  	s20 =	simm.s32 $_scs_section_size  }
0x9a: {  	s4 =	simm.s32 $_size__tile_overlayer_lowered;
	s5 =	simm.s32 $_tile_overlayer_lowered  }
0x9b: {  	s6 =	simm.s32 $0x1BFF;
	s21 =	sshll.u32 s5, $0x1;
	s3 =	sadd.s32 s20, s19  }
0x9c: {  	s22 =	simm.s32 $0x0;
	s4 =	sshll.u32 s4, $0x1;
	s5 =	sadd.s32 s21, s3  }
0x9d: {  	[timem:s22], [sflag:s6] =	dma.local [hbm:s5], s4  }
0x9e: {  	_ =	swait.ge [sflag:s6], s4  }
0x9f: {  	s4 =	ssub.s32 $0x0, s4;
	[sflag:s6] =	ssyncset.done $0x0  }
0xa0: {  	[sflag:s6] =	ssyncadd.s32 s4;
	_ =	sdelay $0x1  }
0xa1: {  	s23 =	simm.s32 $0x1B8B  }
0xa2: {  	_ =	swait.ge [sflag:s23], $0x1  }
0xa3: {  	[sflag:s23] =	ssyncset.done $0x0  }
0xa4: {  	[sflag:s23] =	ssyncadd.s32 $0xFFFFFFFF  }
0xa5: {  	s4 =	sld [smem:$0x0]  }
0xa6: {  	s5 =	sand.u32 $0xFFFFFFFE, s1  }
0xa7: {  	p0 =	sne.s32 s1, s5  }
0xa8: {  	s5 =	sshll.u32 @p0 s5, $0xE  }
0xa9: {  	s5 =	sadd.s32 @p0 $0x11B8D, s5;
	s6 =	sshll.u32 @p0 s4, $0x11  }
0xaa: {  	s5 =	sor.u32 @p0 s6, s5  }
0xab: {  	[sflag:s5] =	ssyncadd.remote.s32 @p0 $0x1;
	_ =	sdelay $0x1  }
0xac: {  	s5 =	simm.s32 @p0 $0x1B8D  }
0xad: {  	_ =	swait.eq @p0 [sflag:s5], $0x1  }
0xae: {  	[sflag:s5] =	ssyncadd.s32 @p0 $0xFFFFFFFF  }
0xaf: {  	s6 =	sshll.u32 @!p0 s1, $0xE  }
0xb0: {  	s6 =	sor.u32 @!p0 $0x4000, s6;
	s5 =	simm.s32 @!p0 $0x1B8D  }
0xb1: {  	s4 =	sshll.u32 @!p0 s4, $0x11;
	s6 =	sadd.s32 @!p0 $0x11B8D, s6;
	_ =	swait.eq @!p0 [sflag:s5], $0x1  }
0xb2: {  	s4 =	sor.u32 @!p0 s4, s6;
	[sflag:s5] =	ssyncadd.s32 @!p0 $0xFFFFFFFF  }
0xb3: {  	s25 =	simm.s32 $0x1B8E;
	s24 =	sld [smem:$0x3FFE];
	[sflag:s4] =	ssyncadd.remote.s32 @!p0 $0x1  }
0xb4: {  	s26 =	simm.s32 $execute0_lowered;
	[smem:$0x3FD2] =	sst s25  }
0xb5: {  	s5 =	sshll.u32 s26, $0x1;
	_ =	strace $0x80000049;
	[dreg:$0x1] =	wrdreg $0xFFFFFFFF  }
0xb6: {  	s28 =	simm.s32 $_size_execute0_lowered;
	s3 =	sadd.s32 s3, s5;
	[dreg:$0x0] =	wrdreg $0x0  }
0xb7: {  	s5 =	sshll.u32 s28, $0x1;
	[dreg:$0x2] =	wrdreg s3  }
0xb8: {  	[dreg:$0x3] =	wrdreg s5  }
0xb9: {  	[dreg:$0x4] =	wrdreg $0xC0  }
0xba: {  	_ =	task [dreg:s22], $0x5FFFF  }
0xbb: {  	[dreg:$0x1] =	wrdreg $0xFFFFFFFF  }
0xbc: {  	[dreg:$0x0] =	wrdreg $0x60  }
0xbd: {  	[dreg:$0x2] =	wrdreg s24  }
0xbe: {  	[dreg:$0x3] =	wrdreg $0x168000  }
0xbf: {  	[dreg:$0x4] =	wrdreg $0xA  }
0xc0: {  	_ =	task.clear_ibuf [dreg:s22], $0x5FFFF;
	_ =	strace $0x90000049  }
0xc1: {  	s29 =	simm.s32 $0xA;
	_ =	strace $0x8000004B  }
0xc2: {  	_ =	swait.ge [sflag:s29], $0x1  }
0xc3: {  	[sflag:s29] =	ssyncadd.s32 $0xFFFFFFFF  }
0xc4: {  	_ =	strace $0x9000004B  }
0xc5: {  	_ =	sfence  }
0xc6: {  	s30 =	sld [smem:$0x0];
	_ =	sdelay $0x2  }
0xc7: {  	s31 =	sshll.u32 s1, $0xD;
	s1 =	sshrl.u32 s1, $0x2  }
0xc8: {  	s4 =	sand.u32 $0x4000, s31;
	s1 =	sadd.s32 s1, s30  }
0xc9: {  	s0 =	sor.u32 s4, s0;
	s1 =	sshll.u32 s1, $0x11  }
0xca: {  	s0 =	sor.u32 s1, s0  }
0xcb: {  	s0 =	sadd.s32 $0x8F2B, s0  }
0xcc: {  	[sflag:s0] =	ssyncadd.remote.s32 $0x1  }
0xcd: {  	_ =	sfence.sel $0xFFFF  }
0xce: {  	[dreg:$0x0] =	wrdreg $0xFFFFFFFF;
	(pc) =	sbr.abs _section_cstart, $3  }
0xcf: {  	[dreg:$0x1] =	wrdreg $0xFFFFFFFF  }
0xd0: {  	_ =	task.clear_ibuf [dreg:s22], $0x2FFFF;
	_ =	strace $0x9FFFFFFF  }
0xd1: {  	(tm) =	ssettm $0x7FFFFFFF  }
tec
execute0_lowered:
.L_overlay_start_1:
0x0: {  	(tag) =	ssettag $0x1  }
0x1: {  	s0 =	srdreg.scid;
	s1 =	rddreg [dreg:$0x0]  }
0x2: {  	s8 =	stileid.u32;
	s2 =	rddreg [dreg:$0x1]  }
0x3: {  	s12 =	simm.s32 $0x9;
	s14 =	simm.s32 $0x6800;
	s15 =	simm.s32 $0x80  }
0x4: {  	s16 =	simm.s32 $0xA800;
	s18 =	simm.s32 $0xE800;
	s20 =	simm.s32 $0x12800  }
0x5: {  	s21 =	simm.s32 $0x1;
	s22 =	simm.s32 $0x2;
	s23 =	simm.s32 $0x3  }
0x6: {  	s24 =	simm.s32 $0x4;
	s25 =	simm.s32 $0x5;
	s26 =	simm.s32 $0x6  }
0x7: {  	s28 =	simm.s32 $0x7;
	s29 =	simm.s32 $0x8;
	s31 =	simm.s32 $0x6480  }
0x8: {  	s13 =	simm.s32 $0x0;
	s0 =	sand.u32 $0x1, s0;
	s7 =	smul.u32 $0x680, s8  }
0x9: {  	s4 =	sadd.s32 $0x14E00, s1;
	s3 =	sshll.u32 s0, $0x4;
	s0 =	ssub.s32 $0x2, s0  }
0xa: {  	s5 =	sor.u32 s8, s3;
	s3 =	simm.s32 $0x0;
	s7 =	sadd.s32 s7, s1  }
0xb: {  	s30 =	sshrl.u32 s0, $0x1;
	s8 =	sshll.u32 s8, $0xF;
	s6 =	smul.u32 $0x680, s5  }
0xc: {  	[smem:$0x7FF] =	sst s3;
	s5 =	sshll.u32 s5, $0xC;
	s0 =	ssub.s32 s0, s30  }
0xd: {  	s7 =	sadd.s32 $0xE600, s7;
	_ =	strace $0x8000004A;
	s11 =	smax.u32 s0, $0x1  }
0xe: {  	s0 =	simm.s32 $0x6580;
	s6 =	sadd.s32 s6, s1;
	s1 =	sadd.s32 s5, s1  }
0xf: {  	s5 =	sadd.s32 $0xD8400, s6;
	s6 =	sadd.s32 s8, s2;
	s9 =	sadd.s32 $0xE5400, s1  }
0x10: {  	v0 =	vimm.f32 $0.0e+00;
	s10 =	sadd.s32 $0xE5C00, s1;
	s1 =	simm.s32 $0x6500;
	s8 =	sadd.s32 $0x4000, s6  }
.LBB2_1:
0x11: {  	[tilespmem:s3], [sflag:$0x9] =	stream.linear.gather [hbm4b:s5+s3], $0x3200, $0x38;
	[tilespmem:$0x1E800] =	vst v63  }
0x12: {  	_ =	swait.ge [sflag:s12], $0x3200  }
0x13: {  	[sflag:s12] =	ssyncset.done $0x0  }
0x14: {  	s17 =	simm.s32 $0x3400;
	[sflag:s12] =	ssyncadd.s32 $0xFFFFCE00  }
0x15: {  	[tilespmem:s17], [sflag:$0x9] =	stream.linear.gather [hbm4b:s7+s3], $0x3200, $0x38;
	[tilespmem:$0x1E800] =	vst v63  }
0x16: {  	_ =	swait.ge [sflag:s12], $0x3200  }
0x17: {  	[sflag:s12] =	ssyncset.done $0x0  }
0x18: {  	s19 =	simm.s32 $0x200;
	s17 =	simm.s32 $0x0;
	[sflag:s12] =	ssyncadd.s32 $0xFFFFCE00  }
.LBB2_2:
0x19: {  	p0 =	sne.s32 s19, $0xFE00;
	[tilespmem:s17+$0x6870] =	vst v0  }
0x1a: {  	[tilespmem:s17+$0x6800] =	vst v0  }
0x1b: {  	[tilespmem:s17+$0x6810] =	vst v0  }
.Ltmp0:
0x1c: {  	[tilespmem:s17+$0x6820] =	vst v0;
	(pc) =	sbr.rel @p0 .LBB2_2-.Ltmp0, $4  }
0x1d: {  	[tilespmem:s17+$0x6830] =	vst v0  }
0x1e: {  	[tilespmem:s17+$0x6840] =	vst v0  }
0x1f: {  	[tilespmem:s17+$0x6850] =	vst v0  }
0x20: {  	[tilespmem:s17+$0x6860] =	vst v0;
	s17 =	sshra.s32 s19, $0x2;
	s19 =	sadd.s32 $0x200, s19  }
0x21: {  	[tilespmem:s17+$0x6870] =	vst v0  }
0x22: {  	[tilespmem:s17+$0x6800] =	vst v0  }
0x23: {  	[tilespmem:s17+$0x6810] =	vst v0  }
0x24: {  	[tilespmem:s17+$0x6820] =	vst v0  }
0x25: {  	[tilespmem:s17+$0x6830] =	vst v0  }
0x26: {  	[tilespmem:s17+$0x6840] =	vst v0  }
0x27: {  	[tilespmem:s17+$0x6850] =	vst v0  }
0x28: {  	[tilespmem:s17+$0x6860] =	vst v0  }
0x29: {  	[spmem:s6] =	stream.linear.scatter [tilespmem:s14], [sflag:$0x9], $0x4000, $0x38;
	[tilespmem:$0x1E800] =	vst v63  }
0x2a: {  	_ =	swait.ge [sflag:s12], $0x4000  }
0x2b: {  	[sflag:s12] =	ssyncset.done $0x0  }
0x2c: {  	[sflag:s12] =	ssyncadd.s32 $0xFFFFC000  }
0x2d: {  	[spmem:s8] =	stream.linear.scatter [tilespmem:s14], [sflag:$0x9], $0x4000, $0x38;
	[tilespmem:$0x1E800] =	vst v63  }
0x2e: {  	_ =	swait.ge [sflag:s12], $0x4000  }
0x2f: {  	[sflag:s12] =	ssyncset.done $0x0  }
0x30: {  	s19 =	simm.s32 $0x0;
	[sflag:s12] =	ssyncadd.s32 $0xFFFFC000  }
0x31: {  	[tilespmem:s14], [sflag:$0x1] =	stream.indirect.gather [hbm4b:s4+s15], $0x80, s19, s15, $0xb8;
	[tilespmem:$0x1E800] =	vst v63  }
0x32: {  	_ = 	snop  }
0x33: {  	[tilespmem:s16], [sflag:$0x2] =	stream.indirect.gather [hbm4b:s4+s15], $0x80, s15, s15, $0xb8;
	[tilespmem:$0x1E800] =	vst v63  }
0x34: {  	s30 =	simm.s32 $0x100  }
0x35: {  	[tilespmem:s18], [sflag:$0x3] =	stream.indirect.gather [hbm4b:s4+s15], $0x80, s30, s15, $0xb8;
	[tilespmem:$0x1E800] =	vst v63  }
0x36: {  	s19 =	simm.s32 $0x180  }
0x37: {  	[tilespmem:s20], [sflag:$0x4] =	stream.indirect.gather [hbm4b:s4+s15], $0x80, s19, s15, $0xb8;
	[tilespmem:$0x1E800] =	vst v63  }
0x38: {  	_ =	swait.ge [sflag:s21], $0x4000  }
0x39: {  	[sflag:s21] =	ssyncset.done $0x0  }
0x3a: {  	s30 =	simm.s32 $0x3400;
	[sflag:s21] =	ssyncadd.s32 $0xFFFFC000  }
0x3b: {  	[spmem:s2] =	stream.indirect.scatter.add.f32 [tilespmem:s14], [sflag:$0x5], $0x80, s30, s15, $0xb8;
	[tilespmem:$0x1E800] =	vst v63  }
0x3c: {  	_ =	swait.ge [sflag:s22], $0x4000  }
0x3d: {  	[sflag:s22] =	ssyncset.done $0x0  }
0x3e: {  	s19 =	simm.s32 $0x3480;
	[sflag:s22] =	ssyncadd.s32 $0xFFFFC000  }
0x3f: {  	[spmem:s2] =	stream.indirect.scatter.add.f32 [tilespmem:s16], [sflag:$0x6], $0x80, s19, s15, $0xb8;
	[tilespmem:$0x1E800] =	vst v63  }
0x40: {  	_ =	swait.ge [sflag:s23], $0x4000  }
0x41: {  	[sflag:s23] =	ssyncset.done $0x0  }
0x42: {  	s30 =	simm.s32 $0x3500;
	[sflag:s23] =	ssyncadd.s32 $0xFFFFC000  }
0x43: {  	[spmem:s2] =	stream.indirect.scatter.add.f32 [tilespmem:s18], [sflag:$0x7], $0x80, s30, s15, $0xb8;
	[tilespmem:$0x1E800] =	vst v63  }
0x44: {  	_ =	swait.ge [sflag:s24], $0x4000  }
0x45: {  	[sflag:s24] =	ssyncset.done $0x0  }
0x46: {  	s19 =	simm.s32 $0x3580;
	[sflag:s24] =	ssyncadd.s32 $0xFFFFC000  }
0x47: {  	[spmem:s2] =	stream.indirect.scatter.add.f32 [tilespmem:s20], [sflag:$0x8], $0x80, s19, s15, $0xb8;
	[tilespmem:$0x1E800] =	vst v63  }
0x48: {  	_ =	swait.ge [sflag:s25], $0x4000  }
0x49: {  	[sflag:s25] =	ssyncset.done $0x0  }
0x4a: {  	s30 =	simm.s32 $0x200;
	[sflag:s25] =	ssyncadd.s32 $0xFFFFC000  }
0x4b: {  	[tilespmem:s14], [sflag:$0x1] =	stream.indirect.gather [hbm4b:s4+s15], $0x80, s30, s15, $0xb8;
	[tilespmem:$0x1E800] =	vst v63  }
0x4c: {  	_ =	swait.ge [sflag:s26], $0x4000  }
0x4d: {  	[sflag:s26] =	ssyncset.done $0x0  }
0x4e: {  	s19 =	simm.s32 $0x280;
	[sflag:s26] =	ssyncadd.s32 $0xFFFFC000  }
0x4f: {  	[tilespmem:s16], [sflag:$0x2] =	stream.indirect.gather [hbm4b:s4+s15], $0x80, s19, s15, $0xb8;
	[tilespmem:$0x1E800] =	vst v63  }
0x50: {  	_ =	swait.ge [sflag:s28], $0x4000  }
0x51: {  	[sflag:s28] =	ssyncset.done $0x0  }
0x52: {  	s30 =	simm.s32 $0x300;
	[sflag:s28] =	ssyncadd.s32 $0xFFFFC000  }
0x53: {  	[tilespmem:s18], [sflag:$0x3] =	stream.indirect.gather [hbm4b:s4+s15], $0x80, s30, s15, $0xb8;
	[tilespmem:$0x1E800] =	vst v63  }
0x54: {  	_ =	swait.ge [sflag:s29], $0x4000  }
0x55: {  	[sflag:s29] =	ssyncset.done $0x0  }
0x56: {  	s17 =	simm.s32 $0x800;
	s19 =	simm.s32 $0x380;
	[sflag:s29] =	ssyncadd.s32 $0xFFFFC000  }
.LBB2_4:
0x57: {  	[tilespmem:s20], [sflag:$0x4] =	stream.indirect.gather [hbm4b:s4+s15], $0x80, s19, s15, $0xb8;
	[tilespmem:$0x1E800] =	vst v63  }
0x58: {  	s19 =	smov.u32 s17  }
0x59: {  	p0 =	sne.s32 s17, $0xB800;
	s17 =	sadd.s32 $0x800, s17;
	_ =	swait.ge [sflag:s21], $0x4000  }
0x5a: {  	s19 =	sshra.s32 s19, $0x2;
	[sflag:s21] =	ssyncset.done $0x0  }
0x5b: {  	s30 =	sadd.s32 $0x3400, s19;
	[sflag:s21] =	ssyncadd.s32 $0xFFFFC000  }
0x5c: {  	[spmem:s2] =	stream.indirect.scatter.add.f32 [tilespmem:s14], [sflag:$0x5], $0x80, s30, s15, $0xb8;
	[tilespmem:$0x1E800] =	vst v63  }
0x5d: {  	_ =	swait.ge [sflag:s22], $0x4000  }
0x5e: {  	[sflag:s22] =	ssyncset.done $0x0  }
0x5f: {  	s30 =	sadd.s32 $0x3480, s19;
	[sflag:s22] =	ssyncadd.s32 $0xFFFFC000  }
0x60: {  	[spmem:s2] =	stream.indirect.scatter.add.f32 [tilespmem:s16], [sflag:$0x6], $0x80, s30, s15, $0xb8;
	[tilespmem:$0x1E800] =	vst v63  }
0x61: {  	_ =	swait.ge [sflag:s23], $0x4000  }
0x62: {  	[sflag:s23] =	ssyncset.done $0x0  }
0x63: {  	s30 =	sadd.s32 $0x3500, s19;
	[sflag:s23] =	ssyncadd.s32 $0xFFFFC000  }
0x64: {  	[spmem:s2] =	stream.indirect.scatter.add.f32 [tilespmem:s18], [sflag:$0x7], $0x80, s30, s15, $0xb8;
	[tilespmem:$0x1E800] =	vst v63  }
0x65: {  	_ =	swait.ge [sflag:s24], $0x4000  }
0x66: {  	[sflag:s24] =	ssyncset.done $0x0  }
0x67: {  	s30 =	sadd.s32 $0x3580, s19;
	[sflag:s24] =	ssyncadd.s32 $0xFFFFC000  }
0x68: {  	[spmem:s2] =	stream.indirect.scatter.add.f32 [tilespmem:s20], [sflag:$0x8], $0x80, s30, s15, $0xb8;
	[tilespmem:$0x1E800] =	vst v63  }
0x69: {  	_ =	swait.ge [sflag:s25], $0x4000  }
0x6a: {  	[sflag:s25] =	ssyncset.done $0x0  }
0x6b: {  	s30 =	sadd.s32 $0x200, s19;
	[sflag:s25] =	ssyncadd.s32 $0xFFFFC000  }
0x6c: {  	[tilespmem:s14], [sflag:$0x1] =	stream.indirect.gather [hbm4b:s4+s15], $0x80, s30, s15, $0xb8;
	[tilespmem:$0x1E800] =	vst v63  }
0x6d: {  	_ =	swait.ge [sflag:s26], $0x4000  }
0x6e: {  	[sflag:s26] =	ssyncset.done $0x0  }
0x6f: {  	s30 =	sadd.s32 $0x280, s19;
	[sflag:s26] =	ssyncadd.s32 $0xFFFFC000  }
0x70: {  	[tilespmem:s16], [sflag:$0x2] =	stream.indirect.gather [hbm4b:s4+s15], $0x80, s30, s15, $0xb8;
	[tilespmem:$0x1E800] =	vst v63  }
0x71: {  	_ =	swait.ge [sflag:s28], $0x4000  }
0x72: {  	[sflag:s28] =	ssyncset.done $0x0  }
.Ltmp1:
0x73: {  	s30 =	sadd.s32 $0x300, s19;
	[sflag:s28] =	ssyncadd.s32 $0xFFFFC000;
	(pc) =	sbr.rel @p0 .LBB2_4-.Ltmp1, $4  }
0x74: {  	[tilespmem:s18], [sflag:$0x3] =	stream.indirect.gather [hbm4b:s4+s15], $0x80, s30, s15, $0xb8;
	[tilespmem:$0x1E800] =	vst v63  }
0x75: {  	_ =	swait.ge [sflag:s29], $0x4000  }
0x76: {  	[sflag:s29] =	ssyncset.done $0x0  }
0x77: {  	s19 =	sadd.s32 $0x380, s19;
	[sflag:s29] =	ssyncadd.s32 $0xFFFFC000  }
0x78: {  	[tilespmem:s20], [sflag:$0x4] =	stream.indirect.gather [hbm4b:s4+s15], $0x80, s19, s15, $0xb8;
	[tilespmem:$0x1E800] =	vst v63  }
0x79: {  	_ =	swait.ge [sflag:s21], $0x4000  }
0x7a: {  	[sflag:s21] =	ssyncset.done $0x0  }
0x7b: {  	s17 =	simm.s32 $0x6400;
	[sflag:s21] =	ssyncadd.s32 $0xFFFFC000  }
0x7c: {  	[spmem:s2] =	stream.indirect.scatter.add.f32 [tilespmem:s14], [sflag:$0x5], $0x80, s17, s15, $0xb8;
	[tilespmem:$0x1E800] =	vst v63  }
0x7d: {  	_ =	swait.ge [sflag:s22], $0x4000  }
0x7e: {  	[sflag:s22] =	ssyncset.done $0x0  }
0x7f: {  	[sflag:s22] =	ssyncadd.s32 $0xFFFFC000  }
0x80: {  	[spmem:s2] =	stream.indirect.scatter.add.f32 [tilespmem:s16], [sflag:$0x6], $0x80, s31, s15, $0xb8;
	[tilespmem:$0x1E800] =	vst v63  }
0x81: {  	_ =	swait.ge [sflag:s23], $0x4000  }
0x82: {  	[sflag:s23] =	ssyncset.done $0x0  }
0x83: {  	[sflag:s23] =	ssyncadd.s32 $0xFFFFC000  }
0x84: {  	[spmem:s2] =	stream.indirect.scatter.add.f32 [tilespmem:s18], [sflag:$0x7], $0x80, s1, s15, $0xb8;
	[tilespmem:$0x1E800] =	vst v63  }
0x85: {  	_ =	swait.ge [sflag:s24], $0x4000  }
0x86: {  	[sflag:s24] =	ssyncset.done $0x0  }
0x87: {  	[sflag:s24] =	ssyncadd.s32 $0xFFFFC000  }
0x88: {  	[spmem:s2] =	stream.indirect.scatter.add.f32 [tilespmem:s20], [sflag:$0x8], $0x80, s0, s15, $0xb8;
	[tilespmem:$0x1E800] =	vst v63  }
0x89: {  	_ =	swait.ge [sflag:s25], $0x4000  }
0x8a: {  	[sflag:s25] =	ssyncset.done $0x0  }
0x8b: {  	[sflag:s25] =	ssyncadd.s32 $0xFFFFC000  }
0x8c: {  	_ =	swait.ge [sflag:s26], $0x4000  }
0x8d: {  	[sflag:s26] =	ssyncset.done $0x0  }
0x8e: {  	[sflag:s26] =	ssyncadd.s32 $0xFFFFC000  }
0x8f: {  	_ =	swait.ge [sflag:s28], $0x4000  }
0x90: {  	[sflag:s28] =	ssyncset.done $0x0  }
0x91: {  	[sflag:s28] =	ssyncadd.s32 $0xFFFFC000  }
0x92: {  	_ =	swait.ge [sflag:s29], $0x4000  }
0x93: {  	[sflag:s29] =	ssyncset.done $0x0  }
0x94: {  	[sflag:s29] =	ssyncadd.s32 $0xFFFFC000  }
0x95: {  	[tilespmem:s14], [sflag:$0x9] =	stream.linear.gather [spmem:s6], $0x4000, $0x38;
	[tilespmem:$0x1E800] =	vst v63  }
0x96: {  	_ =	swait.ge [sflag:s12], $0x4000  }
0x97: {  	[sflag:s12] =	ssyncset.done $0x0  }
0x98: {  	[sflag:s12] =	ssyncadd.s32 $0xFFFFC000  }
0x99: {  	[hbm4b:s9+s3] =	stream.linear.scatter [tilespmem:s14], [sflag:$0x9], $0x4000, $0x38;
	[tilespmem:$0x1E800] =	vst v63  }
0x9a: {  	_ =	swait.ge [sflag:s12], $0x4000  }
0x9b: {  	[sflag:s12] =	ssyncset.done $0x0  }
0x9c: {  	[sflag:s12] =	ssyncadd.s32 $0xFFFFC000  }
0x9d: {  	[tilespmem:s14], [sflag:$0x9] =	stream.linear.gather [spmem:s8], $0x4000, $0x38;
	[tilespmem:$0x1E800] =	vst v63  }
0x9e: {  	s13 =	sadd.s32 $0x1, s13;
	_ =	swait.ge [sflag:s12], $0x4000  }
0x9f: {  	p0 =	sne.s32 s13, s11;
	[sflag:s12] =	ssyncset.done $0x0  }
.Ltmp2:
0xa0: {  	[sflag:s12] =	ssyncadd.s32 $0xFFFFC000;
	(pc) =	sbr.rel @p0 .LBB2_1-.Ltmp2, $4  }
0xa1: {  	[hbm4b:s10+s3] =	stream.linear.scatter [tilespmem:s14], [sflag:$0x9], $0x4000, $0x38;
	[tilespmem:$0x1E800] =	vst v63  }
0xa2: {  	_ =	swait.ge [sflag:s12], $0x4000  }
0xa3: {  	[sflag:s12] =	ssyncset.done $0x0  }
0xa4: {  	[sflag:s12] =	ssyncadd.s32 $0xFFFFC000  }
0xa5: {  	_ =	sfence.sel $0x180000  }
0xa6: {  	[bflag:$0x0] =	sbarrier.arrive $0xFFFF  }
0xa7: {  	_ =	strace $0x9000004A  }
0xa8: {  	s0 =	stileid.u32;
	[bflag:$0x2] =	sbarrier.arrive $0xFFFF  }
0xa9: {  	p0 =	sne.s32 s0, $0x0;
	s0 =	rddreg [dreg:$0x2]  }
0xaa: {  	s0 =	sadd.s32 @!p0 $0x100000, s0  }
0xab: {  	[sflag:s0] =	ssyncadd.tile.s32 @!p0 $0x1;
	_ =	shalt  }
.Lfunc_end2:
_tile_overlayer_lowered:
.L_overlay_start_2:
0xac: {  	(tag) =	ssettag $0x2  }
0xad: {  	s0 =	rddreg [dreg:$0x0];
	s2 =	stileid.u32  }
0xae: {  	s1 =	rddreg [dreg:$0x1];
	p0 =	sne.s32 s2, $0x0  }
0xaf: {  	s3 =	rddreg [dreg:$0x2];
	[bflag:$0x3] =	sbarrier.arrive $0xFFFF;
	s2 =	simm.s32 @!p0 $0x1C09  }
0xb0: {  	[timem:s3], [sflag:s2] =	dma.local @!p0 [hbm:s0], s1  }
0xb1: {  	s0 =	simm.s32 @!p0 $0x9  }
0xb2: {  	_ =	swait.ge @!p0 [sflag:s0], s1  }
0xb3: {  	s1 =	ssub.s32 @!p0 $0x0, s1;
	[sflag:s0] =	ssyncset.done @!p0 $0x0  }
0xb4: {  	[sflag:s0] =	ssyncadd.s32 @!p0 s1  }
0xb5: {  	[bflag:$0x3] =	sbarrier.arrive $0xFFFF  }
0xb6: {  	_ =	shalt  }

// kernel: kernel.7.cloned.1.call-start
scs
__scs_entry_jumppad:
0x0: {  	(pc) =	sbr.rel $0x88, $3  }
0x1: {  	(tag) =	ssettag $0x0;
	lr =	simm.s32 $0x1  }
0x2: {  	[smem:$0x3F9B] =	sst lr;
	_ =	strace $0xD0000000  }
0x3: {  	_ = 	snop  }
0x4: {  	_ = 	snop  }
0x5: {  	_ = 	snop  }
0x6: {  	_ = 	snop  }
0x7: {  	_ = 	snop  }
__scs_overlays_trampoline_lowered:
0x8: {  	[smem:$0x3FAA] =	sst s0  }
0x9: {  	[smem:$0x3FAB] =	sst s1  }
0xa: {  	[smem:$0x3FAC] =	sst s2  }
0xb: {  	[smem:$0x3FAD] =	sst s3  }
0xc: {  	[smem:$0x3FAE] =	sst s4  }
0xd: {  	[smem:$0x3FAF] =	sst s5  }
0xe: {  	[smem:$0x3FB0] =	sst s6  }
0xf: {  	[smem:$0x3FB1] =	sst s7  }
0x10: {  	[smem:$0x3FB2] =	sst s8  }
0x11: {  	[smem:$0x3FB3] =	sst s9;
	s0 =	simm.s32 @!p0 $0x0  }
0x12: {  	s1 =	sld [smem:$0x3F99];
	s0 =	simm.s32 @p0 $0x1  }
0x13: {  	[smem:$0x3FB4] =	sst s0;
	s0 =	simm.s32 @!p1 $0x0  }
0x14: {  	s2 =	sld [smem:$0x3F98];
	s0 =	simm.s32 @p1 $0x1  }
0x15: {  	[smem:$0x3FB5] =	sst s0;
	s0 =	simm.s32 @!p2 $0x0  }
0x16: {  	s3 =	sld [smem:$0x3FDB];
	s0 =	simm.s32 @p2 $0x1  }
0x17: {  	s4 =	simm.s32 $0x1BF5;
	[smem:$0x3FB7] =	sst s0  }
0x18: {  	s0 =	sld [smem:$0x3F9A];
	_ =	swait.ge [sflag:s4], $0x0  }
0x19: {  	s7 =	sld [smem:$0x3F9B]  }
0x1a: {  	s8 =	sadd.s32 $0xFFFFE003, lr  }
0x1b: {  	s9 =	sadd.s32 $0xFFFFFEF7, lr;
	s5 =	simm.s32 $0xFFFFFFFF;
	p2 =	slt.u32 s8, $0xFFFFF086  }
0x1c: {  	p1 =	slt.u32 s9, $0xF7A;
	s5 =	simm.s32 @!p2 $0x0  }
0x1d: {  	s5 =	simm.s32 @p1 $0x1;
	p0 =	seq.s32 s7, s2  }
0x1e: {  	s7 =	smul.u32 @!p0 $0xF7A, s2;
	p2 =	seq.s32 @!p0 s5, $0x0  }
0x1f: {  	s9 =	smul.u32 $0xF7A, s1;
	s8 =	simm.s32 @!p0 $0x1BF5;
	p2 =	por !p2, p0  }
0x20: {  	[sflag:s8] =	ssyncset.s32 @!p0 $0xFFFFF086;
	s6 =	sadd.s32 @!p0 s3, s7;
	s7 =	simm.s32 @!p0 $0x108  }
0x21: {  	s3 =	sadd.s32 s3, s9;
	s6 =	sadd.s32 @!p0 $0x88, s6;
	s7 =	simm.s32 @p2 $0x1082  }
0x22: {  	[simem:s7], [sflag:s8] =	dma.local @!p0 [hbm:s6], $0xF7A  }
0x23: {  	s9 =	sor.u32 $0xD0000000, s2;
	s6 =	simm.s32 $0x108;
	_ =	swait.ge @!p0 [sflag:s8], $0x0  }
0x24: {  	s3 =	sadd.s32 $0x88, s3;
	s6 =	simm.s32 @!p1 $0x1082;
	[sflag:s4] =	ssyncset.s32 $0xFFFFF086  }
0x25: {  	[simem:s6], [sflag:s4] =	dma.local [hbm:s3], $0xF7A  }
0x26: {  	[smem:$0x3F9B] =	sst s1;
	(tag) =	ssettag s2;
	_ =	strace s9  }
0x27: {  	s1 =	sld [smem:$0x3FAB]  }
0x28: {  	s2 =	sld [smem:$0x3FAC]  }
0x29: {  	s4 =	sld [smem:$0x3FAE]  }
0x2a: {  	p0 =	seq.s32 s5, $0x0;
	s5 =	sld [smem:$0x3FAF]  }
0x2b: {  	s6 =	sld [smem:$0x3FB0]  }
0x2c: {  	s7 =	sld [smem:$0x3FB1]  }
0x2d: {  	s3 =	simm.s32 $0x108;
	s8 =	sld [smem:$0x3FB2]  }
0x2e: {  	s3 =	simm.s32 @!p0 $0x1082;
	s9 =	sld [smem:$0x3FB3]  }
0x2f: {  	lr =	sadd.s32 s0, s3;
	s0 =	sld [smem:$0x3FAA]  }
0x30: {  	s3 =	sld [smem:$0x3FAD]  }
0x31: {  	[smem:$0x3FB6] =	sst s10  }
0x32: {  	s10 =	sld [smem:$0x3FB4];
	_ =	sdelay $0x3  }
0x33: {  	p0 =	seq.s32 s10, $0x1;
	s10 =	sld [smem:$0x3FB6];
	_ =	sdelay $0x3  }
0x34: {  	[smem:$0x3FB6] =	sst s10  }
0x35: {  	s10 =	sld [smem:$0x3FB5];
	_ =	sdelay $0x3  }
0x36: {  	p1 =	seq.s32 s10, $0x1;
	s10 =	sld [smem:$0x3FB6];
	_ =	sdelay $0x3  }
0x37: {  	[smem:$0x3FB6] =	sst s10  }
0x38: {  	s10 =	sld [smem:$0x3FB7]  }
0x39: {  	_ = 	snop;
	(pc) =	sbr.ind lr, $3  }
0x3a: {  	_ = 	snop  }
0x3b: {  	_ = 	snop  }
0x3c: {  	p2 =	seq.s32 s10, $0x1;
	s10 =	sld [smem:$0x3FB6]  }
0x3d: {  	_ =	shalt  }
0x3e: {  	_ =	shalt  }
0x3f: {  	_ =	shalt  }
0x40: {  	_ =	shalt  }
0x41: {  	_ =	shalt  }
0x42: {  	_ =	shalt  }
0x43: {  	_ =	shalt  }
0x44: {  	_ =	shalt  }
0x45: {  	_ =	shalt  }
0x46: {  	_ =	shalt  }
0x47: {  	_ =	shalt  }
0x48: {  	_ =	shalt  }
0x49: {  	_ =	shalt  }
0x4a: {  	_ =	shalt  }
0x4b: {  	_ =	shalt  }
0x4c: {  	_ =	shalt  }
0x4d: {  	_ =	shalt  }
0x4e: {  	_ =	shalt  }
0x4f: {  	_ =	shalt  }
0x50: {  	_ =	shalt  }
0x51: {  	_ =	shalt  }
0x52: {  	_ =	shalt  }
0x53: {  	_ =	shalt  }
0x54: {  	_ =	shalt  }
0x55: {  	_ =	shalt  }
0x56: {  	_ =	shalt  }
0x57: {  	_ =	shalt  }
0x58: {  	_ =	shalt  }
0x59: {  	_ =	shalt  }
0x5a: {  	_ =	shalt  }
0x5b: {  	_ =	shalt  }
0x5c: {  	_ =	shalt  }
0x5d: {  	_ =	shalt  }
0x5e: {  	_ =	shalt  }
0x5f: {  	_ =	shalt  }
0x60: {  	_ =	shalt  }
0x61: {  	_ =	shalt  }
0x62: {  	_ =	shalt  }
0x63: {  	_ =	shalt  }
0x64: {  	_ =	shalt  }
0x65: {  	_ =	shalt  }
0x66: {  	_ =	shalt  }
0x67: {  	_ =	shalt  }
0x68: {  	_ =	shalt  }
0x69: {  	_ =	shalt  }
0x6a: {  	_ =	shalt  }
0x6b: {  	_ =	shalt  }
0x6c: {  	_ =	shalt  }
0x6d: {  	_ =	shalt  }
0x6e: {  	_ =	shalt  }
0x6f: {  	_ =	shalt  }
0x70: {  	_ =	shalt  }
0x71: {  	_ =	shalt  }
0x72: {  	_ =	shalt  }
0x73: {  	_ =	shalt  }
0x74: {  	_ =	shalt  }
0x75: {  	_ =	shalt  }
0x76: {  	_ =	shalt  }
0x77: {  	_ =	shalt  }
0x78: {  	_ =	shalt  }
0x79: {  	_ =	shalt  }
0x7a: {  	_ =	shalt  }
0x7b: {  	_ =	shalt  }
0x7c: {  	_ =	shalt  }
0x7d: {  	_ =	shalt  }
0x7e: {  	_ =	shalt  }
0x7f: {  	_ =	shalt  }
0x80: {  	_ =	shalt  }
0x81: {  	_ =	shalt  }
0x82: {  	_ =	shalt  }
0x83: {  	_ =	shalt  }
0x84: {  	_ =	shalt  }
0x85: {  	_ =	shalt  }
0x86: {  	_ =	shalt  }
0x87: {  	_ =	shalt  }
.Lfunc_end0:
.L_simem_size_0:
called_computation_lowered:
.L_overlay_start_0:
0x88: {  	s2 =	sld [smem:$0x3FD9]  }
0x89: {  	s3 =	sld [smem:$0x3FFE];
	_ =	sdelay $0x1  }
0x8a: {  	s1 =	srdreg.scid  }
0x8b: {  	s0 =	sand.u32 $0x1, s1  }
0x8c: {  	s17 =	sshll.u32 s0, $0xA;
	s2 =	sadd.s32 s3, s2  }
0x8d: {  	s2 =	sadd.s32 s2, s17  }
0x8e: {  	[smem:$0x3FC2] =	sst s2  }
0x8f: {  	_ = 	snop  }
0x90: {  	s2 =	sld [smem:$0x3FD0];
	(tm) =	ssettm $0x1  }
0x91: {  	s18 =	sld [smem:$0x3FFB];
	_ =	sdelay $0x3  }
0x92: {  	_ =	strace s18  }
0x93: {  	s3 =	sld [smem:$0x3FFC];
	_ =	sdelay $0x3  }
0x94: {  	_ =	strace s3  }
0x95: {  	s3 =	sld [smem:$0x3FFD];
	_ =	sdelay $0x3  }
0x96: {  	_ =	strace s3  }
0x97: {  	_ =	strace $0x8FFFFFFF  }
0x98: {  	s19 =	sld [smem:$0x3FDB];
	_ =	sdelay $0x1  }
0x99: {  	s4 =	simm.s32 $_scs_section_size  }
0x9a: {  	s5 =	simm.s32 $_size__tile_overlayer_lowered;
	s6 =	simm.s32 $_tile_overlayer_lowered  }
0x9b: {  	s22 =	simm.s32 $0x1BFF;
	s21 =	sshll.u32 s6, $0x1;
	s3 =	sadd.s32 s4, s19  }
0x9c: {  	s7 =	simm.s32 $0x0;
	s20 =	sshll.u32 s5, $0x1;
	s5 =	sadd.s32 s21, s3  }
0x9d: {  	[timem:s7], [sflag:s22] =	dma.local [hbm:s5], s20  }
0x9e: {  	_ =	swait.ge [sflag:s22], s20  }
0x9f: {  	s4 =	ssub.s32 $0x0, s20;
	[sflag:s22] =	ssyncset.done $0x0  }
0xa0: {  	[sflag:s22] =	ssyncadd.s32 s4;
	_ =	sdelay $0x1  }
0xa1: {  	s23 =	simm.s32 $0x1B8B  }
0xa2: {  	_ =	swait.ge [sflag:s23], $0x1  }
0xa3: {  	[sflag:s23] =	ssyncset.done $0x0  }
0xa4: {  	s25 =	simm.s32 $0x1B8E;
	s24 =	sld [smem:$0x3FFE];
	[sflag:s23] =	ssyncadd.s32 $0xFFFFFFFF  }
0xa5: {  	s26 =	simm.s32 $execute0_lowered;
	[smem:$0x3FD2] =	sst s25  }
0xa6: {  	s5 =	sshll.u32 s26, $0x1;
	_ =	strace $0x80000046;
	[dreg:$0x1] =	wrdreg $0xFFFFFFFF  }
0xa7: {  	s28 =	simm.s32 $_size_execute0_lowered;
	s3 =	sadd.s32 s3, s5;
	[dreg:$0x0] =	wrdreg $0x0  }
0xa8: {  	s5 =	sshll.u32 s28, $0x1;
	[dreg:$0x2] =	wrdreg s3  }
0xa9: {  	[dreg:$0x3] =	wrdreg s5  }
0xaa: {  	[dreg:$0x4] =	wrdreg $0xC0  }
0xab: {  	_ =	task [dreg:s7], $0x5FFFF  }
0xac: {  	[dreg:$0x1] =	wrdreg $0xFFFFFFFF  }
0xad: {  	[dreg:$0x0] =	wrdreg $0x60  }
0xae: {  	[dreg:$0x2] =	wrdreg s24  }
0xaf: {  	[dreg:$0x3] =	wrdreg s2  }
0xb0: {  	[dreg:$0x4] =	wrdreg $0x168000  }
0xb1: {  	[dreg:$0x5] =	wrdreg $0x9  }
0xb2: {  	_ =	task.clear_ibuf [dreg:s7], $0x6FFFF;
	_ =	strace $0x90000046  }
0xb3: {  	s29 =	simm.s32 $0x9;
	_ =	strace $0x80000048  }
0xb4: {  	_ =	swait.ge [sflag:s29], $0x1  }
0xb5: {  	[sflag:s29] =	ssyncadd.s32 $0xFFFFFFFF  }
0xb6: {  	_ =	strace $0x90000048  }
0xb7: {  	_ =	sfence  }
0xb8: {  	s30 =	sld [smem:$0x0];
	_ =	sdelay $0x2  }
0xb9: {  	s31 =	sshll.u32 s1, $0xD;
	s1 =	sshrl.u32 s1, $0x2  }
0xba: {  	s3 =	sand.u32 $0x4000, s31;
	s1 =	sadd.s32 s1, s30  }
0xbb: {  	s0 =	sor.u32 s3, s0;
	s1 =	sshll.u32 s1, $0x11  }
0xbc: {  	s0 =	sor.u32 s1, s0  }
0xbd: {  	s0 =	sadd.s32 $0x8F2B, s0  }
0xbe: {  	[sflag:s0] =	ssyncadd.remote.s32 $0x1  }
0xbf: {  	_ =	sfence.sel $0xFFFF  }
0xc0: {  	[dreg:$0x0] =	wrdreg $0xFFFFFFFF;
	(pc) =	sbr.abs _section_cstart, $3  }
0xc1: {  	[dreg:$0x1] =	wrdreg $0xFFFFFFFF  }
0xc2: {  	_ =	task.clear_ibuf [dreg:s7], $0x2FFFF;
	_ =	strace $0x9FFFFFFF  }
0xc3: {  	(tm) =	ssettm $0x7FFFFFFF  }
tec
execute0_lowered:
.L_overlay_start_1:
0x0: {  	(tag) =	ssettag $0x1  }
0x1: {  	s0 =	rddreg [dreg:$0x0]  }
0x2: {  	s9 =	rddreg [dreg:$0x1]  }
0x3: {  	s1 =	srdreg.scid;
	s2 =	rddreg [dreg:$0x2]  }
0x4: {  	s10 =	stileid.u32;
	s3 =	simm.s32 $0x0;
	s12 =	simm.s32 $0x9  }
0x5: {  	s14 =	simm.s32 $0x6800;
	s15 =	simm.s32 $0x80;
	s16 =	simm.s32 $0xA800  }
0x6: {  	s18 =	simm.s32 $0xE800;
	s20 =	simm.s32 $0x12800;
	s21 =	simm.s32 $0x1  }
0x7: {  	s22 =	simm.s32 $0x2;
	s23 =	simm.s32 $0x3;
	s24 =	simm.s32 $0x4  }
0x8: {  	s25 =	simm.s32 $0x5;
	s28 =	simm.s32 $0x7;
	s29 =	simm.s32 $0x8  }
0x9: {  	s31 =	simm.s32 $0x6480;
	s13 =	simm.s32 $0x0;
	s1 =	sand.u32 $0x1, s1  }
0xa: {  	[smem:$0x7FF] =	sst s3;
	s6 =	smul.u32 $0x680, s10;
	s26 =	sshll.u32 s10, $0xF  }
0xb: {  	s4 =	sshll.u32 s1, $0x4;
	_ =	strace $0x80000047;
	s1 =	ssub.s32 $0x2, s1  }
0xc: {  	s7 =	sor.u32 s10, s4;
	s4 =	sadd.s32 $0x14E00, s0;
	s8 =	sshrl.u32 s1, $0x1  }
0xd: {  	s5 =	smul.u32 $0x680, s7;
	s1 =	ssub.s32 s1, s8;
	s30 =	sshll.u32 s7, $0xC  }
0xe: {  	s9 =	sadd.s32 s9, s30;
	s11 =	smax.u32 s1, $0x1;
	s1 =	simm.s32 $0x6580  }
0xf: {  	s5 =	sadd.s32 s5, s0;
	s0 =	sadd.s32 s6, s0;
	s6 =	sadd.s32 s26, s2  }
0x10: {  	s10 =	sadd.s32 $0x800, s9;
	s26 =	simm.s32 $0x6;
	s5 =	sadd.s32 $0x1600, s5  }
0x11: {  	v0 =	vimm.f32 $0.0e+00;
	s7 =	sadd.s32 $0xE600, s0;
	s8 =	sadd.s32 $0x4000, s6;
	s0 =	simm.s32 $0x6500  }
.LBB2_1:
0x12: {  	[tilespmem:s3], [sflag:$0x9] =	stream.linear.gather [hbm4b:s5+s3], $0x3200, $0x38;
	[tilespmem:$0x1E800] =	vst v63  }
0x13: {  	_ =	swait.ge [sflag:s12], $0x3200  }
0x14: {  	[sflag:s12] =	ssyncset.done $0x0  }
0x15: {  	s17 =	simm.s32 $0x3400;
	[sflag:s12] =	ssyncadd.s32 $0xFFFFCE00  }
0x16: {  	[tilespmem:s17], [sflag:$0x9] =	stream.linear.gather [hbm4b:s7+s3], $0x3200, $0x38;
	[tilespmem:$0x1E800] =	vst v63  }
0x17: {  	_ =	swait.ge [sflag:s12], $0x3200  }
0x18: {  	[sflag:s12] =	ssyncset.done $0x0  }
0x19: {  	s19 =	simm.s32 $0x200;
	s17 =	simm.s32 $0x0;
	[sflag:s12] =	ssyncadd.s32 $0xFFFFCE00  }
.LBB2_2:
0x1a: {  	p0 =	sne.s32 s19, $0xFE00;
	[tilespmem:s17+$0x6870] =	vst v0  }
0x1b: {  	[tilespmem:s17+$0x6800] =	vst v0  }
0x1c: {  	[tilespmem:s17+$0x6810] =	vst v0  }
.Ltmp0:
0x1d: {  	[tilespmem:s17+$0x6820] =	vst v0;
	(pc) =	sbr.rel @p0 .LBB2_2-.Ltmp0, $4  }
0x1e: {  	[tilespmem:s17+$0x6830] =	vst v0  }
0x1f: {  	[tilespmem:s17+$0x6840] =	vst v0  }
0x20: {  	[tilespmem:s17+$0x6850] =	vst v0  }
0x21: {  	[tilespmem:s17+$0x6860] =	vst v0;
	s17 =	sshra.s32 s19, $0x2;
	s19 =	sadd.s32 $0x200, s19  }
0x22: {  	[tilespmem:s17+$0x6870] =	vst v0  }
0x23: {  	[tilespmem:s17+$0x6800] =	vst v0  }
0x24: {  	[tilespmem:s17+$0x6810] =	vst v0  }
0x25: {  	[tilespmem:s17+$0x6820] =	vst v0  }
0x26: {  	[tilespmem:s17+$0x6830] =	vst v0  }
0x27: {  	[tilespmem:s17+$0x6840] =	vst v0  }
0x28: {  	[tilespmem:s17+$0x6850] =	vst v0  }
0x29: {  	[tilespmem:s17+$0x6860] =	vst v0  }
0x2a: {  	[spmem:s6] =	stream.linear.scatter [tilespmem:s14], [sflag:$0x9], $0x4000, $0x38;
	[tilespmem:$0x1E800] =	vst v63  }
0x2b: {  	_ =	swait.ge [sflag:s12], $0x4000  }
0x2c: {  	[sflag:s12] =	ssyncset.done $0x0  }
0x2d: {  	[sflag:s12] =	ssyncadd.s32 $0xFFFFC000  }
0x2e: {  	[spmem:s8] =	stream.linear.scatter [tilespmem:s14], [sflag:$0x9], $0x4000, $0x38;
	[tilespmem:$0x1E800] =	vst v63  }
0x2f: {  	_ =	swait.ge [sflag:s12], $0x4000  }
0x30: {  	[sflag:s12] =	ssyncset.done $0x0  }
0x31: {  	s19 =	simm.s32 $0x0;
	[sflag:s12] =	ssyncadd.s32 $0xFFFFC000  }
0x32: {  	[tilespmem:s14], [sflag:$0x1] =	stream.indirect.gather [hbm4b:s4+s15], $0x80, s19, s15, $0xb8;
	[tilespmem:$0x1E800] =	vst v63  }
0x33: {  	_ = 	snop  }
0x34: {  	[tilespmem:s16], [sflag:$0x2] =	stream.indirect.gather [hbm4b:s4+s15], $0x80, s15, s15, $0xb8;
	[tilespmem:$0x1E800] =	vst v63  }
0x35: {  	s30 =	simm.s32 $0x100  }
0x36: {  	[tilespmem:s18], [sflag:$0x3] =	stream.indirect.gather [hbm4b:s4+s15], $0x80, s30, s15, $0xb8;
	[tilespmem:$0x1E800] =	vst v63  }
0x37: {  	s19 =	simm.s32 $0x180  }
0x38: {  	[tilespmem:s20], [sflag:$0x4] =	stream.indirect.gather [hbm4b:s4+s15], $0x80, s19, s15, $0xb8;
	[tilespmem:$0x1E800] =	vst v63  }
0x39: {  	_ =	swait.ge [sflag:s21], $0x4000  }
0x3a: {  	[sflag:s21] =	ssyncset.done $0x0  }
0x3b: {  	s30 =	simm.s32 $0x3400;
	[sflag:s21] =	ssyncadd.s32 $0xFFFFC000  }
0x3c: {  	[spmem:s2] =	stream.indirect.scatter.add.f32 [tilespmem:s14], [sflag:$0x5], $0x80, s30, s15, $0xb8;
	[tilespmem:$0x1E800] =	vst v63  }
0x3d: {  	_ =	swait.ge [sflag:s22], $0x4000  }
0x3e: {  	[sflag:s22] =	ssyncset.done $0x0  }
0x3f: {  	s19 =	simm.s32 $0x3480;
	[sflag:s22] =	ssyncadd.s32 $0xFFFFC000  }
0x40: {  	[spmem:s2] =	stream.indirect.scatter.add.f32 [tilespmem:s16], [sflag:$0x6], $0x80, s19, s15, $0xb8;
	[tilespmem:$0x1E800] =	vst v63  }
0x41: {  	_ =	swait.ge [sflag:s23], $0x4000  }
0x42: {  	[sflag:s23] =	ssyncset.done $0x0  }
0x43: {  	s30 =	simm.s32 $0x3500;
	[sflag:s23] =	ssyncadd.s32 $0xFFFFC000  }
0x44: {  	[spmem:s2] =	stream.indirect.scatter.add.f32 [tilespmem:s18], [sflag:$0x7], $0x80, s30, s15, $0xb8;
	[tilespmem:$0x1E800] =	vst v63  }
0x45: {  	_ =	swait.ge [sflag:s24], $0x4000  }
0x46: {  	[sflag:s24] =	ssyncset.done $0x0  }
0x47: {  	s19 =	simm.s32 $0x3580;
	[sflag:s24] =	ssyncadd.s32 $0xFFFFC000  }
0x48: {  	[spmem:s2] =	stream.indirect.scatter.add.f32 [tilespmem:s20], [sflag:$0x8], $0x80, s19, s15, $0xb8;
	[tilespmem:$0x1E800] =	vst v63  }
0x49: {  	_ =	swait.ge [sflag:s25], $0x4000  }
0x4a: {  	[sflag:s25] =	ssyncset.done $0x0  }
0x4b: {  	s30 =	simm.s32 $0x200;
	[sflag:s25] =	ssyncadd.s32 $0xFFFFC000  }
0x4c: {  	[tilespmem:s14], [sflag:$0x1] =	stream.indirect.gather [hbm4b:s4+s15], $0x80, s30, s15, $0xb8;
	[tilespmem:$0x1E800] =	vst v63  }
0x4d: {  	_ =	swait.ge [sflag:s26], $0x4000  }
0x4e: {  	[sflag:s26] =	ssyncset.done $0x0  }
0x4f: {  	s19 =	simm.s32 $0x280;
	[sflag:s26] =	ssyncadd.s32 $0xFFFFC000  }
0x50: {  	[tilespmem:s16], [sflag:$0x2] =	stream.indirect.gather [hbm4b:s4+s15], $0x80, s19, s15, $0xb8;
	[tilespmem:$0x1E800] =	vst v63  }
0x51: {  	_ =	swait.ge [sflag:s28], $0x4000  }
0x52: {  	[sflag:s28] =	ssyncset.done $0x0  }
0x53: {  	s30 =	simm.s32 $0x300;
	[sflag:s28] =	ssyncadd.s32 $0xFFFFC000  }
0x54: {  	[tilespmem:s18], [sflag:$0x3] =	stream.indirect.gather [hbm4b:s4+s15], $0x80, s30, s15, $0xb8;
	[tilespmem:$0x1E800] =	vst v63  }
0x55: {  	_ =	swait.ge [sflag:s29], $0x4000  }
0x56: {  	[sflag:s29] =	ssyncset.done $0x0  }
0x57: {  	s17 =	simm.s32 $0x800;
	s19 =	simm.s32 $0x380;
	[sflag:s29] =	ssyncadd.s32 $0xFFFFC000  }
.LBB2_4:
0x58: {  	[tilespmem:s20], [sflag:$0x4] =	stream.indirect.gather [hbm4b:s4+s15], $0x80, s19, s15, $0xb8;
	[tilespmem:$0x1E800] =	vst v63  }
0x59: {  	s19 =	smov.u32 s17  }
0x5a: {  	p0 =	sne.s32 s17, $0xB800;
	s17 =	sadd.s32 $0x800, s17;
	_ =	swait.ge [sflag:s21], $0x4000  }
0x5b: {  	s19 =	sshra.s32 s19, $0x2;
	[sflag:s21] =	ssyncset.done $0x0  }
0x5c: {  	s30 =	sadd.s32 $0x3400, s19;
	[sflag:s21] =	ssyncadd.s32 $0xFFFFC000  }
0x5d: {  	[spmem:s2] =	stream.indirect.scatter.add.f32 [tilespmem:s14], [sflag:$0x5], $0x80, s30, s15, $0xb8;
	[tilespmem:$0x1E800] =	vst v63  }
0x5e: {  	_ =	swait.ge [sflag:s22], $0x4000  }
0x5f: {  	[sflag:s22] =	ssyncset.done $0x0  }
0x60: {  	s30 =	sadd.s32 $0x3480, s19;
	[sflag:s22] =	ssyncadd.s32 $0xFFFFC000  }
0x61: {  	[spmem:s2] =	stream.indirect.scatter.add.f32 [tilespmem:s16], [sflag:$0x6], $0x80, s30, s15, $0xb8;
	[tilespmem:$0x1E800] =	vst v63  }
0x62: {  	_ =	swait.ge [sflag:s23], $0x4000  }
0x63: {  	[sflag:s23] =	ssyncset.done $0x0  }
0x64: {  	s30 =	sadd.s32 $0x3500, s19;
	[sflag:s23] =	ssyncadd.s32 $0xFFFFC000  }
0x65: {  	[spmem:s2] =	stream.indirect.scatter.add.f32 [tilespmem:s18], [sflag:$0x7], $0x80, s30, s15, $0xb8;
	[tilespmem:$0x1E800] =	vst v63  }
0x66: {  	_ =	swait.ge [sflag:s24], $0x4000  }
0x67: {  	[sflag:s24] =	ssyncset.done $0x0  }
0x68: {  	s30 =	sadd.s32 $0x3580, s19;
	[sflag:s24] =	ssyncadd.s32 $0xFFFFC000  }
0x69: {  	[spmem:s2] =	stream.indirect.scatter.add.f32 [tilespmem:s20], [sflag:$0x8], $0x80, s30, s15, $0xb8;
	[tilespmem:$0x1E800] =	vst v63  }
0x6a: {  	_ =	swait.ge [sflag:s25], $0x4000  }
0x6b: {  	[sflag:s25] =	ssyncset.done $0x0  }
0x6c: {  	s30 =	sadd.s32 $0x200, s19;
	[sflag:s25] =	ssyncadd.s32 $0xFFFFC000  }
0x6d: {  	[tilespmem:s14], [sflag:$0x1] =	stream.indirect.gather [hbm4b:s4+s15], $0x80, s30, s15, $0xb8;
	[tilespmem:$0x1E800] =	vst v63  }
0x6e: {  	_ =	swait.ge [sflag:s26], $0x4000  }
0x6f: {  	[sflag:s26] =	ssyncset.done $0x0  }
0x70: {  	s30 =	sadd.s32 $0x280, s19;
	[sflag:s26] =	ssyncadd.s32 $0xFFFFC000  }
0x71: {  	[tilespmem:s16], [sflag:$0x2] =	stream.indirect.gather [hbm4b:s4+s15], $0x80, s30, s15, $0xb8;
	[tilespmem:$0x1E800] =	vst v63  }
0x72: {  	_ =	swait.ge [sflag:s28], $0x4000  }
0x73: {  	[sflag:s28] =	ssyncset.done $0x0  }
.Ltmp1:
0x74: {  	s30 =	sadd.s32 $0x300, s19;
	[sflag:s28] =	ssyncadd.s32 $0xFFFFC000;
	(pc) =	sbr.rel @p0 .LBB2_4-.Ltmp1, $4  }
0x75: {  	[tilespmem:s18], [sflag:$0x3] =	stream.indirect.gather [hbm4b:s4+s15], $0x80, s30, s15, $0xb8;
	[tilespmem:$0x1E800] =	vst v63  }
0x76: {  	_ =	swait.ge [sflag:s29], $0x4000  }
0x77: {  	[sflag:s29] =	ssyncset.done $0x0  }
0x78: {  	s19 =	sadd.s32 $0x380, s19;
	[sflag:s29] =	ssyncadd.s32 $0xFFFFC000  }
0x79: {  	[tilespmem:s20], [sflag:$0x4] =	stream.indirect.gather [hbm4b:s4+s15], $0x80, s19, s15, $0xb8;
	[tilespmem:$0x1E800] =	vst v63  }
0x7a: {  	_ =	swait.ge [sflag:s21], $0x4000  }
0x7b: {  	[sflag:s21] =	ssyncset.done $0x0  }
0x7c: {  	s17 =	simm.s32 $0x6400;
	[sflag:s21] =	ssyncadd.s32 $0xFFFFC000  }
0x7d: {  	[spmem:s2] =	stream.indirect.scatter.add.f32 [tilespmem:s14], [sflag:$0x5], $0x80, s17, s15, $0xb8;
	[tilespmem:$0x1E800] =	vst v63  }
0x7e: {  	_ =	swait.ge [sflag:s22], $0x4000  }
0x7f: {  	[sflag:s22] =	ssyncset.done $0x0  }
0x80: {  	[sflag:s22] =	ssyncadd.s32 $0xFFFFC000  }
0x81: {  	[spmem:s2] =	stream.indirect.scatter.add.f32 [tilespmem:s16], [sflag:$0x6], $0x80, s31, s15, $0xb8;
	[tilespmem:$0x1E800] =	vst v63  }
0x82: {  	_ =	swait.ge [sflag:s23], $0x4000  }
0x83: {  	[sflag:s23] =	ssyncset.done $0x0  }
0x84: {  	[sflag:s23] =	ssyncadd.s32 $0xFFFFC000  }
0x85: {  	[spmem:s2] =	stream.indirect.scatter.add.f32 [tilespmem:s18], [sflag:$0x7], $0x80, s0, s15, $0xb8;
	[tilespmem:$0x1E800] =	vst v63  }
0x86: {  	_ =	swait.ge [sflag:s24], $0x4000  }
0x87: {  	[sflag:s24] =	ssyncset.done $0x0  }
0x88: {  	[sflag:s24] =	ssyncadd.s32 $0xFFFFC000  }
0x89: {  	[spmem:s2] =	stream.indirect.scatter.add.f32 [tilespmem:s20], [sflag:$0x8], $0x80, s1, s15, $0xb8;
	[tilespmem:$0x1E800] =	vst v63  }
0x8a: {  	_ =	swait.ge [sflag:s25], $0x4000  }
0x8b: {  	[sflag:s25] =	ssyncset.done $0x0  }
0x8c: {  	[sflag:s25] =	ssyncadd.s32 $0xFFFFC000  }
0x8d: {  	_ =	swait.ge [sflag:s26], $0x4000  }
0x8e: {  	[sflag:s26] =	ssyncset.done $0x0  }
0x8f: {  	[sflag:s26] =	ssyncadd.s32 $0xFFFFC000  }
0x90: {  	_ =	swait.ge [sflag:s28], $0x4000  }
0x91: {  	[sflag:s28] =	ssyncset.done $0x0  }
0x92: {  	[sflag:s28] =	ssyncadd.s32 $0xFFFFC000  }
0x93: {  	_ =	swait.ge [sflag:s29], $0x4000  }
0x94: {  	[sflag:s29] =	ssyncset.done $0x0  }
0x95: {  	[sflag:s29] =	ssyncadd.s32 $0xFFFFC000  }
0x96: {  	[tilespmem:s14], [sflag:$0x9] =	stream.linear.gather [spmem:s6], $0x4000, $0x38;
	[tilespmem:$0x1E800] =	vst v63  }
0x97: {  	_ =	swait.ge [sflag:s12], $0x4000  }
0x98: {  	[sflag:s12] =	ssyncset.done $0x0  }
0x99: {  	[sflag:s12] =	ssyncadd.s32 $0xFFFFC000  }
0x9a: {  	[hbm4b:s9+s3] =	stream.linear.scatter [tilespmem:s14], [sflag:$0x9], $0x4000, $0x38;
	[tilespmem:$0x1E800] =	vst v63  }
0x9b: {  	_ =	swait.ge [sflag:s12], $0x4000  }
0x9c: {  	[sflag:s12] =	ssyncset.done $0x0  }
0x9d: {  	[sflag:s12] =	ssyncadd.s32 $0xFFFFC000  }
0x9e: {  	[tilespmem:s14], [sflag:$0x9] =	stream.linear.gather [spmem:s8], $0x4000, $0x38;
	[tilespmem:$0x1E800] =	vst v63  }
0x9f: {  	s13 =	sadd.s32 $0x1, s13;
	_ =	swait.ge [sflag:s12], $0x4000  }
0xa0: {  	p0 =	sne.s32 s13, s11;
	[sflag:s12] =	ssyncset.done $0x0  }
.Ltmp2:
0xa1: {  	[sflag:s12] =	ssyncadd.s32 $0xFFFFC000;
	(pc) =	sbr.rel @p0 .LBB2_1-.Ltmp2, $4  }
0xa2: {  	[hbm4b:s10+s3] =	stream.linear.scatter [tilespmem:s14], [sflag:$0x9], $0x4000, $0x38;
	[tilespmem:$0x1E800] =	vst v63  }
0xa3: {  	_ =	swait.ge [sflag:s12], $0x4000  }
0xa4: {  	[sflag:s12] =	ssyncset.done $0x0  }
0xa5: {  	[sflag:s12] =	ssyncadd.s32 $0xFFFFC000  }
0xa6: {  	_ =	sfence.sel $0x180000  }
0xa7: {  	[bflag:$0x0] =	sbarrier.arrive $0xFFFF  }
0xa8: {  	_ =	strace $0x90000047  }
0xa9: {  	s0 =	stileid.u32;
	[bflag:$0x2] =	sbarrier.arrive $0xFFFF  }
0xaa: {  	p0 =	sne.s32 s0, $0x0;
	s0 =	rddreg [dreg:$0x3]  }
0xab: {  	s0 =	sadd.s32 @!p0 $0x100000, s0  }
0xac: {  	[sflag:s0] =	ssyncadd.tile.s32 @!p0 $0x1;
	_ =	shalt  }
.Lfunc_end2:
_tile_overlayer_lowered:
.L_overlay_start_2:
0xad: {  	(tag) =	ssettag $0x2  }
0xae: {  	s0 =	rddreg [dreg:$0x0];
	s2 =	stileid.u32  }
0xaf: {  	s1 =	rddreg [dreg:$0x1];
	p0 =	sne.s32 s2, $0x0  }
0xb0: {  	s3 =	rddreg [dreg:$0x2];
	[bflag:$0x3] =	sbarrier.arrive $0xFFFF;
	s2 =	simm.s32 @!p0 $0x1C09  }
0xb1: {  	[timem:s3], [sflag:s2] =	dma.local @!p0 [hbm:s0], s1  }
0xb2: {  	s0 =	simm.s32 @!p0 $0x9  }
0xb3: {  	_ =	swait.ge @!p0 [sflag:s0], s1  }
0xb4: {  	s1 =	ssub.s32 @!p0 $0x0, s1;
	[sflag:s0] =	ssyncset.done @!p0 $0x0  }
0xb5: {  	[sflag:s0] =	ssyncadd.s32 @!p0 s1  }
0xb6: {  	[bflag:$0x3] =	sbarrier.arrive $0xFFFF  }
0xb7: {  	_ =	shalt  }

</sc_bundles>
